<compile_context>
chip_gen: v7x
topology: tpu7x:2x2x1
jax: 0.10.2.dev20260603
libtpu: 0.0.44.dev20260713+nightly
codegen_flags: <defaults>
</compile_context>

<pallas_src>
import jax
import jax.numpy as jnp
from jax import lax
from jax.experimental import pallas as pl
from jax.experimental.pallas import tpu as pltpu
from jax.experimental.pallas import tpu_sc as plsc

N = 10000
NP = 10240
E = 320000
H = 128
G = 64
NC = 2
NS = 16
CH = 128

EPAD = 327680
NCHUNKS = EPAD // CH
NJT = NCHUNKS // (NC * NS)
SL = NJT // 2
STRIPE = NP // NS
NZCH = NP // CH
NBUF = 2
NBUFH = 8


def _sc_prep_body(z_hbm, dst_hbm, ztab_hbm, zeros_hbm, ones_hbm,
                  x_hbm, degp_hbm,
                  z_v, dslab, ones_v, rows_v, hist_sh, sem_g, sem_s):
    cid = lax.axis_index("c")
    sid = lax.axis_index("s")
    wid = cid * NS + sid
    r0 = sid * STRIPE
    c0 = cid * (NCHUNKS // NC) + sid * NJT

    pltpu.sync_copy(zeros_hbm.at[pl.ds(r0, STRIPE)], hist_sh.at[pl.ds(r0, STRIPE)])
    pltpu.sync_copy(dst_hbm.at[pl.ds(c0, NJT)], dslab)
    pltpu.sync_copy(ones_hbm, ones_v)
    plsc.subcore_barrier()

    def hist_group(g, carry):
        for b in range(NBUFH):
            j = g * NBUFH + b
            pltpu.async_copy(ones_v, hist_sh.at[dslab.at[j]], sem_s, add=True)
        for b in range(NBUFH):
            j = g * NBUFH + b
            pltpu.make_async_copy(ones_v, hist_sh.at[dslab.at[j]], sem_s).wait()
        return carry

    lax.fori_loop(0, NJT // NBUFH, hist_group, 0)

    def gath_body(j, carry):
        c = wid + NC * NS * j

        @pl.when(c < NZCH)
        def _():
            base = c * CH
            pltpu.sync_copy(z_hbm.at[pl.ds(base, CH)], z_v)
            pltpu.async_copy(ztab_hbm.at[z_v], rows_v, sem_g).wait()
            pltpu.sync_copy(rows_v, x_hbm.at[pl.ds(base, CH)])
        return carry

    lax.fori_loop(0, (NZCH + NC * NS - 1) // (NC * NS), gath_body, 0)

    plsc.subcore_barrier()
    pltpu.sync_copy(hist_sh.at[pl.ds(r0, STRIPE)],
                    degp_hbm.at[cid, pl.ds(r0, STRIPE)])


_sc_prep = pl.kernel(
    _sc_prep_body,
    out_type=(jax.ShapeDtypeStruct((NP, H), jnp.float32),
              jax.ShapeDtypeStruct((NC, NP, H), jnp.float32)),
    mesh=plsc.VectorSubcoreMesh(core_axis_name="c", subcore_axis_name="s",
                                num_cores=NC, num_subcores=NS),
    scratch_types=(
        pltpu.VMEM((CH,), jnp.int32),
        pltpu.VMEM((NJT, CH), jnp.int32),
        pltpu.VMEM((CH, H), jnp.float32),
        pltpu.VMEM((CH, H), jnp.float32),
        pltpu.VMEM_SHARED((NP, H), jnp.float32),
        pltpu.SemaphoreType.DMA,
        pltpu.SemaphoreType.DMA,
    ),
)


def _sc_agg_body(yp_hbm, src_hbm, dst_hbm, zeros_hbm,
                 accp_hbm,
                 sslab, dslab, rb0, rb1, acc_sh, sm0, sm1):
    cid = lax.axis_index("c")
    sid = lax.axis_index("s")
    r0 = sid * STRIPE
    c0 = cid * (NCHUNKS // NC) + sid * NJT
    rows = (rb0, rb1)
    sems = (sm0, sm1)

    pltpu.sync_copy(zeros_hbm.at[pl.ds(r0, STRIPE)], acc_sh.at[pl.ds(r0, STRIPE)])
    plsc.subcore_barrier()

    for ph in range(NJT // SL):
        pltpu.sync_copy(src_hbm.at[pl.ds(c0 + ph * SL, SL)], sslab)
        pltpu.sync_copy(dst_hbm.at[pl.ds(c0 + ph * SL, SL)], dslab)

        for b in range(NBUF):
            pltpu.async_copy(yp_hbm.at[sslab.at[b]], rows[b], sems[b])

        def group(g, carry):
            for b in range(NBUF):
                j = g * NBUF + b
                pltpu.make_async_copy(yp_hbm.at[sslab.at[j]], rows[b],
                                      sems[b]).wait()
                pltpu.sync_copy(rows[b], acc_sh.at[dslab.at[j]], add=True)

                @pl.when(j + NBUF < SL)
                def _():
                    pltpu.async_copy(yp_hbm.at[sslab.at[j + NBUF]], rows[b],
                                     sems[b])
            return carry

        lax.fori_loop(0, SL // NBUF, group, 0)

    plsc.subcore_barrier()
    pltpu.sync_copy(acc_sh.at[pl.ds(r0, STRIPE)],
                    accp_hbm.at[cid, pl.ds(r0, STRIPE)])


_sc_agg = pl.kernel(
    _sc_agg_body,
    out_type=jax.ShapeDtypeStruct((NC, NP, H), jnp.float32),
    mesh=plsc.VectorSubcoreMesh(core_axis_name="c", subcore_axis_name="s",
                                num_cores=NC, num_subcores=NS),
    scratch_types=(
        pltpu.VMEM((SL, CH), jnp.int32),
        pltpu.VMEM((SL, CH), jnp.int32),
        pltpu.VMEM((CH, H), jnp.float32),
        pltpu.VMEM((CH, H), jnp.float32),
        pltpu.VMEM_SHARED((NP, H), jnp.float32),
        pltpu.SemaphoreType.DMA,
        pltpu.SemaphoreType.DMA,
    ),
)


BR = 1024


def _tc_first_body(x_ref, degp_ref, w_ref, yp_ref, dinv_ref):
    dp = degp_ref[...]
    deg = 1.0 + dp[0, :, 0:1] + dp[1, :, 0:1]
    dinv = lax.rsqrt(deg)
    y = jnp.dot(x_ref[...], w_ref[...], preferred_element_type=jnp.float32)
    yp_ref[...] = y * dinv
    dinv_ref[...] = dinv


_tc_first = pl.pallas_call(
    _tc_first_body,
    grid=(NP // BR,),
    in_specs=[
        pl.BlockSpec((BR, H), lambda i: (i, 0)),
        pl.BlockSpec((NC, BR, H), lambda i: (0, i, 0)),
        pl.BlockSpec((H, H), lambda i: (0, 0)),
    ],
    out_specs=[
        pl.BlockSpec((BR, H), lambda i: (i, 0)),
        pl.BlockSpec((BR, 1), lambda i: (i, 0)),
    ],
    out_shape=[jax.ShapeDtypeStruct((NP, H), jnp.float32),
               jax.ShapeDtypeStruct((NP, 1), jnp.float32)],
)


def _tc_mid_body(accp_ref, yp_ref, dinv_ref, b_ref, w_ref, out_ref):
    a = accp_ref[...]
    dinv = dinv_ref[...]
    x = (a[0] + a[1] + yp_ref[...]) * dinv + b_ref[...]
    x = jnp.maximum(x, 0.0)
    out_ref[...] = jnp.dot(x, w_ref[...],
                           preferred_element_type=jnp.float32) * dinv


_tc_mid = pl.pallas_call(
    _tc_mid_body,
    grid=(NP // BR,),
    in_specs=[
        pl.BlockSpec((NC, BR, H), lambda i: (0, i, 0)),
        pl.BlockSpec((BR, H), lambda i: (i, 0)),
        pl.BlockSpec((BR, 1), lambda i: (i, 0)),
        pl.BlockSpec((1, H), lambda i: (0, 0)),
        pl.BlockSpec((H, H), lambda i: (0, 0)),
    ],
    out_specs=pl.BlockSpec((BR, H), lambda i: (i, 0)),
    out_shape=jax.ShapeDtypeStruct((NP, H), jnp.float32),
)


def _tc_pool_body(accp_ref, yp_ref, dinv_ref, b2_ref, bat_ref,
                  l1w_ref, l1b_ref, l2w_ref, l2b_ref, out_ref):
    a = accp_ref[...]
    x3 = (a[0] + a[1] + yp_ref[...]) * dinv_ref[...] + b2_ref[...]

    bat = bat_ref[...]
    gids = lax.broadcasted_iota(jnp.int32, (G, 1), 0)
    m = (bat < gids).astype(jnp.float32)
    center = jnp.sum(m, axis=1, keepdims=True).astype(jnp.int32)
    cs = jnp.minimum(center, N - 1)
    cd = jnp.minimum(center + 1, N - 1)
    cols = lax.broadcasted_iota(jnp.int32, (1, NP), 1)
    ohs = (cols == cs).astype(jnp.float32)
    ohd = (cols == cd).astype(jnp.float32)
    xs = jnp.dot(ohs, x3, preferred_element_type=jnp.float32)
    xd = jnp.dot(ohd, x3, preferred_element_type=jnp.float32)
    h = xs * xd
    h = jnp.maximum(
        jnp.dot(h, l1w_ref[...], preferred_element_type=jnp.float32)
        + l1b_ref[...], 0.0)
    out_ref[...] = (jnp.dot(h, l2w_ref[...], preferred_element_type=jnp.float32)
                    + l2b_ref[...])


_tc_pool = pl.pallas_call(
    _tc_pool_body,
    out_shape=jax.ShapeDtypeStruct((G, 1), jnp.float32),
)


def kernel(z, edge_index, batch, z_table, W0, b0, W1, b1, W2, b2,
           lin1_W, lin1_b, lin2_W, lin2_b):
    z_pad = jnp.concatenate(
        [z.astype(jnp.int32), jnp.zeros((NP - N,), jnp.int32)])
    pad_i = jnp.arange(EPAD - E, dtype=jnp.int32)
    src = jnp.concatenate(
        [edge_index[0].astype(jnp.int32), pad_i % N]).reshape(-1, CH)
    dst = jnp.concatenate(
        [edge_index[1].astype(jnp.int32), N + pad_i % (NP - N)]).reshape(-1, CH)
    bat_row = jnp.concatenate(
        [batch.astype(jnp.int32), jnp.full((NP - N,), G + 1, jnp.int32)]
    ).reshape(1, NP)

    zeros_nh = jnp.zeros((NP, H), jnp.float32)
    ones_ch = jnp.ones((CH, H), jnp.float32)

    x, degp = _sc_prep(z_pad, dst, z_table, zeros_nh, ones_ch)
    y0p, dinv = _tc_first(x, degp, W0)
    acc0 = _sc_agg(y0p, src, dst, zeros_nh)
    y1p = _tc_mid(acc0, y0p, dinv, b0.reshape(1, H), W1)
    acc1 = _sc_agg(y1p, src, dst, zeros_nh)
    y2p = _tc_mid(acc1, y1p, dinv, b1.reshape(1, H), W2)
    acc2 = _sc_agg(y2p, src, dst, zeros_nh)
    out = _tc_pool(acc2, y2p, dinv, b2.reshape(1, H), bat_row,
                   lin1_W, lin1_b.reshape(1, H), lin2_W,
                   lin2_b.reshape(1, 1))
    return out

# --- scband reference (transcript-rebuilt; emitter-appended) ---
"""Pipeline reference for scband-gcn-46042049413366 (READ-ONLY COPY).

The authoritative reference and input builder live on the scoring server;
editing this copy changes nothing except your own understanding.
"""

import jax, jax.numpy as jnp
import numpy as np

N = 10000
E = 320000
H = 128
MAXZ = 1000
NUM_GRAPHS = 64


def setup_inputs(seed: int = 0):
    key = jax.random.key(seed)
    ks = jax.random.split(key, 16)
    z = jax.random.randint(ks[0], (N,), 0, MAXZ, dtype=jnp.int64 if jax.config.jax_enable_x64 else jnp.int32)
    edge_index = jax.random.randint(ks[1], (2, E), 0, N)
    batch = jnp.sort(jax.random.randint(ks[2], (N,), 0, NUM_GRAPHS))
    z_table = jax.random.normal(ks[3], (MAXZ, H), dtype=jnp.float32) * 0.02
    W0 = jax.random.normal(ks[4], (H, H), dtype=jnp.float32) * (1.0 / np.sqrt(H))
    b0 = jnp.zeros((H,), dtype=jnp.float32)
    W1 = jax.random.normal(ks[5], (H, H), dtype=jnp.float32) * (1.0 / np.sqrt(H))
    b1 = jnp.zeros((H,), dtype=jnp.float32)
    W2 = jax.random.normal(ks[6], (H, H), dtype=jnp.float32) * (1.0 / np.sqrt(H))
    b2 = jnp.zeros((H,), dtype=jnp.float32)
    lin1_W = jax.random.normal(ks[7], (H, H), dtype=jnp.float32) * (1.0 / np.sqrt(H))
    lin1_b = jnp.zeros((H,), dtype=jnp.float32)
    lin2_W = jax.random.normal(ks[8], (H, 1), dtype=jnp.float32) * (1.0 / np.sqrt(H))
    lin2_b = jnp.zeros((1,), dtype=jnp.float32)
    return {"z": z, "edge_index": edge_index, "batch": batch, "z_table": z_table,
            "W0": W0, "b0": b0, "W1": W1, "b1": b1, "W2": W2, "b2": b2,
            "lin1_W": lin1_W, "lin1_b": lin1_b, "lin2_W": lin2_W, "lin2_b": lin2_b}


def gcn_conv(x, edge_index, W, b):
    # PyG GCNConv: add self-loops, symmetric normalization, aggregate src->dst
    n = x.shape[0]
    x = x @ W
    src = edge_index[0]
    dst = edge_index[1]
    loop = jnp.arange(n, dtype=src.dtype)
    src = jnp.concatenate([src, loop])
    dst = jnp.concatenate([dst, loop])
    ones = jnp.ones(dst.shape[0], dtype=x.dtype)
    deg = jnp.zeros((n,), dtype=x.dtype).at[dst].add(ones)
    dinv = jnp.where(deg > 0, jax.lax.rsqrt(jnp.maximum(deg, 1e-12)), 0.0)
    norm = dinv[src] * dinv[dst]
    msgs = x[src] * norm[:, None]
    out = jnp.zeros_like(x).at[dst].add(msgs)
    return out + b


def reference(z, edge_index, batch, z_table, W0, b0, W1, b1, W2, b2, lin1_W, lin1_b, lin2_W, lin2_b):
    # z_embedding lookup (z.ndim == 1, so no sum over dim 1)
    x = z_table[z]
    # fuse == 'plus': single gnn_forward pass
    x = gcn_conv(x, edge_index, W0, b0)
    x = jax.nn.relu(x)  # dropout is identity in eval
    x = gcn_conv(x, edge_index, W1, b1)
    x = jax.nn.relu(x)
    x = gcn_conv(x, edge_index, W2, b2)
    # hadamard pooling: first occurrence index of each graph id
    _, center = jnp.unique(batch, return_index=True, size=NUM_GRAPHS)
    x_src = x[center]
    x_dst = x[center + 1]
    x = x_src * x_dst
    x = jax.nn.relu(x @ lin1_W + lin1_b)
    x = x @ lin2_W + lin2_b
    return x

if __name__ == "__main__":
    import jax
    _d = setup_inputs()
    print(jax.jit(kernel)(*tuple(_d.values())))

</pallas_src>

<mosaic_0001>
#map = affine_map<(d0, d1) -> (0, 0)>
#map1 = affine_map<(d0, d1) -> (0, 0, 0)>
module attributes {stable_mosaic.version = 14 : i64} {
  func.func @_sc_agg_body(%arg0: i32, %arg1: i32, %arg2: memref<10240x128xf32, #tpu.memory_space<hbm>>, %arg3: memref<2560x128xi32, #tpu.memory_space<hbm>>, %arg4: memref<2560x128xi32, #tpu.memory_space<hbm>>, %arg5: memref<10240x128xf32, #tpu.memory_space<hbm>>, %arg6: memref<2x10240x128xf32, #tpu.memory_space<hbm>>, %arg7: memref<40x128xi32, #tpu.memory_space<vmem>>, %arg8: memref<40x128xi32, #tpu.memory_space<vmem>>, %arg9: memref<128x128xf32, #tpu.memory_space<vmem>>, %arg10: memref<128x128xf32, #tpu.memory_space<vmem>>, %arg11: memref<10240x128xf32, #tpu.memory_space<vmem_shared>>, %arg12: memref<!tpu.dma_semaphore, #tpu.memory_space<semaphore_mem>>, %arg13: memref<!tpu.dma_semaphore, #tpu.memory_space<semaphore_mem>>) attributes {dimension_semantics = [#tpu.dimension_semantics<core_parallel>, #tpu.dimension_semantics<subcore_parallel>], iteration_bounds = array<i64: 2, 16>, scalar_prefetch = 0 : i64, scratch_operands = 7 : i64, tpu.core_type = #tpu.core_type<sc_vector_subcore>, window_params = [{transform_indices = #map}, {transform_indices = #map}, {transform_indices = #map}, {transform_indices = #map}, {transform_indices = #map1}]} {
    %mul3A = arith.constant 640 : i32
    %mul3A_0 = arith.muli %arg1, %mul3A : i32
    %mul3A_1 = arith.constant 1280 : i32
    %mul3A_2 = arith.muli %arg0, %mul3A_1 : i32
    %mul3A_3 = arith.constant 80 : i32
    %mul3A_4 = arith.muli %arg1, %mul3A_3 : i32
    %add3A = arith.addi %mul3A_2, %mul3A_4 : i32
    "tpu.region"() ({
      %run_scoped3A = tpu.sem_alloc : memref<!tpu.dma_semaphore, #tpu.memory_space<semaphore_mem>>
      %dma_start3A_52 = arith.constant 0 : i32
      %dma_start3A_53 = tpu.memref_slice %arg11[%mul3A_0, %dma_start3A_52] : memref<10240x128xf32, #tpu.memory_space<vmem_shared>> -> memref<640x128xf32, #tpu.memory_space<vmem_shared>>
      %dma_start3A_54 = arith.constant 0 : i32
      %dma_start3A_55 = tpu.memref_slice %arg5[%mul3A_0, %dma_start3A_54] : memref<10240x128xf32, #tpu.memory_space<hbm>> -> memref<640x128xf32, #tpu.memory_space<hbm>>
      tpu.enqueue_dma source(%dma_start3A_55 : memref<640x128xf32, #tpu.memory_space<hbm>>) target(%dma_start3A_53 : memref<640x128xf32, #tpu.memory_space<vmem_shared>>) target_semaphore(%run_scoped3A : memref<!tpu.dma_semaphore, #tpu.memory_space<semaphore_mem>>)
      %dma_wait3A = arith.constant 0 : i32
      %dma_wait3A_56 = tpu.memref_slice %arg11[%mul3A_0, %dma_wait3A] : memref<10240x128xf32, #tpu.memory_space<vmem_shared>> -> memref<640x128xf32, #tpu.memory_space<vmem_shared>>
      %dma_wait3A_57 = arith.constant 0 : i32
      %dma_wait3A_58 = tpu.memref_slice %arg5[%mul3A_0, %dma_wait3A_57] : memref<10240x128xf32, #tpu.memory_space<hbm>> -> memref<640x128xf32, #tpu.memory_space<hbm>>
      tpu.wait_dma2 semaphore(%run_scoped3A : memref<!tpu.dma_semaphore, #tpu.memory_space<semaphore_mem>>) src(%dma_wait3A_58 : memref<640x128xf32, #tpu.memory_space<hbm>>) dst(%dma_wait3A_56 : memref<640x128xf32, #tpu.memory_space<vmem_shared>>)
      tpu.yield
    }) : () -> ()
    %barrier3A = arith.constant 0 : index
    tpu.barrier barrier_id(%barrier3A)
    %add3A_5 = arith.constant 0 : i32
    %add3A_6 = arith.addi %add3A, %add3A_5 : i32
    "tpu.region"() ({
      %run_scoped3A = tpu.sem_alloc : memref<!tpu.dma_semaphore, #tpu.memory_space<semaphore_mem>>
      %dma_start3A_52 = arith.constant 0 : i32
      %dma_start3A_53 = tpu.memref_slice %arg3[%add3A_6, %dma_start3A_52] : memref<2560x128xi32, #tpu.memory_space<hbm>> -> memref<40x128xi32, #tpu.memory_space<hbm>>
      %dma_start3A_54 = arith.constant 0 : i32
      %dma_start3A_55 = tpu.memref_slice %arg3[%add3A_6, %dma_start3A_54] : memref<2560x128xi32, #tpu.memory_space<hbm>> -> memref<40x128xi32, #tpu.memory_space<hbm>>
      tpu.enqueue_dma source(%dma_start3A_55 : memref<40x128xi32, #tpu.memory_space<hbm>>) target(%arg7 : memref<40x128xi32, #tpu.memory_space<vmem>>) target_semaphore(%run_scoped3A : memref<!tpu.dma_semaphore, #tpu.memory_space<semaphore_mem>>)
      %dma_wait3A = arith.constant 0 : i32
      %dma_wait3A_56 = tpu.memref_slice %arg3[%add3A_6, %dma_wait3A] : memref<2560x128xi32, #tpu.memory_space<hbm>> -> memref<40x128xi32, #tpu.memory_space<hbm>>
      %dma_wait3A_57 = arith.constant 0 : i32
      %dma_wait3A_58 = tpu.memref_slice %arg3[%add3A_6, %dma_wait3A_57] : memref<2560x128xi32, #tpu.memory_space<hbm>> -> memref<40x128xi32, #tpu.memory_space<hbm>>
      tpu.wait_dma2 semaphore(%run_scoped3A : memref<!tpu.dma_semaphore, #tpu.memory_space<semaphore_mem>>) src(%dma_wait3A_58 : memref<40x128xi32, #tpu.memory_space<hbm>>) dst(%arg7 : memref<40x128xi32, #tpu.memory_space<vmem>>)
      tpu.yield
    }) : () -> ()
    %add3A_7 = arith.constant 0 : i32
    %add3A_8 = arith.addi %add3A, %add3A_7 : i32
    "tpu.region"() ({
      %run_scoped3A = tpu.sem_alloc : memref<!tpu.dma_semaphore, #tpu.memory_space<semaphore_mem>>
      %dma_start3A_52 = arith.constant 0 : i32
      %dma_start3A_53 = tpu.memref_slice %arg4[%add3A_8, %dma_start3A_52] : memref<2560x128xi32, #tpu.memory_space<hbm>> -> memref<40x128xi32, #tpu.memory_space<hbm>>
      %dma_start3A_54 = arith.constant 0 : i32
      %dma_start3A_55 = tpu.memref_slice %arg4[%add3A_8, %dma_start3A_54] : memref<2560x128xi32, #tpu.memory_space<hbm>> -> memref<40x128xi32, #tpu.memory_space<hbm>>
      tpu.enqueue_dma source(%dma_start3A_55 : memref<40x128xi32, #tpu.memory_space<hbm>>) target(%arg8 : memref<40x128xi32, #tpu.memory_space<vmem>>) target_semaphore(%run_scoped3A : memref<!tpu.dma_semaphore, #tpu.memory_space<semaphore_mem>>)
      %dma_wait3A = arith.constant 0 : i32
      %dma_wait3A_56 = tpu.memref_slice %arg4[%add3A_8, %dma_wait3A] : memref<2560x128xi32, #tpu.memory_space<hbm>> -> memref<40x128xi32, #tpu.memory_space<hbm>>
      %dma_wait3A_57 = arith.constant 0 : i32
      %dma_wait3A_58 = tpu.memref_slice %arg4[%add3A_8, %dma_wait3A_57] : memref<2560x128xi32, #tpu.memory_space<hbm>> -> memref<40x128xi32, #tpu.memory_space<hbm>>
      tpu.wait_dma2 semaphore(%run_scoped3A : memref<!tpu.dma_semaphore, #tpu.memory_space<semaphore_mem>>) src(%dma_wait3A_58 : memref<40x128xi32, #tpu.memory_space<hbm>>) dst(%arg8 : memref<40x128xi32, #tpu.memory_space<vmem>>)
      tpu.yield
    }) : () -> ()
    %dma_start3A = arith.constant 0 : i32
    %dma_start3A_9 = arith.constant 0 : i32
    %dma_start3A_10 = tpu.memref_slice %arg7[%dma_start3A, %dma_start3A_9] : memref<40x128xi32, #tpu.memory_space<vmem>> -> memref<1x128xi32, #tpu.memory_space<vmem>>
    %dma_start3A_11 = tpu.memref_squeeze %dma_start3A_10 : memref<1x128xi32, #tpu.memory_space<vmem>> -> memref<128xi32, #tpu.memory_space<vmem>>
    %dma_start3A_12 = arith.constant 0 : i32
    %dma_start3A_13 = arith.constant 0 : i32
    %dma_start3A_14 = tpu.memref_slice %arg2[%dma_start3A_12, %dma_start3A_13] : memref<10240x128xf32, #tpu.memory_space<hbm>> -> memref<10240x128xf32, #tpu.memory_space<hbm>>
    tpu.enqueue_indirect_dma source(%dma_start3A_14 : memref<10240x128xf32, #tpu.memory_space<hbm>>) target(%arg9 : memref<128x128xf32, #tpu.memory_space<vmem>>) offsets(%dma_start3A_11 : memref<128xi32, #tpu.memory_space<vmem>>) semaphore(%arg12 : memref<!tpu.dma_semaphore, #tpu.memory_space<semaphore_mem>>)
    %dma_start3A_15 = arith.constant 1 : i32
    %dma_start3A_16 = arith.constant 0 : i32
    %dma_start3A_17 = tpu.memref_slice %arg7[%dma_start3A_15, %dma_start3A_16] : memref<40x128xi32, #tpu.memory_space<vmem>> -> memref<1x128xi32, #tpu.memory_space<vmem>>
    %dma_start3A_18 = tpu.memref_squeeze %dma_start3A_17 : memref<1x128xi32, #tpu.memory_space<vmem>> -> memref<128xi32, #tpu.memory_space<vmem>>
    %dma_start3A_19 = arith.constant 0 : i32
    %dma_start3A_20 = arith.constant 0 : i32
    %dma_start3A_21 = tpu.memref_slice %arg2[%dma_start3A_19, %dma_start3A_20] : memref<10240x128xf32, #tpu.memory_space<hbm>> -> memref<10240x128xf32, #tpu.memory_space<hbm>>
    tpu.enqueue_indirect_dma source(%dma_start3A_21 : memref<10240x128xf32, #tpu.memory_space<hbm>>) target(%arg10 : memref<128x128xf32, #tpu.memory_space<vmem>>) offsets(%dma_start3A_18 : memref<128xi32, #tpu.memory_space<vmem>>) semaphore(%arg13 : memref<!tpu.dma_semaphore, #tpu.memory_space<semaphore_mem>>)
    %scan3A = arith.constant 0 : i32
    %scan3A_22 = arith.constant 0 : i32
    %scan3A_23 = arith.constant 20 : i32
    %scan3A_24 = arith.addi %scan3A_22, %scan3A_23 : i32
    %scan3A_25 = arith.constant 1 : i32
    scf.for %scan3A_52 = %scan3A_22 to %scan3A_24 step %scan3A_25  : i32 {
      %mul3A_53 = arith.constant 2 : i32
      %mul3A_54 = arith.muli %scan3A_52, %mul3A_53 : i32
      %add3A_55 = arith.constant 0 : i32
      %add3A_56 = arith.addi %mul3A_54, %add3A_55 : i32
      %dma_wait3A = arith.constant 0 : i32
      %dma_wait3A_57 = tpu.memref_slice %arg7[%add3A_56, %dma_wait3A] : memref<40x128xi32, #tpu.memory_space<vmem>> -> memref<1x128xi32, #tpu.memory_space<vmem>>
      %dma_wait3A_58 = tpu.memref_squeeze %dma_wait3A_57 : memref<1x128xi32, #tpu.memory_space<vmem>> -> memref<128xi32, #tpu.memory_space<vmem>>
      %dma_wait3A_59 = arith.constant 0 : i32
      %dma_wait3A_60 = arith.constant 0 : i32
      %dma_wait3A_61 = tpu.memref_slice %arg2[%dma_wait3A_59, %dma_wait3A_60] : memref<10240x128xf32, #tpu.memory_space<hbm>> -> memref<10240x128xf32, #tpu.memory_space<hbm>>
      tpu.wait_indirect_dma semaphore(%arg12 : memref<!tpu.dma_semaphore, #tpu.memory_space<semaphore_mem>>) src(%dma_wait3A_61 : memref<10240x128xf32, #tpu.memory_space<hbm>>) dst(%arg9 : memref<128x128xf32, #tpu.memory_space<vmem>>)
      "tpu.region"() ({
        %run_scoped3A = tpu.sem_alloc : memref<!tpu.dma_semaphore, #tpu.memory_space<semaphore_mem>>
        %dma_start3A_83 = arith.constant 0 : i32
        %dma_start3A_84 = tpu.memref_slice %arg8[%add3A_56, %dma_start3A_83] : memref<40x128xi32, #tpu.memory_space<vmem>> -> memref<1x128xi32, #tpu.memory_space<vmem>>
        %dma_start3A_85 = tpu.memref_squeeze %dma_start3A_84 : memref<1x128xi32, #tpu.memory_space<vmem>> -> memref<128xi32, #tpu.memory_space<vmem>>
        %dma_start3A_86 = arith.constant 0 : i32
        %dma_start3A_87 = arith.constant 0 : i32
        %dma_start3A_88 = tpu.memref_slice %arg11[%dma_start3A_86, %dma_start3A_87] : memref<10240x128xf32, #tpu.memory_space<vmem_shared>> -> memref<10240x128xf32, #tpu.memory_space<vmem_shared>>
        tpu.enqueue_indirect_dma source(%arg9 : memref<128x128xf32, #tpu.memory_space<vmem>>) target(%dma_start3A_88 : memref<10240x128xf32, #tpu.memory_space<vmem_shared>>) offsets(%dma_start3A_85 : memref<128xi32, #tpu.memory_space<vmem>>) semaphore(%run_scoped3A : memref<!tpu.dma_semaphore, #tpu.memory_space<semaphore_mem>>) {add = true}
        %dma_wait3A_89 = arith.constant 0 : i32
        %dma_wait3A_90 = tpu.memref_slice %arg8[%add3A_56, %dma_wait3A_89] : memref<40x128xi32, #tpu.memory_space<vmem>> -> memref<1x128xi32, #tpu.memory_space<vmem>>
        %dma_wait3A_91 = tpu.memref_squeeze %dma_wait3A_90 : memref<1x128xi32, #tpu.memory_space<vmem>> -> memref<128xi32, #tpu.memory_space<vmem>>
        %dma_wait3A_92 = arith.constant 0 : i32
        %dma_wait3A_93 = arith.constant 0 : i32
        %dma_wait3A_94 = tpu.memref_slice %arg11[%dma_wait3A_92, %dma_wait3A_93] : memref<10240x128xf32, #tpu.memory_space<vmem_shared>> -> memref<10240x128xf32, #tpu.memory_space<vmem_shared>>
        tpu.wait_indirect_dma semaphore(%run_scoped3A : memref<!tpu.dma_semaphore, #tpu.memory_space<semaphore_mem>>) src(%arg9 : memref<128x128xf32, #tpu.memory_space<vmem>>) dst(%dma_wait3A_94 : memref<10240x128xf32, #tpu.memory_space<vmem_shared>>)
        tpu.yield
      }) : () -> ()
      %add3A_62 = arith.constant 2 : i32
      %add3A_63 = arith.addi %add3A_56, %add3A_62 : i32
      %lt3A = arith.constant 40 : i32
      %lt3A_64 = arith.cmpi slt, %add3A_63, %lt3A : i32
      %convert_element_type3A = arith.extui %lt3A_64 : i1 to i32
      %cond3A = arith.constant 0 : i32
      %cond3A_65 = arith.cmpi ne, %convert_element_type3A, %cond3A : i32
      scf.if %cond3A_65 {
        %add3A_83 = arith.constant 2 : i32
        %add3A_84 = arith.addi %add3A_56, %add3A_83 : i32
        %dma_start3A_85 = arith.constant 0 : i32
        %dma_start3A_86 = tpu.memref_slice %arg7[%add3A_84, %dma_start3A_85] : memref<40x128xi32, #tpu.memory_space<vmem>> -> memref<1x128xi32, #tpu.memory_space<vmem>>
        %dma_start3A_87 = tpu.memref_squeeze %dma_start3A_86 : memref<1x128xi32, #tpu.memory_space<vmem>> -> memref<128xi32, #tpu.memory_space<vmem>>
        %dma_start3A_88 = arith.constant 0 : i32
        %dma_start3A_89 = arith.constant 0 : i32
        %dma_start3A_90 = tpu.memref_slice %arg2[%dma_start3A_88, %dma_start3A_89] : memref<10240x128xf32, #tpu.memory_space<hbm>> -> memref<10240x128xf32, #tpu.memory_space<hbm>>
        tpu.enqueue_indirect_dma source(%dma_start3A_90 : memref<10240x128xf32, #tpu.memory_space<hbm>>) target(%arg9 : memref<128x128xf32, #tpu.memory_space<vmem>>) offsets(%dma_start3A_87 : memref<128xi32, #tpu.memory_space<vmem>>) semaphore(%arg12 : memref<!tpu.dma_semaphore, #tpu.memory_space<semaphore_mem>>)
      } else {
      }
      %mul3A_66 = arith.constant 2 : i32
      %mul3A_67 = arith.muli %scan3A_52, %mul3A_66 : i32
      %add3A_68 = arith.constant 1 : i32
      %add3A_69 = arith.addi %mul3A_67, %add3A_68 : i32
      %dma_wait3A_70 = arith.constant 0 : i32
      %dma_wait3A_71 = tpu.memref_slice %arg7[%add3A_69, %dma_wait3A_70] : memref<40x128xi32, #tpu.memory_space<vmem>> -> memref<1x128xi32, #tpu.memory_space<vmem>>
      %dma_wait3A_72 = tpu.memref_squeeze %dma_wait3A_71 : memref<1x128xi32, #tpu.memory_space<vmem>> -> memref<128xi32, #tpu.memory_space<vmem>>
      %dma_wait3A_73 = arith.constant 0 : i32
      %dma_wait3A_74 = arith.constant 0 : i32
      %dma_wait3A_75 = tpu.memref_slice %arg2[%dma_wait3A_73, %dma_wait3A_74] : memref<10240x128xf32, #tpu.memory_space<hbm>> -> memref<10240x128xf32, #tpu.memory_space<hbm>>
      tpu.wait_indirect_dma semaphore(%arg13 : memref<!tpu.dma_semaphore, #tpu.memory_space<semaphore_mem>>) src(%dma_wait3A_75 : memref<10240x128xf32, #tpu.memory_space<hbm>>) dst(%arg10 : memref<128x128xf32, #tpu.memory_space<vmem>>)
      "tpu.region"() ({
        %run_scoped3A = tpu.sem_alloc : memref<!tpu.dma_semaphore, #tpu.memory_space<semaphore_mem>>
        %dma_start3A_83 = arith.constant 0 : i32
        %dma_start3A_84 = tpu.memref_slice %arg8[%add3A_69, %dma_start3A_83] : memref<40x128xi32, #tpu.memory_space<vmem>> -> memref<1x128xi32, #tpu.memory_space<vmem>>
        %dma_start3A_85 = tpu.memref_squeeze %dma_start3A_84 : memref<1x128xi32, #tpu.memory_space<vmem>> -> memref<128xi32, #tpu.memory_space<vmem>>
        %dma_start3A_86 = arith.constant 0 : i32
        %dma_start3A_87 = arith.constant 0 : i32
        %dma_start3A_88 = tpu.memref_slice %arg11[%dma_start3A_86, %dma_start3A_87] : memref<10240x128xf32, #tpu.memory_space<vmem_shared>> -> memref<10240x128xf32, #tpu.memory_space<vmem_shared>>
        tpu.enqueue_indirect_dma source(%arg10 : memref<128x128xf32, #tpu.memory_space<vmem>>) target(%dma_start3A_88 : memref<10240x128xf32, #tpu.memory_space<vmem_shared>>) offsets(%dma_start3A_85 : memref<128xi32, #tpu.memory_space<vmem>>) semaphore(%run_scoped3A : memref<!tpu.dma_semaphore, #tpu.memory_space<semaphore_mem>>) {add = true}
        %dma_wait3A_89 = arith.constant 0 : i32
        %dma_wait3A_90 = tpu.memref_slice %arg8[%add3A_69, %dma_wait3A_89] : memref<40x128xi32, #tpu.memory_space<vmem>> -> memref<1x128xi32, #tpu.memory_space<vmem>>
        %dma_wait3A_91 = tpu.memref_squeeze %dma_wait3A_90 : memref<1x128xi32, #tpu.memory_space<vmem>> -> memref<128xi32, #tpu.memory_space<vmem>>
        %dma_wait3A_92 = arith.constant 0 : i32
        %dma_wait3A_93 = arith.constant 0 : i32
        %dma_wait3A_94 = tpu.memref_slice %arg11[%dma_wait3A_92, %dma_wait3A_93] : memref<10240x128xf32, #tpu.memory_space<vmem_shared>> -> memref<10240x128xf32, #tpu.memory_space<vmem_shared>>
        tpu.wait_indirect_dma semaphore(%run_scoped3A : memref<!tpu.dma_semaphore, #tpu.memory_space<semaphore_mem>>) src(%arg10 : memref<128x128xf32, #tpu.memory_space<vmem>>) dst(%dma_wait3A_94 : memref<10240x128xf32, #tpu.memory_space<vmem_shared>>)
        tpu.yield
      }) : () -> ()
      %add3A_76 = arith.constant 2 : i32
      %add3A_77 = arith.addi %add3A_69, %add3A_76 : i32
      %lt3A_78 = arith.constant 40 : i32
      %lt3A_79 = arith.cmpi slt, %add3A_77, %lt3A_78 : i32
      %convert_element_type3A_80 = arith.extui %lt3A_79 : i1 to i32
      %cond3A_81 = arith.constant 0 : i32
      %cond3A_82 = arith.cmpi ne, %convert_element_type3A_80, %cond3A_81 : i32
      scf.if %cond3A_82 {
        %add3A_83 = arith.constant 2 : i32
        %add3A_84 = arith.addi %add3A_69, %add3A_83 : i32
        %dma_start3A_85 = arith.constant 0 : i32
        %dma_start3A_86 = tpu.memref_slice %arg7[%add3A_84, %dma_start3A_85] : memref<40x128xi32, #tpu.memory_space<vmem>> -> memref<1x128xi32, #tpu.memory_space<vmem>>
        %dma_start3A_87 = tpu.memref_squeeze %dma_start3A_86 : memref<1x128xi32, #tpu.memory_space<vmem>> -> memref<128xi32, #tpu.memory_space<vmem>>
        %dma_start3A_88 = arith.constant 0 : i32
        %dma_start3A_89 = arith.constant 0 : i32
        %dma_start3A_90 = tpu.memref_slice %arg2[%dma_start3A_88, %dma_start3A_89] : memref<10240x128xf32, #tpu.memory_space<hbm>> -> memref<10240x128xf32, #tpu.memory_space<hbm>>
        tpu.enqueue_indirect_dma source(%dma_start3A_90 : memref<10240x128xf32, #tpu.memory_space<hbm>>) target(%arg10 : memref<128x128xf32, #tpu.memory_space<vmem>>) offsets(%dma_start3A_87 : memref<128xi32, #tpu.memory_space<vmem>>) semaphore(%arg13 : memref<!tpu.dma_semaphore, #tpu.memory_space<semaphore_mem>>)
      } else {
      }
    }
    %scan3A_26 = arith.constant 20 : i32
    %add3A_27 = arith.constant 40 : i32
    %add3A_28 = arith.addi %add3A, %add3A_27 : i32
    "tpu.region"() ({
      %run_scoped3A = tpu.sem_alloc : memref<!tpu.dma_semaphore, #tpu.memory_space<semaphore_mem>>
      %dma_start3A_52 = arith.constant 0 : i32
      %dma_start3A_53 = tpu.memref_slice %arg3[%add3A_28, %dma_start3A_52] : memref<2560x128xi32, #tpu.memory_space<hbm>> -> memref<40x128xi32, #tpu.memory_space<hbm>>
      %dma_start3A_54 = arith.constant 0 : i32
      %dma_start3A_55 = tpu.memref_slice %arg3[%add3A_28, %dma_start3A_54] : memref<2560x128xi32, #tpu.memory_space<hbm>> -> memref<40x128xi32, #tpu.memory_space<hbm>>
      tpu.enqueue_dma source(%dma_start3A_55 : memref<40x128xi32, #tpu.memory_space<hbm>>) target(%arg7 : memref<40x128xi32, #tpu.memory_space<vmem>>) target_semaphore(%run_scoped3A : memref<!tpu.dma_semaphore, #tpu.memory_space<semaphore_mem>>)
      %dma_wait3A = arith.constant 0 : i32
      %dma_wait3A_56 = tpu.memref_slice %arg3[%add3A_28, %dma_wait3A] : memref<2560x128xi32, #tpu.memory_space<hbm>> -> memref<40x128xi32, #tpu.memory_space<hbm>>
      %dma_wait3A_57 = arith.constant 0 : i32
      %dma_wait3A_58 = tpu.memref_slice %arg3[%add3A_28, %dma_wait3A_57] : memref<2560x128xi32, #tpu.memory_space<hbm>> -> memref<40x128xi32, #tpu.memory_space<hbm>>
      tpu.wait_dma2 semaphore(%run_scoped3A : memref<!tpu.dma_semaphore, #tpu.memory_space<semaphore_mem>>) src(%dma_wait3A_58 : memref<40x128xi32, #tpu.memory_space<hbm>>) dst(%arg7 : memref<40x128xi32, #tpu.memory_space<vmem>>)
      tpu.yield
    }) : () -> ()
    %add3A_29 = arith.constant 40 : i32
    %add3A_30 = arith.addi %add3A, %add3A_29 : i32
    "tpu.region"() ({
      %run_scoped3A = tpu.sem_alloc : memref<!tpu.dma_semaphore, #tpu.memory_space<semaphore_mem>>
      %dma_start3A_52 = arith.constant 0 : i32
      %dma_start3A_53 = tpu.memref_slice %arg4[%add3A_30, %dma_start3A_52] : memref<2560x128xi32, #tpu.memory_space<hbm>> -> memref<40x128xi32, #tpu.memory_space<hbm>>
      %dma_start3A_54 = arith.constant 0 : i32
      %dma_start3A_55 = tpu.memref_slice %arg4[%add3A_30, %dma_start3A_54] : memref<2560x128xi32, #tpu.memory_space<hbm>> -> memref<40x128xi32, #tpu.memory_space<hbm>>
      tpu.enqueue_dma source(%dma_start3A_55 : memref<40x128xi32, #tpu.memory_space<hbm>>) target(%arg8 : memref<40x128xi32, #tpu.memory_space<vmem>>) target_semaphore(%run_scoped3A : memref<!tpu.dma_semaphore, #tpu.memory_space<semaphore_mem>>)
      %dma_wait3A = arith.constant 0 : i32
      %dma_wait3A_56 = tpu.memref_slice %arg4[%add3A_30, %dma_wait3A] : memref<2560x128xi32, #tpu.memory_space<hbm>> -> memref<40x128xi32, #tpu.memory_space<hbm>>
      %dma_wait3A_57 = arith.constant 0 : i32
      %dma_wait3A_58 = tpu.memref_slice %arg4[%add3A_30, %dma_wait3A_57] : memref<2560x128xi32, #tpu.memory_space<hbm>> -> memref<40x128xi32, #tpu.memory_space<hbm>>
      tpu.wait_dma2 semaphore(%run_scoped3A : memref<!tpu.dma_semaphore, #tpu.memory_space<semaphore_mem>>) src(%dma_wait3A_58 : memref<40x128xi32, #tpu.memory_space<hbm>>) dst(%arg8 : memref<40x128xi32, #tpu.memory_space<vmem>>)
      tpu.yield
    }) : () -> ()
    %dma_start3A_31 = arith.constant 0 : i32
    %dma_start3A_32 = arith.constant 0 : i32
    %dma_start3A_33 = tpu.memref_slice %arg7[%dma_start3A_31, %dma_start3A_32] : memref<40x128xi32, #tpu.memory_space<vmem>> -> memref<1x128xi32, #tpu.memory_space<vmem>>
    %dma_start3A_34 = tpu.memref_squeeze %dma_start3A_33 : memref<1x128xi32, #tpu.memory_space<vmem>> -> memref<128xi32, #tpu.memory_space<vmem>>
    %dma_start3A_35 = arith.constant 0 : i32
    %dma_start3A_36 = arith.constant 0 : i32
    %dma_start3A_37 = tpu.memref_slice %arg2[%dma_start3A_35, %dma_start3A_36] : memref<10240x128xf32, #tpu.memory_space<hbm>> -> memref<10240x128xf32, #tpu.memory_space<hbm>>
    tpu.enqueue_indirect_dma source(%dma_start3A_37 : memref<10240x128xf32, #tpu.memory_space<hbm>>) target(%arg9 : memref<128x128xf32, #tpu.memory_space<vmem>>) offsets(%dma_start3A_34 : memref<128xi32, #tpu.memory_space<vmem>>) semaphore(%arg12 : memref<!tpu.dma_semaphore, #tpu.memory_space<semaphore_mem>>)
    %dma_start3A_38 = arith.constant 1 : i32
    %dma_start3A_39 = arith.constant 0 : i32
    %dma_start3A_40 = tpu.memref_slice %arg7[%dma_start3A_38, %dma_start3A_39] : memref<40x128xi32, #tpu.memory_space<vmem>> -> memref<1x128xi32, #tpu.memory_space<vmem>>
    %dma_start3A_41 = tpu.memref_squeeze %dma_start3A_40 : memref<1x128xi32, #tpu.memory_space<vmem>> -> memref<128xi32, #tpu.memory_space<vmem>>
    %dma_start3A_42 = arith.constant 0 : i32
    %dma_start3A_43 = arith.constant 0 : i32
    %dma_start3A_44 = tpu.memref_slice %arg2[%dma_start3A_42, %dma_start3A_43] : memref<10240x128xf32, #tpu.memory_space<hbm>> -> memref<10240x128xf32, #tpu.memory_space<hbm>>
    tpu.enqueue_indirect_dma source(%dma_start3A_44 : memref<10240x128xf32, #tpu.memory_space<hbm>>) target(%arg10 : memref<128x128xf32, #tpu.memory_space<vmem>>) offsets(%dma_start3A_41 : memref<128xi32, #tpu.memory_space<vmem>>) semaphore(%arg13 : memref<!tpu.dma_semaphore, #tpu.memory_space<semaphore_mem>>)
    %scan3A_45 = arith.constant 0 : i32
    %scan3A_46 = arith.constant 0 : i32
    %scan3A_47 = arith.constant 20 : i32
    %scan3A_48 = arith.addi %scan3A_46, %scan3A_47 : i32
    %scan3A_49 = arith.constant 1 : i32
    scf.for %scan3A_52 = %scan3A_46 to %scan3A_48 step %scan3A_49  : i32 {
      %mul3A_53 = arith.constant 2 : i32
      %mul3A_54 = arith.muli %scan3A_52, %mul3A_53 : i32
      %add3A_55 = arith.constant 0 : i32
      %add3A_56 = arith.addi %mul3A_54, %add3A_55 : i32
      %dma_wait3A = arith.constant 0 : i32
      %dma_wait3A_57 = tpu.memref_slice %arg7[%add3A_56, %dma_wait3A] : memref<40x128xi32, #tpu.memory_space<vmem>> -> memref<1x128xi32, #tpu.memory_space<vmem>>
      %dma_wait3A_58 = tpu.memref_squeeze %dma_wait3A_57 : memref<1x128xi32, #tpu.memory_space<vmem>> -> memref<128xi32, #tpu.memory_space<vmem>>
      %dma_wait3A_59 = arith.constant 0 : i32
      %dma_wait3A_60 = arith.constant 0 : i32
      %dma_wait3A_61 = tpu.memref_slice %arg2[%dma_wait3A_59, %dma_wait3A_60] : memref<10240x128xf32, #tpu.memory_space<hbm>> -> memref<10240x128xf32, #tpu.memory_space<hbm>>
      tpu.wait_indirect_dma semaphore(%arg12 : memref<!tpu.dma_semaphore, #tpu.memory_space<semaphore_mem>>) src(%dma_wait3A_61 : memref<10240x128xf32, #tpu.memory_space<hbm>>) dst(%arg9 : memref<128x128xf32, #tpu.memory_space<vmem>>)
      "tpu.region"() ({
        %run_scoped3A = tpu.sem_alloc : memref<!tpu.dma_semaphore, #tpu.memory_space<semaphore_mem>>
        %dma_start3A_83 = arith.constant 0 : i32
        %dma_start3A_84 = tpu.memref_slice %arg8[%add3A_56, %dma_start3A_83] : memref<40x128xi32, #tpu.memory_space<vmem>> -> memref<1x128xi32, #tpu.memory_space<vmem>>
        %dma_start3A_85 = tpu.memref_squeeze %dma_start3A_84 : memref<1x128xi32, #tpu.memory_space<vmem>> -> memref<128xi32, #tpu.memory_space<vmem>>
        %dma_start3A_86 = arith.constant 0 : i32
        %dma_start3A_87 = arith.constant 0 : i32
        %dma_start3A_88 = tpu.memref_slice %arg11[%dma_start3A_86, %dma_start3A_87] : memref<10240x128xf32, #tpu.memory_space<vmem_shared>> -> memref<10240x128xf32, #tpu.memory_space<vmem_shared>>
        tpu.enqueue_indirect_dma source(%arg9 : memref<128x128xf32, #tpu.memory_space<vmem>>) target(%dma_start3A_88 : memref<10240x128xf32, #tpu.memory_space<vmem_shared>>) offsets(%dma_start3A_85 : memref<128xi32, #tpu.memory_space<vmem>>) semaphore(%run_scoped3A : memref<!tpu.dma_semaphore, #tpu.memory_space<semaphore_mem>>) {add = true}
        %dma_wait3A_89 = arith.constant 0 : i32
        %dma_wait3A_90 = tpu.memref_slice %arg8[%add3A_56, %dma_wait3A_89] : memref<40x128xi32, #tpu.memory_space<vmem>> -> memref<1x128xi32, #tpu.memory_space<vmem>>
        %dma_wait3A_91 = tpu.memref_squeeze %dma_wait3A_90 : memref<1x128xi32, #tpu.memory_space<vmem>> -> memref<128xi32, #tpu.memory_space<vmem>>
        %dma_wait3A_92 = arith.constant 0 : i32
        %dma_wait3A_93 = arith.constant 0 : i32
        %dma_wait3A_94 = tpu.memref_slice %arg11[%dma_wait3A_92, %dma_wait3A_93] : memref<10240x128xf32, #tpu.memory_space<vmem_shared>> -> memref<10240x128xf32, #tpu.memory_space<vmem_shared>>
        tpu.wait_indirect_dma semaphore(%run_scoped3A : memref<!tpu.dma_semaphore, #tpu.memory_space<semaphore_mem>>) src(%arg9 : memref<128x128xf32, #tpu.memory_space<vmem>>) dst(%dma_wait3A_94 : memref<10240x128xf32, #tpu.memory_space<vmem_shared>>)
        tpu.yield
      }) : () -> ()
      %add3A_62 = arith.constant 2 : i32
      %add3A_63 = arith.addi %add3A_56, %add3A_62 : i32
      %lt3A = arith.constant 40 : i32
      %lt3A_64 = arith.cmpi slt, %add3A_63, %lt3A : i32
      %convert_element_type3A = arith.extui %lt3A_64 : i1 to i32
      %cond3A = arith.constant 0 : i32
      %cond3A_65 = arith.cmpi ne, %convert_element_type3A, %cond3A : i32
      scf.if %cond3A_65 {
        %add3A_83 = arith.constant 2 : i32
        %add3A_84 = arith.addi %add3A_56, %add3A_83 : i32
        %dma_start3A_85 = arith.constant 0 : i32
        %dma_start3A_86 = tpu.memref_slice %arg7[%add3A_84, %dma_start3A_85] : memref<40x128xi32, #tpu.memory_space<vmem>> -> memref<1x128xi32, #tpu.memory_space<vmem>>
        %dma_start3A_87 = tpu.memref_squeeze %dma_start3A_86 : memref<1x128xi32, #tpu.memory_space<vmem>> -> memref<128xi32, #tpu.memory_space<vmem>>
        %dma_start3A_88 = arith.constant 0 : i32
        %dma_start3A_89 = arith.constant 0 : i32
        %dma_start3A_90 = tpu.memref_slice %arg2[%dma_start3A_88, %dma_start3A_89] : memref<10240x128xf32, #tpu.memory_space<hbm>> -> memref<10240x128xf32, #tpu.memory_space<hbm>>
        tpu.enqueue_indirect_dma source(%dma_start3A_90 : memref<10240x128xf32, #tpu.memory_space<hbm>>) target(%arg9 : memref<128x128xf32, #tpu.memory_space<vmem>>) offsets(%dma_start3A_87 : memref<128xi32, #tpu.memory_space<vmem>>) semaphore(%arg12 : memref<!tpu.dma_semaphore, #tpu.memory_space<semaphore_mem>>)
      } else {
      }
      %mul3A_66 = arith.constant 2 : i32
      %mul3A_67 = arith.muli %scan3A_52, %mul3A_66 : i32
      %add3A_68 = arith.constant 1 : i32
      %add3A_69 = arith.addi %mul3A_67, %add3A_68 : i32
      %dma_wait3A_70 = arith.constant 0 : i32
      %dma_wait3A_71 = tpu.memref_slice %arg7[%add3A_69, %dma_wait3A_70] : memref<40x128xi32, #tpu.memory_space<vmem>> -> memref<1x128xi32, #tpu.memory_space<vmem>>
      %dma_wait3A_72 = tpu.memref_squeeze %dma_wait3A_71 : memref<1x128xi32, #tpu.memory_space<vmem>> -> memref<128xi32, #tpu.memory_space<vmem>>
      %dma_wait3A_73 = arith.constant 0 : i32
      %dma_wait3A_74 = arith.constant 0 : i32
      %dma_wait3A_75 = tpu.memref_slice %arg2[%dma_wait3A_73, %dma_wait3A_74] : memref<10240x128xf32, #tpu.memory_space<hbm>> -> memref<10240x128xf32, #tpu.memory_space<hbm>>
      tpu.wait_indirect_dma semaphore(%arg13 : memref<!tpu.dma_semaphore, #tpu.memory_space<semaphore_mem>>) src(%dma_wait3A_75 : memref<10240x128xf32, #tpu.memory_space<hbm>>) dst(%arg10 : memref<128x128xf32, #tpu.memory_space<vmem>>)
      "tpu.region"() ({
        %run_scoped3A = tpu.sem_alloc : memref<!tpu.dma_semaphore, #tpu.memory_space<semaphore_mem>>
        %dma_start3A_83 = arith.constant 0 : i32
        %dma_start3A_84 = tpu.memref_slice %arg8[%add3A_69, %dma_start3A_83] : memref<40x128xi32, #tpu.memory_space<vmem>> -> memref<1x128xi32, #tpu.memory_space<vmem>>
        %dma_start3A_85 = tpu.memref_squeeze %dma_start3A_84 : memref<1x128xi32, #tpu.memory_space<vmem>> -> memref<128xi32, #tpu.memory_space<vmem>>
        %dma_start3A_86 = arith.constant 0 : i32
        %dma_start3A_87 = arith.constant 0 : i32
        %dma_start3A_88 = tpu.memref_slice %arg11[%dma_start3A_86, %dma_start3A_87] : memref<10240x128xf32, #tpu.memory_space<vmem_shared>> -> memref<10240x128xf32, #tpu.memory_space<vmem_shared>>
        tpu.enqueue_indirect_dma source(%arg10 : memref<128x128xf32, #tpu.memory_space<vmem>>) target(%dma_start3A_88 : memref<10240x128xf32, #tpu.memory_space<vmem_shared>>) offsets(%dma_start3A_85 : memref<128xi32, #tpu.memory_space<vmem>>) semaphore(%run_scoped3A : memref<!tpu.dma_semaphore, #tpu.memory_space<semaphore_mem>>) {add = true}
        %dma_wait3A_89 = arith.constant 0 : i32
        %dma_wait3A_90 = tpu.memref_slice %arg8[%add3A_69, %dma_wait3A_89] : memref<40x128xi32, #tpu.memory_space<vmem>> -> memref<1x128xi32, #tpu.memory_space<vmem>>
        %dma_wait3A_91 = tpu.memref_squeeze %dma_wait3A_90 : memref<1x128xi32, #tpu.memory_space<vmem>> -> memref<128xi32, #tpu.memory_space<vmem>>
        %dma_wait3A_92 = arith.constant 0 : i32
        %dma_wait3A_93 = arith.constant 0 : i32
        %dma_wait3A_94 = tpu.memref_slice %arg11[%dma_wait3A_92, %dma_wait3A_93] : memref<10240x128xf32, #tpu.memory_space<vmem_shared>> -> memref<10240x128xf32, #tpu.memory_space<vmem_shared>>
        tpu.wait_indirect_dma semaphore(%run_scoped3A : memref<!tpu.dma_semaphore, #tpu.memory_space<semaphore_mem>>) src(%arg10 : memref<128x128xf32, #tpu.memory_space<vmem>>) dst(%dma_wait3A_94 : memref<10240x128xf32, #tpu.memory_space<vmem_shared>>)
        tpu.yield
      }) : () -> ()
      %add3A_76 = arith.constant 2 : i32
      %add3A_77 = arith.addi %add3A_69, %add3A_76 : i32
      %lt3A_78 = arith.constant 40 : i32
      %lt3A_79 = arith.cmpi slt, %add3A_77, %lt3A_78 : i32
      %convert_element_type3A_80 = arith.extui %lt3A_79 : i1 to i32
      %cond3A_81 = arith.constant 0 : i32
      %cond3A_82 = arith.cmpi ne, %convert_element_type3A_80, %cond3A_81 : i32
      scf.if %cond3A_82 {
        %add3A_83 = arith.constant 2 : i32
        %add3A_84 = arith.addi %add3A_69, %add3A_83 : i32
        %dma_start3A_85 = arith.constant 0 : i32
        %dma_start3A_86 = tpu.memref_slice %arg7[%add3A_84, %dma_start3A_85] : memref<40x128xi32, #tpu.memory_space<vmem>> -> memref<1x128xi32, #tpu.memory_space<vmem>>
        %dma_start3A_87 = tpu.memref_squeeze %dma_start3A_86 : memref<1x128xi32, #tpu.memory_space<vmem>> -> memref<128xi32, #tpu.memory_space<vmem>>
        %dma_start3A_88 = arith.constant 0 : i32
        %dma_start3A_89 = arith.constant 0 : i32
        %dma_start3A_90 = tpu.memref_slice %arg2[%dma_start3A_88, %dma_start3A_89] : memref<10240x128xf32, #tpu.memory_space<hbm>> -> memref<10240x128xf32, #tpu.memory_space<hbm>>
        tpu.enqueue_indirect_dma source(%dma_start3A_90 : memref<10240x128xf32, #tpu.memory_space<hbm>>) target(%arg10 : memref<128x128xf32, #tpu.memory_space<vmem>>) offsets(%dma_start3A_87 : memref<128xi32, #tpu.memory_space<vmem>>) semaphore(%arg13 : memref<!tpu.dma_semaphore, #tpu.memory_space<semaphore_mem>>)
      } else {
      }
    }
    %scan3A_50 = arith.constant 20 : i32
    %barrier3A_51 = arith.constant 0 : index
    tpu.barrier barrier_id(%barrier3A_51)
    "tpu.region"() ({
      %run_scoped3A = tpu.sem_alloc : memref<!tpu.dma_semaphore, #tpu.memory_space<semaphore_mem>>
      %dma_start3A_52 = arith.constant 0 : i32
      %dma_start3A_53 = tpu.memref_slice %arg6[%arg0, %mul3A_0, %dma_start3A_52] : memref<2x10240x128xf32, #tpu.memory_space<hbm>> -> memref<1x640x128xf32, #tpu.memory_space<hbm>>
      %dma_start3A_54 = tpu.memref_squeeze %dma_start3A_53 : memref<1x640x128xf32, #tpu.memory_space<hbm>> -> memref<640x128xf32, #tpu.memory_space<hbm>>
      %dma_start3A_55 = arith.constant 0 : i32
      %dma_start3A_56 = tpu.memref_slice %arg11[%mul3A_0, %dma_start3A_55] : memref<10240x128xf32, #tpu.memory_space<vmem_shared>> -> memref<640x128xf32, #tpu.memory_space<vmem_shared>>
      tpu.enqueue_dma source(%dma_start3A_56 : memref<640x128xf32, #tpu.memory_space<vmem_shared>>) target(%dma_start3A_54 : memref<640x128xf32, #tpu.memory_space<hbm>>) target_semaphore(%run_scoped3A : memref<!tpu.dma_semaphore, #tpu.memory_space<semaphore_mem>>)
      %dma_wait3A = arith.constant 0 : i32
      %dma_wait3A_57 = tpu.memref_slice %arg6[%arg0, %mul3A_0, %dma_wait3A] : memref<2x10240x128xf32, #tpu.memory_space<hbm>> -> memref<1x640x128xf32, #tpu.memory_space<hbm>>
      %dma_wait3A_58 = tpu.memref_squeeze %dma_wait3A_57 : memref<1x640x128xf32, #tpu.memory_space<hbm>> -> memref<640x128xf32, #tpu.memory_space<hbm>>
      %dma_wait3A_59 = arith.constant 0 : i32
      %dma_wait3A_60 = tpu.memref_slice %arg11[%mul3A_0, %dma_wait3A_59] : memref<10240x128xf32, #tpu.memory_space<vmem_shared>> -> memref<640x128xf32, #tpu.memory_space<vmem_shared>>
      tpu.wait_dma2 semaphore(%run_scoped3A : memref<!tpu.dma_semaphore, #tpu.memory_space<semaphore_mem>>) src(%dma_wait3A_60 : memref<640x128xf32, #tpu.memory_space<vmem_shared>>) dst(%dma_wait3A_58 : memref<640x128xf32, #tpu.memory_space<hbm>>)
      tpu.yield
    }) : () -> ()
    return
  }
}

#map = affine_map<(d0, d1) -> (0, 0)>
#map1 = affine_map<(d0, d1) -> (0, 0, 0)>
module attributes {stable_mosaic.version = 14 : i64} {
  func.func @_sc_agg_body(%arg0: i32, %arg1: i32, %arg2: memref<10240x128xf32, #tpu.memory_space<hbm>>, %arg3: memref<2560x128xi32, #tpu.memory_space<hbm>>, %arg4: memref<2560x128xi32, #tpu.memory_space<hbm>>, %arg5: memref<10240x128xf32, #tpu.memory_space<hbm>>, %arg6: memref<2x10240x128xf32, #tpu.memory_space<hbm>>, %arg7: memref<40x128xi32, #tpu.memory_space<vmem>>, %arg8: memref<40x128xi32, #tpu.memory_space<vmem>>, %arg9: memref<128x128xf32, #tpu.memory_space<vmem>>, %arg10: memref<128x128xf32, #tpu.memory_space<vmem>>, %arg11: memref<10240x128xf32, #tpu.memory_space<vmem_shared>>, %arg12: memref<!tpu.dma_semaphore, #tpu.memory_space<semaphore_mem>>, %arg13: memref<!tpu.dma_semaphore, #tpu.memory_space<semaphore_mem>>) attributes {dimension_semantics = [#tpu.dimension_semantics<core_parallel>, #tpu.dimension_semantics<subcore_parallel>], iteration_bounds = array<i64: 2, 16>, scalar_prefetch = 0 : i64, scratch_operands = 7 : i64, tpu.core_type = #tpu.core_type<sc_vector_subcore>, window_params = [{transform_indices = #map}, {transform_indices = #map}, {transform_indices = #map}, {transform_indices = #map}, {transform_indices = #map1}]} {
    %mul3A = arith.constant 640 : i32
    %mul3A_0 = arith.muli %arg1, %mul3A : i32
    %mul3A_1 = arith.constant 1280 : i32
    %mul3A_2 = arith.muli %arg0, %mul3A_1 : i32
    %mul3A_3 = arith.constant 80 : i32
    %mul3A_4 = arith.muli %arg1, %mul3A_3 : i32
    %add3A = arith.addi %mul3A_2, %mul3A_4 : i32
    "tpu.region"() ({
      %run_scoped3A = tpu.sem_alloc : memref<!tpu.dma_semaphore, #tpu.memory_space<semaphore_mem>>
      %dma_start3A_52 = arith.constant 0 : i32
      %dma_start3A_53 = tpu.memref_slice %arg11[%mul3A_0, %dma_start3A_52] : memref<10240x128xf32, #tpu.memory_space<vmem_shared>> -> memref<640x128xf32, #tpu.memory_space<vmem_shared>>
      %dma_start3A_54 = arith.constant 0 : i32
      %dma_start3A_55 = tpu.memref_slice %arg5[%mul3A_0, %dma_start3A_54] : memref<10240x128xf32, #tpu.memory_space<hbm>> -> memref<640x128xf32, #tpu.memory_space<hbm>>
      tpu.enqueue_dma source(%dma_start3A_55 : memref<640x128xf32, #tpu.memory_space<hbm>>) target(%dma_start3A_53 : memref<640x128xf32, #tpu.memory_space<vmem_shared>>) target_semaphore(%run_scoped3A : memref<!tpu.dma_semaphore, #tpu.memory_space<semaphore_mem>>)
      %dma_wait3A = arith.constant 0 : i32
      %dma_wait3A_56 = tpu.memref_slice %arg11[%mul3A_0, %dma_wait3A] : memref<10240x128xf32, #tpu.memory_space<vmem_shared>> -> memref<640x128xf32, #tpu.memory_space<vmem_shared>>
      %dma_wait3A_57 = arith.constant 0 : i32
      %dma_wait3A_58 = tpu.memref_slice %arg5[%mul3A_0, %dma_wait3A_57] : memref<10240x128xf32, #tpu.memory_space<hbm>> -> memref<640x128xf32, #tpu.memory_space<hbm>>
      tpu.wait_dma2 semaphore(%run_scoped3A : memref<!tpu.dma_semaphore, #tpu.memory_space<semaphore_mem>>) src(%dma_wait3A_58 : memref<640x128xf32, #tpu.memory_space<hbm>>) dst(%dma_wait3A_56 : memref<640x128xf32, #tpu.memory_space<vmem_shared>>)
      tpu.yield
    }) : () -> ()
    %barrier3A = arith.constant 0 : index
    tpu.barrier barrier_id(%barrier3A)
    %add3A_5 = arith.constant 0 : i32
    %add3A_6 = arith.addi %add3A, %add3A_5 : i32
    "tpu.region"() ({
      %run_scoped3A = tpu.sem_alloc : memref<!tpu.dma_semaphore, #tpu.memory_space<semaphore_mem>>
      %dma_start3A_52 = arith.constant 0 : i32
      %dma_start3A_53 = tpu.memref_slice %arg3[%add3A_6, %dma_start3A_52] : memref<2560x128xi32, #tpu.memory_space<hbm>> -> memref<40x128xi32, #tpu.memory_space<hbm>>
      %dma_start3A_54 = arith.constant 0 : i32
      %dma_start3A_55 = tpu.memref_slice %arg3[%add3A_6, %dma_start3A_54] : memref<2560x128xi32, #tpu.memory_space<hbm>> -> memref<40x128xi32, #tpu.memory_space<hbm>>
      tpu.enqueue_dma source(%dma_start3A_55 : memref<40x128xi32, #tpu.memory_space<hbm>>) target(%arg7 : memref<40x128xi32, #tpu.memory_space<vmem>>) target_semaphore(%run_scoped3A : memref<!tpu.dma_semaphore, #tpu.memory_space<semaphore_mem>>)
      %dma_wait3A = arith.constant 0 : i32
      %dma_wait3A_56 = tpu.memref_slice %arg3[%add3A_6, %dma_wait3A] : memref<2560x128xi32, #tpu.memory_space<hbm>> -> memref<40x128xi32, #tpu.memory_space<hbm>>
      %dma_wait3A_57 = arith.constant 0 : i32
      %dma_wait3A_58 = tpu.memref_slice %arg3[%add3A_6, %dma_wait3A_57] : memref<2560x128xi32, #tpu.memory_space<hbm>> -> memref<40x128xi32, #tpu.memory_space<hbm>>
      tpu.wait_dma2 semaphore(%run_scoped3A : memref<!tpu.dma_semaphore, #tpu.memory_space<semaphore_mem>>) src(%dma_wait3A_58 : memref<40x128xi32, #tpu.memory_space<hbm>>) dst(%arg7 : memref<40x128xi32, #tpu.memory_space<vmem>>)
      tpu.yield
    }) : () -> ()
    %add3A_7 = arith.constant 0 : i32
    %add3A_8 = arith.addi %add3A, %add3A_7 : i32
    "tpu.region"() ({
      %run_scoped3A = tpu.sem_alloc : memref<!tpu.dma_semaphore, #tpu.memory_space<semaphore_mem>>
      %dma_start3A_52 = arith.constant 0 : i32
      %dma_start3A_53 = tpu.memref_slice %arg4[%add3A_8, %dma_start3A_52] : memref<2560x128xi32, #tpu.memory_space<hbm>> -> memref<40x128xi32, #tpu.memory_space<hbm>>
      %dma_start3A_54 = arith.constant 0 : i32
      %dma_start3A_55 = tpu.memref_slice %arg4[%add3A_8, %dma_start3A_54] : memref<2560x128xi32, #tpu.memory_space<hbm>> -> memref<40x128xi32, #tpu.memory_space<hbm>>
      tpu.enqueue_dma source(%dma_start3A_55 : memref<40x128xi32, #tpu.memory_space<hbm>>) target(%arg8 : memref<40x128xi32, #tpu.memory_space<vmem>>) target_semaphore(%run_scoped3A : memref<!tpu.dma_semaphore, #tpu.memory_space<semaphore_mem>>)
      %dma_wait3A = arith.constant 0 : i32
      %dma_wait3A_56 = tpu.memref_slice %arg4[%add3A_8, %dma_wait3A] : memref<2560x128xi32, #tpu.memory_space<hbm>> -> memref<40x128xi32, #tpu.memory_space<hbm>>
      %dma_wait3A_57 = arith.constant 0 : i32
      %dma_wait3A_58 = tpu.memref_slice %arg4[%add3A_8, %dma_wait3A_57] : memref<2560x128xi32, #tpu.memory_space<hbm>> -> memref<40x128xi32, #tpu.memory_space<hbm>>
      tpu.wait_dma2 semaphore(%run_scoped3A : memref<!tpu.dma_semaphore, #tpu.memory_space<semaphore_mem>>) src(%dma_wait3A_58 : memref<40x128xi32, #tpu.memory_space<hbm>>) dst(%arg8 : memref<40x128xi32, #tpu.memory_space<vmem>>)
      tpu.yield
    }) : () -> ()
    %dma_start3A = arith.constant 0 : i32
    %dma_start3A_9 = arith.constant 0 : i32
    %dma_start3A_10 = tpu.memref_slice %arg7[%dma_start3A, %dma_start3A_9] : memref<40x128xi32, #tpu.memory_space<vmem>> -> memref<1x128xi32, #tpu.memory_space<vmem>>
    %dma_start3A_11 = tpu.memref_squeeze %dma_start3A_10 : memref<1x128xi32, #tpu.memory_space<vmem>> -> memref<128xi32, #tpu.memory_space<vmem>>
    %dma_start3A_12 = arith.constant 0 : i32
    %dma_start3A_13 = arith.constant 0 : i32
    %dma_start3A_14 = tpu.memref_slice %arg2[%dma_start3A_12, %dma_start3A_13] : memref<10240x128xf32, #tpu.memory_space<hbm>> -> memref<10240x128xf32, #tpu.memory_space<hbm>>
    tpu.enqueue_indirect_dma source(%dma_start3A_14 : memref<10240x128xf32, #tpu.memory_space<hbm>>) target(%arg9 : memref<128x128xf32, #tpu.memory_space<vmem>>) offsets(%dma_start3A_11 : memref<128xi32, #tpu.memory_space<vmem>>) semaphore(%arg12 : memref<!tpu.dma_semaphore, #tpu.memory_space<semaphore_mem>>)
    %dma_start3A_15 = arith.constant 1 : i32
    %dma_start3A_16 = arith.constant 0 : i32
    %dma_start3A_17 = tpu.memref_slice %arg7[%dma_start3A_15, %dma_start3A_16] : memref<40x128xi32, #tpu.memory_space<vmem>> -> memref<1x128xi32, #tpu.memory_space<vmem>>
    %dma_start3A_18 = tpu.memref_squeeze %dma_start3A_17 : memref<1x128xi32, #tpu.memory_space<vmem>> -> memref<128xi32, #tpu.memory_space<vmem>>
    %dma_start3A_19 = arith.constant 0 : i32
    %dma_start3A_20 = arith.constant 0 : i32
    %dma_start3A_21 = tpu.memref_slice %arg2[%dma_start3A_19, %dma_start3A_20] : memref<10240x128xf32, #tpu.memory_space<hbm>> -> memref<10240x128xf32, #tpu.memory_space<hbm>>
    tpu.enqueue_indirect_dma source(%dma_start3A_21 : memref<10240x128xf32, #tpu.memory_space<hbm>>) target(%arg10 : memref<128x128xf32, #tpu.memory_space<vmem>>) offsets(%dma_start3A_18 : memref<128xi32, #tpu.memory_space<vmem>>) semaphore(%arg13 : memref<!tpu.dma_semaphore, #tpu.memory_space<semaphore_mem>>)
    %scan3A = arith.constant 0 : i32
    %scan3A_22 = arith.constant 0 : i32
    %scan3A_23 = arith.constant 20 : i32
    %scan3A_24 = arith.addi %scan3A_22, %scan3A_23 : i32
    %scan3A_25 = arith.constant 1 : i32
    scf.for %scan3A_52 = %scan3A_22 to %scan3A_24 step %scan3A_25  : i32 {
      %mul3A_53 = arith.constant 2 : i32
      %mul3A_54 = arith.muli %scan3A_52, %mul3A_53 : i32
      %add3A_55 = arith.constant 0 : i32
      %add3A_56 = arith.addi %mul3A_54, %add3A_55 : i32
      %dma_wait3A = arith.constant 0 : i32
      %dma_wait3A_57 = tpu.memref_slice %arg7[%add3A_56, %dma_wait3A] : memref<40x128xi32, #tpu.memory_space<vmem>> -> memref<1x128xi32, #tpu.memory_space<vmem>>
      %dma_wait3A_58 = tpu.memref_squeeze %dma_wait3A_57 : memref<1x128xi32, #tpu.memory_space<vmem>> -> memref<128xi32, #tpu.memory_space<vmem>>
      %dma_wait3A_59 = arith.constant 0 : i32
      %dma_wait3A_60 = arith.constant 0 : i32
      %dma_wait3A_61 = tpu.memref_slice %arg2[%dma_wait3A_59, %dma_wait3A_60] : memref<10240x128xf32, #tpu.memory_space<hbm>> -> memref<10240x128xf32, #tpu.memory_space<hbm>>
      tpu.wait_indirect_dma semaphore(%arg12 : memref<!tpu.dma_semaphore, #tpu.memory_space<semaphore_mem>>) src(%dma_wait3A_61 : memref<10240x128xf32, #tpu.memory_space<hbm>>) dst(%arg9 : memref<128x128xf32, #tpu.memory_space<vmem>>)
      "tpu.region"() ({
        %run_scoped3A = tpu.sem_alloc : memref<!tpu.dma_semaphore, #tpu.memory_space<semaphore_mem>>
        %dma_start3A_83 = arith.constant 0 : i32
        %dma_start3A_84 = tpu.memref_slice %arg8[%add3A_56, %dma_start3A_83] : memref<40x128xi32, #tpu.memory_space<vmem>> -> memref<1x128xi32, #tpu.memory_space<vmem>>
        %dma_start3A_85 = tpu.memref_squeeze %dma_start3A_84 : memref<1x128xi32, #tpu.memory_space<vmem>> -> memref<128xi32, #tpu.memory_space<vmem>>
        %dma_start3A_86 = arith.constant 0 : i32
        %dma_start3A_87 = arith.constant 0 : i32
        %dma_start3A_88 = tpu.memref_slice %arg11[%dma_start3A_86, %dma_start3A_87] : memref<10240x128xf32, #tpu.memory_space<vmem_shared>> -> memref<10240x128xf32, #tpu.memory_space<vmem_shared>>
        tpu.enqueue_indirect_dma source(%arg9 : memref<128x128xf32, #tpu.memory_space<vmem>>) target(%dma_start3A_88 : memref<10240x128xf32, #tpu.memory_space<vmem_shared>>) offsets(%dma_start3A_85 : memref<128xi32, #tpu.memory_space<vmem>>) semaphore(%run_scoped3A : memref<!tpu.dma_semaphore, #tpu.memory_space<semaphore_mem>>) {add = true}
        %dma_wait3A_89 = arith.constant 0 : i32
        %dma_wait3A_90 = tpu.memref_slice %arg8[%add3A_56, %dma_wait3A_89] : memref<40x128xi32, #tpu.memory_space<vmem>> -> memref<1x128xi32, #tpu.memory_space<vmem>>
        %dma_wait3A_91 = tpu.memref_squeeze %dma_wait3A_90 : memref<1x128xi32, #tpu.memory_space<vmem>> -> memref<128xi32, #tpu.memory_space<vmem>>
        %dma_wait3A_92 = arith.constant 0 : i32
        %dma_wait3A_93 = arith.constant 0 : i32
        %dma_wait3A_94 = tpu.memref_slice %arg11[%dma_wait3A_92, %dma_wait3A_93] : memref<10240x128xf32, #tpu.memory_space<vmem_shared>> -> memref<10240x128xf32, #tpu.memory_space<vmem_shared>>
        tpu.wait_indirect_dma semaphore(%run_scoped3A : memref<!tpu.dma_semaphore, #tpu.memory_space<semaphore_mem>>) src(%arg9 : memref<128x128xf32, #tpu.memory_space<vmem>>) dst(%dma_wait3A_94 : memref<10240x128xf32, #tpu.memory_space<vmem_shared>>)
        tpu.yield
      }) : () -> ()
      %add3A_62 = arith.constant 2 : i32
      %add3A_63 = arith.addi %add3A_56, %add3A_62 : i32
      %lt3A = arith.constant 40 : i32
      %lt3A_64 = arith.cmpi slt, %add3A_63, %lt3A : i32
      %convert_element_type3A = arith.extui %lt3A_64 : i1 to i32
      %cond3A = arith.constant 0 : i32
      %cond3A_65 = arith.cmpi ne, %convert_element_type3A, %cond3A : i32
      scf.if %cond3A_65 {
        %add3A_83 = arith.constant 2 : i32
        %add3A_84 = arith.addi %add3A_56, %add3A_83 : i32
        %dma_start3A_85 = arith.constant 0 : i32
        %dma_start3A_86 = tpu.memref_slice %arg7[%add3A_84, %dma_start3A_85] : memref<40x128xi32, #tpu.memory_space<vmem>> -> memref<1x128xi32, #tpu.memory_space<vmem>>
        %dma_start3A_87 = tpu.memref_squeeze %dma_start3A_86 : memref<1x128xi32, #tpu.memory_space<vmem>> -> memref<128xi32, #tpu.memory_space<vmem>>
        %dma_start3A_88 = arith.constant 0 : i32
        %dma_start3A_89 = arith.constant 0 : i32
        %dma_start3A_90 = tpu.memref_slice %arg2[%dma_start3A_88, %dma_start3A_89] : memref<10240x128xf32, #tpu.memory_space<hbm>> -> memref<10240x128xf32, #tpu.memory_space<hbm>>
        tpu.enqueue_indirect_dma source(%dma_start3A_90 : memref<10240x128xf32, #tpu.memory_space<hbm>>) target(%arg9 : memref<128x128xf32, #tpu.memory_space<vmem>>) offsets(%dma_start3A_87 : memref<128xi32, #tpu.memory_space<vmem>>) semaphore(%arg12 : memref<!tpu.dma_semaphore, #tpu.memory_space<semaphore_mem>>)
      } else {
      }
      %mul3A_66 = arith.constant 2 : i32
      %mul3A_67 = arith.muli %scan3A_52, %mul3A_66 : i32
      %add3A_68 = arith.constant 1 : i32
      %add3A_69 = arith.addi %mul3A_67, %add3A_68 : i32
      %dma_wait3A_70 = arith.constant 0 : i32
      %dma_wait3A_71 = tpu.memref_slice %arg7[%add3A_69, %dma_wait3A_70] : memref<40x128xi32, #tpu.memory_space<vmem>> -> memref<1x128xi32, #tpu.memory_space<vmem>>
      %dma_wait3A_72 = tpu.memref_squeeze %dma_wait3A_71 : memref<1x128xi32, #tpu.memory_space<vmem>> -> memref<128xi32, #tpu.memory_space<vmem>>
      %dma_wait3A_73 = arith.constant 0 : i32
      %dma_wait3A_74 = arith.constant 0 : i32
      %dma_wait3A_75 = tpu.memref_slice %arg2[%dma_wait3A_73, %dma_wait3A_74] : memref<10240x128xf32, #tpu.memory_space<hbm>> -> memref<10240x128xf32, #tpu.memory_space<hbm>>
      tpu.wait_indirect_dma semaphore(%arg13 : memref<!tpu.dma_semaphore, #tpu.memory_space<semaphore_mem>>) src(%dma_wait3A_75 : memref<10240x128xf32, #tpu.memory_space<hbm>>) dst(%arg10 : memref<128x128xf32, #tpu.memory_space<vmem>>)
      "tpu.region"() ({
        %run_scoped3A = tpu.sem_alloc : memref<!tpu.dma_semaphore, #tpu.memory_space<semaphore_mem>>
        %dma_start3A_83 = arith.constant 0 : i32
        %dma_start3A_84 = tpu.memref_slice %arg8[%add3A_69, %dma_start3A_83] : memref<40x128xi32, #tpu.memory_space<vmem>> -> memref<1x128xi32, #tpu.memory_space<vmem>>
        %dma_start3A_85 = tpu.memref_squeeze %dma_start3A_84 : memref<1x128xi32, #tpu.memory_space<vmem>> -> memref<128xi32, #tpu.memory_space<vmem>>
        %dma_start3A_86 = arith.constant 0 : i32
        %dma_start3A_87 = arith.constant 0 : i32
        %dma_start3A_88 = tpu.memref_slice %arg11[%dma_start3A_86, %dma_start3A_87] : memref<10240x128xf32, #tpu.memory_space<vmem_shared>> -> memref<10240x128xf32, #tpu.memory_space<vmem_shared>>
        tpu.enqueue_indirect_dma source(%arg10 : memref<128x128xf32, #tpu.memory_space<vmem>>) target(%dma_start3A_88 : memref<10240x128xf32, #tpu.memory_space<vmem_shared>>) offsets(%dma_start3A_85 : memref<128xi32, #tpu.memory_space<vmem>>) semaphore(%run_scoped3A : memref<!tpu.dma_semaphore, #tpu.memory_space<semaphore_mem>>) {add = true}
        %dma_wait3A_89 = arith.constant 0 : i32
        %dma_wait3A_90 = tpu.memref_slice %arg8[%add3A_69, %dma_wait3A_89] : memref<40x128xi32, #tpu.memory_space<vmem>> -> memref<1x128xi32, #tpu.memory_space<vmem>>
        %dma_wait3A_91 = tpu.memref_squeeze %dma_wait3A_90 : memref<1x128xi32, #tpu.memory_space<vmem>> -> memref<128xi32, #tpu.memory_space<vmem>>
        %dma_wait3A_92 = arith.constant 0 : i32
        %dma_wait3A_93 = arith.constant 0 : i32
        %dma_wait3A_94 = tpu.memref_slice %arg11[%dma_wait3A_92, %dma_wait3A_93] : memref<10240x128xf32, #tpu.memory_space<vmem_shared>> -> memref<10240x128xf32, #tpu.memory_space<vmem_shared>>
        tpu.wait_indirect_dma semaphore(%run_scoped3A : memref<!tpu.dma_semaphore, #tpu.memory_space<semaphore_mem>>) src(%arg10 : memref<128x128xf32, #tpu.memory_space<vmem>>) dst(%dma_wait3A_94 : memref<10240x128xf32, #tpu.memory_space<vmem_shared>>)
        tpu.yield
      }) : () -> ()
      %add3A_76 = arith.constant 2 : i32
      %add3A_77 = arith.addi %add3A_69, %add3A_76 : i32
      %lt3A_78 = arith.constant 40 : i32
      %lt3A_79 = arith.cmpi slt, %add3A_77, %lt3A_78 : i32
      %convert_element_type3A_80 = arith.extui %lt3A_79 : i1 to i32
      %cond3A_81 = arith.constant 0 : i32
      %cond3A_82 = arith.cmpi ne, %convert_element_type3A_80, %cond3A_81 : i32
      scf.if %cond3A_82 {
        %add3A_83 = arith.constant 2 : i32
        %add3A_84 = arith.addi %add3A_69, %add3A_83 : i32
        %dma_start3A_85 = arith.constant 0 : i32
        %dma_start3A_86 = tpu.memref_slice %arg7[%add3A_84, %dma_start3A_85] : memref<40x128xi32, #tpu.memory_space<vmem>> -> memref<1x128xi32, #tpu.memory_space<vmem>>
        %dma_start3A_87 = tpu.memref_squeeze %dma_start3A_86 : memref<1x128xi32, #tpu.memory_space<vmem>> -> memref<128xi32, #tpu.memory_space<vmem>>
        %dma_start3A_88 = arith.constant 0 : i32
        %dma_start3A_89 = arith.constant 0 : i32
        %dma_start3A_90 = tpu.memref_slice %arg2[%dma_start3A_88, %dma_start3A_89] : memref<10240x128xf32, #tpu.memory_space<hbm>> -> memref<10240x128xf32, #tpu.memory_space<hbm>>
        tpu.enqueue_indirect_dma source(%dma_start3A_90 : memref<10240x128xf32, #tpu.memory_space<hbm>>) target(%arg10 : memref<128x128xf32, #tpu.memory_space<vmem>>) offsets(%dma_start3A_87 : memref<128xi32, #tpu.memory_space<vmem>>) semaphore(%arg13 : memref<!tpu.dma_semaphore, #tpu.memory_space<semaphore_mem>>)
      } else {
      }
    }
    %scan3A_26 = arith.constant 20 : i32
    %add3A_27 = arith.constant 40 : i32
    %add3A_28 = arith.addi %add3A, %add3A_27 : i32
    "tpu.region"() ({
      %run_scoped3A = tpu.sem_alloc : memref<!tpu.dma_semaphore, #tpu.memory_space<semaphore_mem>>
      %dma_start3A_52 = arith.constant 0 : i32
      %dma_start3A_53 = tpu.memref_slice %arg3[%add3A_28, %dma_start3A_52] : memref<2560x128xi32, #tpu.memory_space<hbm>> -> memref<40x128xi32, #tpu.memory_space<hbm>>
      %dma_start3A_54 = arith.constant 0 : i32
      %dma_start3A_55 = tpu.memref_slice %arg3[%add3A_28, %dma_start3A_54] : memref<2560x128xi32, #tpu.memory_space<hbm>> -> memref<40x128xi32, #tpu.memory_space<hbm>>
      tpu.enqueue_dma source(%dma_start3A_55 : memref<40x128xi32, #tpu.memory_space<hbm>>) target(%arg7 : memref<40x128xi32, #tpu.memory_space<vmem>>) target_semaphore(%run_scoped3A : memref<!tpu.dma_semaphore, #tpu.memory_space<semaphore_mem>>)
      %dma_wait3A = arith.constant 0 : i32
      %dma_wait3A_56 = tpu.memref_slice %arg3[%add3A_28, %dma_wait3A] : memref<2560x128xi32, #tpu.memory_space<hbm>> -> memref<40x128xi32, #tpu.memory_space<hbm>>
      %dma_wait3A_57 = arith.constant 0 : i32
      %dma_wait3A_58 = tpu.memref_slice %arg3[%add3A_28, %dma_wait3A_57] : memref<2560x128xi32, #tpu.memory_space<hbm>> -> memref<40x128xi32, #tpu.memory_space<hbm>>
      tpu.wait_dma2 semaphore(%run_scoped3A : memref<!tpu.dma_semaphore, #tpu.memory_space<semaphore_mem>>) src(%dma_wait3A_58 : memref<40x128xi32, #tpu.memory_space<hbm>>) dst(%arg7 : memref<40x128xi32, #tpu.memory_space<vmem>>)
      tpu.yield
    }) : () -> ()
    %add3A_29 = arith.constant 40 : i32
    %add3A_30 = arith.addi %add3A, %add3A_29 : i32
    "tpu.region"() ({
      %run_scoped3A = tpu.sem_alloc : memref<!tpu.dma_semaphore, #tpu.memory_space<semaphore_mem>>
      %dma_start3A_52 = arith.constant 0 : i32
      %dma_start3A_53 = tpu.memref_slice %arg4[%add3A_30, %dma_start3A_52] : memref<2560x128xi32, #tpu.memory_space<hbm>> -> memref<40x128xi32, #tpu.memory_space<hbm>>
      %dma_start3A_54 = arith.constant 0 : i32
      %dma_start3A_55 = tpu.memref_slice %arg4[%add3A_30, %dma_start3A_54] : memref<2560x128xi32, #tpu.memory_space<hbm>> -> memref<40x128xi32, #tpu.memory_space<hbm>>
      tpu.enqueue_dma source(%dma_start3A_55 : memref<40x128xi32, #tpu.memory_space<hbm>>) target(%arg8 : memref<40x128xi32, #tpu.memory_space<vmem>>) target_semaphore(%run_scoped3A : memref<!tpu.dma_semaphore, #tpu.memory_space<semaphore_mem>>)
      %dma_wait3A = arith.constant 0 : i32
      %dma_wait3A_56 = tpu.memref_slice %arg4[%add3A_30, %dma_wait3A] : memref<2560x128xi32, #tpu.memory_space<hbm>> -> memref<40x128xi32, #tpu.memory_space<hbm>>
      %dma_wait3A_57 = arith.constant 0 : i32
      %dma_wait3A_58 = tpu.memref_slice %arg4[%add3A_30, %dma_wait3A_57] : memref<2560x128xi32, #tpu.memory_space<hbm>> -> memref<40x128xi32, #tpu.memory_space<hbm>>
      tpu.wait_dma2 semaphore(%run_scoped3A : memref<!tpu.dma_semaphore, #tpu.memory_space<semaphore_mem>>) src(%dma_wait3A_58 : memref<40x128xi32, #tpu.memory_space<hbm>>) dst(%arg8 : memref<40x128xi32, #tpu.memory_space<vmem>>)
      tpu.yield
    }) : () -> ()
    %dma_start3A_31 = arith.constant 0 : i32
    %dma_start3A_32 = arith.constant 0 : i32
    %dma_start3A_33 = tpu.memref_slice %arg7[%dma_start3A_31, %dma_start3A_32] : memref<40x128xi32, #tpu.memory_space<vmem>> -> memref<1x128xi32, #tpu.memory_space<vmem>>
    %dma_start3A_34 = tpu.memref_squeeze %dma_start3A_33 : memref<1x128xi32, #tpu.memory_space<vmem>> -> memref<128xi32, #tpu.memory_space<vmem>>
    %dma_start3A_35 = arith.constant 0 : i32
    %dma_start3A_36 = arith.constant 0 : i32
    %dma_start3A_37 = tpu.memref_slice %arg2[%dma_start3A_35, %dma_start3A_36] : memref<10240x128xf32, #tpu.memory_space<hbm>> -> memref<10240x128xf32, #tpu.memory_space<hbm>>
    tpu.enqueue_indirect_dma source(%dma_start3A_37 : memref<10240x128xf32, #tpu.memory_space<hbm>>) target(%arg9 : memref<128x128xf32, #tpu.memory_space<vmem>>) offsets(%dma_start3A_34 : memref<128xi32, #tpu.memory_space<vmem>>) semaphore(%arg12 : memref<!tpu.dma_semaphore, #tpu.memory_space<semaphore_mem>>)
    %dma_start3A_38 = arith.constant 1 : i32
    %dma_start3A_39 = arith.constant 0 : i32
    %dma_start3A_40 = tpu.memref_slice %arg7[%dma_start3A_38, %dma_start3A_39] : memref<40x128xi32, #tpu.memory_space<vmem>> -> memref<1x128xi32, #tpu.memory_space<vmem>>
    %dma_start3A_41 = tpu.memref_squeeze %dma_start3A_40 : memref<1x128xi32, #tpu.memory_space<vmem>> -> memref<128xi32, #tpu.memory_space<vmem>>
    %dma_start3A_42 = arith.constant 0 : i32
    %dma_start3A_43 = arith.constant 0 : i32
    %dma_start3A_44 = tpu.memref_slice %arg2[%dma_start3A_42, %dma_start3A_43] : memref<10240x128xf32, #tpu.memory_space<hbm>> -> memref<10240x128xf32, #tpu.memory_space<hbm>>
    tpu.enqueue_indirect_dma source(%dma_start3A_44 : memref<10240x128xf32, #tpu.memory_space<hbm>>) target(%arg10 : memref<128x128xf32, #tpu.memory_space<vmem>>) offsets(%dma_start3A_41 : memref<128xi32, #tpu.memory_space<vmem>>) semaphore(%arg13 : memref<!tpu.dma_semaphore, #tpu.memory_space<semaphore_mem>>)
    %scan3A_45 = arith.constant 0 : i32
    %scan3A_46 = arith.constant 0 : i32
    %scan3A_47 = arith.constant 20 : i32
    %scan3A_48 = arith.addi %scan3A_46, %scan3A_47 : i32
    %scan3A_49 = arith.constant 1 : i32
    scf.for %scan3A_52 = %scan3A_46 to %scan3A_48 step %scan3A_49  : i32 {
      %mul3A_53 = arith.constant 2 : i32
      %mul3A_54 = arith.muli %scan3A_52, %mul3A_53 : i32
      %add3A_55 = arith.constant 0 : i32
      %add3A_56 = arith.addi %mul3A_54, %add3A_55 : i32
      %dma_wait3A = arith.constant 0 : i32
      %dma_wait3A_57 = tpu.memref_slice %arg7[%add3A_56, %dma_wait3A] : memref<40x128xi32, #tpu.memory_space<vmem>> -> memref<1x128xi32, #tpu.memory_space<vmem>>
      %dma_wait3A_58 = tpu.memref_squeeze %dma_wait3A_57 : memref<1x128xi32, #tpu.memory_space<vmem>> -> memref<128xi32, #tpu.memory_space<vmem>>
      %dma_wait3A_59 = arith.constant 0 : i32
      %dma_wait3A_60 = arith.constant 0 : i32
      %dma_wait3A_61 = tpu.memref_slice %arg2[%dma_wait3A_59, %dma_wait3A_60] : memref<10240x128xf32, #tpu.memory_space<hbm>> -> memref<10240x128xf32, #tpu.memory_space<hbm>>
      tpu.wait_indirect_dma semaphore(%arg12 : memref<!tpu.dma_semaphore, #tpu.memory_space<semaphore_mem>>) src(%dma_wait3A_61 : memref<10240x128xf32, #tpu.memory_space<hbm>>) dst(%arg9 : memref<128x128xf32, #tpu.memory_space<vmem>>)
      "tpu.region"() ({
        %run_scoped3A = tpu.sem_alloc : memref<!tpu.dma_semaphore, #tpu.memory_space<semaphore_mem>>
        %dma_start3A_83 = arith.constant 0 : i32
        %dma_start3A_84 = tpu.memref_slice %arg8[%add3A_56, %dma_start3A_83] : memref<40x128xi32, #tpu.memory_space<vmem>> -> memref<1x128xi32, #tpu.memory_space<vmem>>
        %dma_start3A_85 = tpu.memref_squeeze %dma_start3A_84 : memref<1x128xi32, #tpu.memory_space<vmem>> -> memref<128xi32, #tpu.memory_space<vmem>>
        %dma_start3A_86 = arith.constant 0 : i32
        %dma_start3A_87 = arith.constant 0 : i32
        %dma_start3A_88 = tpu.memref_slice %arg11[%dma_start3A_86, %dma_start3A_87] : memref<10240x128xf32, #tpu.memory_space<vmem_shared>> -> memref<10240x128xf32, #tpu.memory_space<vmem_shared>>
        tpu.enqueue_indirect_dma source(%arg9 : memref<128x128xf32, #tpu.memory_space<vmem>>) target(%dma_start3A_88 : memref<10240x128xf32, #tpu.memory_space<vmem_shared>>) offsets(%dma_start3A_85 : memref<128xi32, #tpu.memory_space<vmem>>) semaphore(%run_scoped3A : memref<!tpu.dma_semaphore, #tpu.memory_space<semaphore_mem>>) {add = true}
        %dma_wait3A_89 = arith.constant 0 : i32
        %dma_wait3A_90 = tpu.memref_slice %arg8[%add3A_56, %dma_wait3A_89] : memref<40x128xi32, #tpu.memory_space<vmem>> -> memref<1x128xi32, #tpu.memory_space<vmem>>
        %dma_wait3A_91 = tpu.memref_squeeze %dma_wait3A_90 : memref<1x128xi32, #tpu.memory_space<vmem>> -> memref<128xi32, #tpu.memory_space<vmem>>
        %dma_wait3A_92 = arith.constant 0 : i32
        %dma_wait3A_93 = arith.constant 0 : i32
        %dma_wait3A_94 = tpu.memref_slice %arg11[%dma_wait3A_92, %dma_wait3A_93] : memref<10240x128xf32, #tpu.memory_space<vmem_shared>> -> memref<10240x128xf32, #tpu.memory_space<vmem_shared>>
        tpu.wait_indirect_dma semaphore(%run_scoped3A : memref<!tpu.dma_semaphore, #tpu.memory_space<semaphore_mem>>) src(%arg9 : memref<128x128xf32, #tpu.memory_space<vmem>>) dst(%dma_wait3A_94 : memref<10240x128xf32, #tpu.memory_space<vmem_shared>>)
        tpu.yield
      }) : () -> ()
      %add3A_62 = arith.constant 2 : i32
      %add3A_63 = arith.addi %add3A_56, %add3A_62 : i32
      %lt3A = arith.constant 40 : i32
      %lt3A_64 = arith.cmpi slt, %add3A_63, %lt3A : i32
      %convert_element_type3A = arith.extui %lt3A_64 : i1 to i32
      %cond3A = arith.constant 0 : i32
      %cond3A_65 = arith.cmpi ne, %convert_element_type3A, %cond3A : i32
      scf.if %cond3A_65 {
        %add3A_83 = arith.constant 2 : i32
        %add3A_84 = arith.addi %add3A_56, %add3A_83 : i32
        %dma_start3A_85 = arith.constant 0 : i32
        %dma_start3A_86 = tpu.memref_slice %arg7[%add3A_84, %dma_start3A_85] : memref<40x128xi32, #tpu.memory_space<vmem>> -> memref<1x128xi32, #tpu.memory_space<vmem>>
        %dma_start3A_87 = tpu.memref_squeeze %dma_start3A_86 : memref<1x128xi32, #tpu.memory_space<vmem>> -> memref<128xi32, #tpu.memory_space<vmem>>
        %dma_start3A_88 = arith.constant 0 : i32
        %dma_start3A_89 = arith.constant 0 : i32
        %dma_start3A_90 = tpu.memref_slice %arg2[%dma_start3A_88, %dma_start3A_89] : memref<10240x128xf32, #tpu.memory_space<hbm>> -> memref<10240x128xf32, #tpu.memory_space<hbm>>
        tpu.enqueue_indirect_dma source(%dma_start3A_90 : memref<10240x128xf32, #tpu.memory_space<hbm>>) target(%arg9 : memref<128x128xf32, #tpu.memory_space<vmem>>) offsets(%dma_start3A_87 : memref<128xi32, #tpu.memory_space<vmem>>) semaphore(%arg12 : memref<!tpu.dma_semaphore, #tpu.memory_space<semaphore_mem>>)
      } else {
      }
      %mul3A_66 = arith.constant 2 : i32
      %mul3A_67 = arith.muli %scan3A_52, %mul3A_66 : i32
      %add3A_68 = arith.constant 1 : i32
      %add3A_69 = arith.addi %mul3A_67, %add3A_68 : i32
      %dma_wait3A_70 = arith.constant 0 : i32
      %dma_wait3A_71 = tpu.memref_slice %arg7[%add3A_69, %dma_wait3A_70] : memref<40x128xi32, #tpu.memory_space<vmem>> -> memref<1x128xi32, #tpu.memory_space<vmem>>
      %dma_wait3A_72 = tpu.memref_squeeze %dma_wait3A_71 : memref<1x128xi32, #tpu.memory_space<vmem>> -> memref<128xi32, #tpu.memory_space<vmem>>
      %dma_wait3A_73 = arith.constant 0 : i32
      %dma_wait3A_74 = arith.constant 0 : i32
      %dma_wait3A_75 = tpu.memref_slice %arg2[%dma_wait3A_73, %dma_wait3A_74] : memref<10240x128xf32, #tpu.memory_space<hbm>> -> memref<10240x128xf32, #tpu.memory_space<hbm>>
      tpu.wait_indirect_dma semaphore(%arg13 : memref<!tpu.dma_semaphore, #tpu.memory_space<semaphore_mem>>) src(%dma_wait3A_75 : memref<10240x128xf32, #tpu.memory_space<hbm>>) dst(%arg10 : memref<128x128xf32, #tpu.memory_space<vmem>>)
      "tpu.region"() ({
        %run_scoped3A = tpu.sem_alloc : memref<!tpu.dma_semaphore, #tpu.memory_space<semaphore_mem>>
        %dma_start3A_83 = arith.constant 0 : i32
        %dma_start3A_84 = tpu.memref_slice %arg8[%add3A_69, %dma_start3A_83] : memref<40x128xi32, #tpu.memory_space<vmem>> -> memref<1x128xi32, #tpu.memory_space<vmem>>
        %dma_start3A_85 = tpu.memref_squeeze %dma_start3A_84 : memref<1x128xi32, #tpu.memory_space<vmem>> -> memref<128xi32, #tpu.memory_space<vmem>>
        %dma_start3A_86 = arith.constant 0 : i32
        %dma_start3A_87 = arith.constant 0 : i32
        %dma_start3A_88 = tpu.memref_slice %arg11[%dma_start3A_86, %dma_start3A_87] : memref<10240x128xf32, #tpu.memory_space<vmem_shared>> -> memref<10240x128xf32, #tpu.memory_space<vmem_shared>>
        tpu.enqueue_indirect_dma source(%arg10 : memref<128x128xf32, #tpu.memory_space<vmem>>) target(%dma_start3A_88 : memref<10240x128xf32, #tpu.memory_space<vmem_shared>>) offsets(%dma_start3A_85 : memref<128xi32, #tpu.memory_space<vmem>>) semaphore(%run_scoped3A : memref<!tpu.dma_semaphore, #tpu.memory_space<semaphore_mem>>) {add = true}
        %dma_wait3A_89 = arith.constant 0 : i32
        %dma_wait3A_90 = tpu.memref_slice %arg8[%add3A_69, %dma_wait3A_89] : memref<40x128xi32, #tpu.memory_space<vmem>> -> memref<1x128xi32, #tpu.memory_space<vmem>>
        %dma_wait3A_91 = tpu.memref_squeeze %dma_wait3A_90 : memref<1x128xi32, #tpu.memory_space<vmem>> -> memref<128xi32, #tpu.memory_space<vmem>>
        %dma_wait3A_92 = arith.constant 0 : i32
        %dma_wait3A_93 = arith.constant 0 : i32
        %dma_wait3A_94 = tpu.memref_slice %arg11[%dma_wait3A_92, %dma_wait3A_93] : memref<10240x128xf32, #tpu.memory_space<vmem_shared>> -> memref<10240x128xf32, #tpu.memory_space<vmem_shared>>
        tpu.wait_indirect_dma semaphore(%run_scoped3A : memref<!tpu.dma_semaphore, #tpu.memory_space<semaphore_mem>>) src(%arg10 : memref<128x128xf32, #tpu.memory_space<vmem>>) dst(%dma_wait3A_94 : memref<10240x128xf32, #tpu.memory_space<vmem_shared>>)
        tpu.yield
      }) : () -> ()
      %add3A_76 = arith.constant 2 : i32
      %add3A_77 = arith.addi %add3A_69, %add3A_76 : i32
      %lt3A_78 = arith.constant 40 : i32
      %lt3A_79 = arith.cmpi slt, %add3A_77, %lt3A_78 : i32
      %convert_element_type3A_80 = arith.extui %lt3A_79 : i1 to i32
      %cond3A_81 = arith.constant 0 : i32
      %cond3A_82 = arith.cmpi ne, %convert_element_type3A_80, %cond3A_81 : i32
      scf.if %cond3A_82 {
        %add3A_83 = arith.constant 2 : i32
        %add3A_84 = arith.addi %add3A_69, %add3A_83 : i32
        %dma_start3A_85 = arith.constant 0 : i32
        %dma_start3A_86 = tpu.memref_slice %arg7[%add3A_84, %dma_start3A_85] : memref<40x128xi32, #tpu.memory_space<vmem>> -> memref<1x128xi32, #tpu.memory_space<vmem>>
        %dma_start3A_87 = tpu.memref_squeeze %dma_start3A_86 : memref<1x128xi32, #tpu.memory_space<vmem>> -> memref<128xi32, #tpu.memory_space<vmem>>
        %dma_start3A_88 = arith.constant 0 : i32
        %dma_start3A_89 = arith.constant 0 : i32
        %dma_start3A_90 = tpu.memref_slice %arg2[%dma_start3A_88, %dma_start3A_89] : memref<10240x128xf32, #tpu.memory_space<hbm>> -> memref<10240x128xf32, #tpu.memory_space<hbm>>
        tpu.enqueue_indirect_dma source(%dma_start3A_90 : memref<10240x128xf32, #tpu.memory_space<hbm>>) target(%arg10 : memref<128x128xf32, #tpu.memory_space<vmem>>) offsets(%dma_start3A_87 : memref<128xi32, #tpu.memory_space<vmem>>) semaphore(%arg13 : memref<!tpu.dma_semaphore, #tpu.memory_space<semaphore_mem>>)
      } else {
      }
    }
    %scan3A_50 = arith.constant 20 : i32
    %barrier3A_51 = arith.constant 0 : index
    tpu.barrier barrier_id(%barrier3A_51)
    "tpu.region"() ({
      %run_scoped3A = tpu.sem_alloc : memref<!tpu.dma_semaphore, #tpu.memory_space<semaphore_mem>>
      %dma_start3A_52 = arith.constant 0 : i32
      %dma_start3A_53 = tpu.memref_slice %arg6[%arg0, %mul3A_0, %dma_start3A_52] : memref<2x10240x128xf32, #tpu.memory_space<hbm>> -> memref<1x640x128xf32, #tpu.memory_space<hbm>>
      %dma_start3A_54 = tpu.memref_squeeze %dma_start3A_53 : memref<1x640x128xf32, #tpu.memory_space<hbm>> -> memref<640x128xf32, #tpu.memory_space<hbm>>
      %dma_start3A_55 = arith.constant 0 : i32
      %dma_start3A_56 = tpu.memref_slice %arg11[%mul3A_0, %dma_start3A_55] : memref<10240x128xf32, #tpu.memory_space<vmem_shared>> -> memref<640x128xf32, #tpu.memory_space<vmem_shared>>
      tpu.enqueue_dma source(%dma_start3A_56 : memref<640x128xf32, #tpu.memory_space<vmem_shared>>) target(%dma_start3A_54 : memref<640x128xf32, #tpu.memory_space<hbm>>) target_semaphore(%run_scoped3A : memref<!tpu.dma_semaphore, #tpu.memory_space<semaphore_mem>>)
      %dma_wait3A = arith.constant 0 : i32
      %dma_wait3A_57 = tpu.memref_slice %arg6[%arg0, %mul3A_0, %dma_wait3A] : memref<2x10240x128xf32, #tpu.memory_space<hbm>> -> memref<1x640x128xf32, #tpu.memory_space<hbm>>
      %dma_wait3A_58 = tpu.memref_squeeze %dma_wait3A_57 : memref<1x640x128xf32, #tpu.memory_space<hbm>> -> memref<640x128xf32, #tpu.memory_space<hbm>>
      %dma_wait3A_59 = arith.constant 0 : i32
      %dma_wait3A_60 = tpu.memref_slice %arg11[%mul3A_0, %dma_wait3A_59] : memref<10240x128xf32, #tpu.memory_space<vmem_shared>> -> memref<640x128xf32, #tpu.memory_space<vmem_shared>>
      tpu.wait_dma2 semaphore(%run_scoped3A : memref<!tpu.dma_semaphore, #tpu.memory_space<semaphore_mem>>) src(%dma_wait3A_60 : memref<640x128xf32, #tpu.memory_space<vmem_shared>>) dst(%dma_wait3A_58 : memref<640x128xf32, #tpu.memory_space<hbm>>)
      tpu.yield
    }) : () -> ()
    return
  }
}

#map = affine_map<(d0, d1) -> (0)>
#map1 = affine_map<(d0, d1) -> (0, 0)>
#map2 = affine_map<(d0, d1) -> (0, 0, 0)>
module attributes {stable_mosaic.version = 14 : i64} {
  func.func @_sc_prep_body(%arg0: i32, %arg1: i32, %arg2: memref<10240xi32, #tpu.memory_space<hbm>>, %arg3: memref<2560x128xi32, #tpu.memory_space<hbm>>, %arg4: memref<1000x128xf32, #tpu.memory_space<hbm>>, %arg5: memref<10240x128xf32, #tpu.memory_space<hbm>>, %arg6: memref<128x128xf32, #tpu.memory_space<hbm>>, %arg7: memref<10240x128xf32, #tpu.memory_space<hbm>>, %arg8: memref<2x10240x128xf32, #tpu.memory_space<hbm>>, %arg9: memref<128xi32, #tpu.memory_space<vmem>>, %arg10: memref<80x128xi32, #tpu.memory_space<vmem>>, %arg11: memref<128x128xf32, #tpu.memory_space<vmem>>, %arg12: memref<128x128xf32, #tpu.memory_space<vmem>>, %arg13: memref<10240x128xf32, #tpu.memory_space<vmem_shared>>, %arg14: memref<!tpu.dma_semaphore, #tpu.memory_space<semaphore_mem>>, %arg15: memref<!tpu.dma_semaphore, #tpu.memory_space<semaphore_mem>>) attributes {dimension_semantics = [#tpu.dimension_semantics<core_parallel>, #tpu.dimension_semantics<subcore_parallel>], iteration_bounds = array<i64: 2, 16>, scalar_prefetch = 0 : i64, scratch_operands = 7 : i64, tpu.core_type = #tpu.core_type<sc_vector_subcore>, window_params = [{transform_indices = #map}, {transform_indices = #map1}, {transform_indices = #map1}, {transform_indices = #map1}, {transform_indices = #map1}, {transform_indices = #map1}, {transform_indices = #map2}]} {
    %mul3A = arith.constant 16 : i32
    %mul3A_0 = arith.muli %arg0, %mul3A : i32
    %add3A = arith.addi %mul3A_0, %arg1 : i32
    %mul3A_1 = arith.constant 640 : i32
    %mul3A_2 = arith.muli %arg1, %mul3A_1 : i32
    %mul3A_3 = arith.constant 1280 : i32
    %mul3A_4 = arith.muli %arg0, %mul3A_3 : i32
    %mul3A_5 = arith.constant 80 : i32
    %mul3A_6 = arith.muli %arg1, %mul3A_5 : i32
    %add3A_7 = arith.addi %mul3A_4, %mul3A_6 : i32
    "tpu.region"() ({
      %run_scoped3A = tpu.sem_alloc : memref<!tpu.dma_semaphore, #tpu.memory_space<semaphore_mem>>
      %dma_start3A = arith.constant 0 : i32
      %dma_start3A_20 = tpu.memref_slice %arg13[%mul3A_2, %dma_start3A] : memref<10240x128xf32, #tpu.memory_space<vmem_shared>> -> memref<640x128xf32, #tpu.memory_space<vmem_shared>>
      %dma_start3A_21 = arith.constant 0 : i32
      %dma_start3A_22 = tpu.memref_slice %arg5[%mul3A_2, %dma_start3A_21] : memref<10240x128xf32, #tpu.memory_space<hbm>> -> memref<640x128xf32, #tpu.memory_space<hbm>>
      tpu.enqueue_dma source(%dma_start3A_22 : memref<640x128xf32, #tpu.memory_space<hbm>>) target(%dma_start3A_20 : memref<640x128xf32, #tpu.memory_space<vmem_shared>>) target_semaphore(%run_scoped3A : memref<!tpu.dma_semaphore, #tpu.memory_space<semaphore_mem>>)
      %dma_wait3A = arith.constant 0 : i32
      %dma_wait3A_23 = tpu.memref_slice %arg13[%mul3A_2, %dma_wait3A] : memref<10240x128xf32, #tpu.memory_space<vmem_shared>> -> memref<640x128xf32, #tpu.memory_space<vmem_shared>>
      %dma_wait3A_24 = arith.constant 0 : i32
      %dma_wait3A_25 = tpu.memref_slice %arg5[%mul3A_2, %dma_wait3A_24] : memref<10240x128xf32, #tpu.memory_space<hbm>> -> memref<640x128xf32, #tpu.memory_space<hbm>>
      tpu.wait_dma2 semaphore(%run_scoped3A : memref<!tpu.dma_semaphore, #tpu.memory_space<semaphore_mem>>) src(%dma_wait3A_25 : memref<640x128xf32, #tpu.memory_space<hbm>>) dst(%dma_wait3A_23 : memref<640x128xf32, #tpu.memory_space<vmem_shared>>)
      tpu.yield
    }) : () -> ()
    "tpu.region"() ({
      %run_scoped3A = tpu.sem_alloc : memref<!tpu.dma_semaphore, #tpu.memory_space<semaphore_mem>>
      %dma_start3A = arith.constant 0 : i32
      %dma_start3A_20 = tpu.memref_slice %arg3[%add3A_7, %dma_start3A] : memref<2560x128xi32, #tpu.memory_space<hbm>> -> memref<80x128xi32, #tpu.memory_space<hbm>>
      %dma_start3A_21 = arith.constant 0 : i32
      %dma_start3A_22 = tpu.memref_slice %arg3[%add3A_7, %dma_start3A_21] : memref<2560x128xi32, #tpu.memory_space<hbm>> -> memref<80x128xi32, #tpu.memory_space<hbm>>
      tpu.enqueue_dma source(%dma_start3A_22 : memref<80x128xi32, #tpu.memory_space<hbm>>) target(%arg10 : memref<80x128xi32, #tpu.memory_space<vmem>>) target_semaphore(%run_scoped3A : memref<!tpu.dma_semaphore, #tpu.memory_space<semaphore_mem>>)
      %dma_wait3A = arith.constant 0 : i32
      %dma_wait3A_23 = tpu.memref_slice %arg3[%add3A_7, %dma_wait3A] : memref<2560x128xi32, #tpu.memory_space<hbm>> -> memref<80x128xi32, #tpu.memory_space<hbm>>
      %dma_wait3A_24 = arith.constant 0 : i32
      %dma_wait3A_25 = tpu.memref_slice %arg3[%add3A_7, %dma_wait3A_24] : memref<2560x128xi32, #tpu.memory_space<hbm>> -> memref<80x128xi32, #tpu.memory_space<hbm>>
      tpu.wait_dma2 semaphore(%run_scoped3A : memref<!tpu.dma_semaphore, #tpu.memory_space<semaphore_mem>>) src(%dma_wait3A_25 : memref<80x128xi32, #tpu.memory_space<hbm>>) dst(%arg10 : memref<80x128xi32, #tpu.memory_space<vmem>>)
      tpu.yield
    }) : () -> ()
    "tpu.region"() ({
      %run_scoped3A = tpu.sem_alloc : memref<!tpu.dma_semaphore, #tpu.memory_space<semaphore_mem>>
      tpu.enqueue_dma source(%arg6 : memref<128x128xf32, #tpu.memory_space<hbm>>) target(%arg11 : memref<128x128xf32, #tpu.memory_space<vmem>>) target_semaphore(%run_scoped3A : memref<!tpu.dma_semaphore, #tpu.memory_space<semaphore_mem>>)
      tpu.wait_dma2 semaphore(%run_scoped3A : memref<!tpu.dma_semaphore, #tpu.memory_space<semaphore_mem>>) src(%arg6 : memref<128x128xf32, #tpu.memory_space<hbm>>) dst(%arg11 : memref<128x128xf32, #tpu.memory_space<vmem>>)
      tpu.yield
    }) : () -> ()
    %barrier3A = arith.constant 0 : index
    tpu.barrier barrier_id(%barrier3A)
    %scan3A = arith.constant 0 : i32
    %scan3A_8 = arith.constant 0 : i32
    %scan3A_9 = arith.constant 10 : i32
    %scan3A_10 = arith.addi %scan3A_8, %scan3A_9 : i32
    %scan3A_11 = arith.constant 1 : i32
    scf.for %scan3A_20 = %scan3A_8 to %scan3A_10 step %scan3A_11  : i32 {
      %mul3A_21 = arith.constant 8 : i32
      %mul3A_22 = arith.muli %scan3A_20, %mul3A_21 : i32
      %add3A_23 = arith.constant 0 : i32
      %add3A_24 = arith.addi %mul3A_22, %add3A_23 : i32
      %dma_start3A = arith.constant 0 : i32
      %dma_start3A_25 = tpu.memref_slice %arg10[%add3A_24, %dma_start3A] : memref<80x128xi32, #tpu.memory_space<vmem>> -> memref<1x128xi32, #tpu.memory_space<vmem>>
      %dma_start3A_26 = tpu.memref_squeeze %dma_start3A_25 : memref<1x128xi32, #tpu.memory_space<vmem>> -> memref<128xi32, #tpu.memory_space<vmem>>
      %dma_start3A_27 = arith.constant 0 : i32
      %dma_start3A_28 = arith.constant 0 : i32
      %dma_start3A_29 = tpu.memref_slice %arg13[%dma_start3A_27, %dma_start3A_28] : memref<10240x128xf32, #tpu.memory_space<vmem_shared>> -> memref<10240x128xf32, #tpu.memory_space<vmem_shared>>
      tpu.enqueue_indirect_dma source(%arg11 : memref<128x128xf32, #tpu.memory_space<vmem>>) target(%dma_start3A_29 : memref<10240x128xf32, #tpu.memory_space<vmem_shared>>) offsets(%dma_start3A_26 : memref<128xi32, #tpu.memory_space<vmem>>) semaphore(%arg15 : memref<!tpu.dma_semaphore, #tpu.memory_space<semaphore_mem>>) {add = true}
      %mul3A_30 = arith.constant 8 : i32
      %mul3A_31 = arith.muli %scan3A_20, %mul3A_30 : i32
      %add3A_32 = arith.constant 1 : i32
      %add3A_33 = arith.addi %mul3A_31, %add3A_32 : i32
      %dma_start3A_34 = arith.constant 0 : i32
      %dma_start3A_35 = tpu.memref_slice %arg10[%add3A_33, %dma_start3A_34] : memref<80x128xi32, #tpu.memory_space<vmem>> -> memref<1x128xi32, #tpu.memory_space<vmem>>
      %dma_start3A_36 = tpu.memref_squeeze %dma_start3A_35 : memref<1x128xi32, #tpu.memory_space<vmem>> -> memref<128xi32, #tpu.memory_space<vmem>>
      %dma_start3A_37 = arith.constant 0 : i32
      %dma_start3A_38 = arith.constant 0 : i32
      %dma_start3A_39 = tpu.memref_slice %arg13[%dma_start3A_37, %dma_start3A_38] : memref<10240x128xf32, #tpu.memory_space<vmem_shared>> -> memref<10240x128xf32, #tpu.memory_space<vmem_shared>>
      tpu.enqueue_indirect_dma source(%arg11 : memref<128x128xf32, #tpu.memory_space<vmem>>) target(%dma_start3A_39 : memref<10240x128xf32, #tpu.memory_space<vmem_shared>>) offsets(%dma_start3A_36 : memref<128xi32, #tpu.memory_space<vmem>>) semaphore(%arg15 : memref<!tpu.dma_semaphore, #tpu.memory_space<semaphore_mem>>) {add = true}
      %mul3A_40 = arith.constant 8 : i32
      %mul3A_41 = arith.muli %scan3A_20, %mul3A_40 : i32
      %add3A_42 = arith.constant 2 : i32
      %add3A_43 = arith.addi %mul3A_41, %add3A_42 : i32
      %dma_start3A_44 = arith.constant 0 : i32
      %dma_start3A_45 = tpu.memref_slice %arg10[%add3A_43, %dma_start3A_44] : memref<80x128xi32, #tpu.memory_space<vmem>> -> memref<1x128xi32, #tpu.memory_space<vmem>>
      %dma_start3A_46 = tpu.memref_squeeze %dma_start3A_45 : memref<1x128xi32, #tpu.memory_space<vmem>> -> memref<128xi32, #tpu.memory_space<vmem>>
      %dma_start3A_47 = arith.constant 0 : i32
      %dma_start3A_48 = arith.constant 0 : i32
      %dma_start3A_49 = tpu.memref_slice %arg13[%dma_start3A_47, %dma_start3A_48] : memref<10240x128xf32, #tpu.memory_space<vmem_shared>> -> memref<10240x128xf32, #tpu.memory_space<vmem_shared>>
      tpu.enqueue_indirect_dma source(%arg11 : memref<128x128xf32, #tpu.memory_space<vmem>>) target(%dma_start3A_49 : memref<10240x128xf32, #tpu.memory_space<vmem_shared>>) offsets(%dma_start3A_46 : memref<128xi32, #tpu.memory_space<vmem>>) semaphore(%arg15 : memref<!tpu.dma_semaphore, #tpu.memory_space<semaphore_mem>>) {add = true}
      %mul3A_50 = arith.constant 8 : i32
      %mul3A_51 = arith.muli %scan3A_20, %mul3A_50 : i32
      %add3A_52 = arith.constant 3 : i32
      %add3A_53 = arith.addi %mul3A_51, %add3A_52 : i32
      %dma_start3A_54 = arith.constant 0 : i32
      %dma_start3A_55 = tpu.memref_slice %arg10[%add3A_53, %dma_start3A_54] : memref<80x128xi32, #tpu.memory_space<vmem>> -> memref<1x128xi32, #tpu.memory_space<vmem>>
      %dma_start3A_56 = tpu.memref_squeeze %dma_start3A_55 : memref<1x128xi32, #tpu.memory_space<vmem>> -> memref<128xi32, #tpu.memory_space<vmem>>
      %dma_start3A_57 = arith.constant 0 : i32
      %dma_start3A_58 = arith.constant 0 : i32
      %dma_start3A_59 = tpu.memref_slice %arg13[%dma_start3A_57, %dma_start3A_58] : memref<10240x128xf32, #tpu.memory_space<vmem_shared>> -> memref<10240x128xf32, #tpu.memory_space<vmem_shared>>
      tpu.enqueue_indirect_dma source(%arg11 : memref<128x128xf32, #tpu.memory_space<vmem>>) target(%dma_start3A_59 : memref<10240x128xf32, #tpu.memory_space<vmem_shared>>) offsets(%dma_start3A_56 : memref<128xi32, #tpu.memory_space<vmem>>) semaphore(%arg15 : memref<!tpu.dma_semaphore, #tpu.memory_space<semaphore_mem>>) {add = true}
      %mul3A_60 = arith.constant 8 : i32
      %mul3A_61 = arith.muli %scan3A_20, %mul3A_60 : i32
      %add3A_62 = arith.constant 4 : i32
      %add3A_63 = arith.addi %mul3A_61, %add3A_62 : i32
      %dma_start3A_64 = arith.constant 0 : i32
      %dma_start3A_65 = tpu.memref_slice %arg10[%add3A_63, %dma_start3A_64] : memref<80x128xi32, #tpu.memory_space<vmem>> -> memref<1x128xi32, #tpu.memory_space<vmem>>
      %dma_start3A_66 = tpu.memref_squeeze %dma_start3A_65 : memref<1x128xi32, #tpu.memory_space<vmem>> -> memref<128xi32, #tpu.memory_space<vmem>>
      %dma_start3A_67 = arith.constant 0 : i32
      %dma_start3A_68 = arith.constant 0 : i32
      %dma_start3A_69 = tpu.memref_slice %arg13[%dma_start3A_67, %dma_start3A_68] : memref<10240x128xf32, #tpu.memory_space<vmem_shared>> -> memref<10240x128xf32, #tpu.memory_space<vmem_shared>>
      tpu.enqueue_indirect_dma source(%arg11 : memref<128x128xf32, #tpu.memory_space<vmem>>) target(%dma_start3A_69 : memref<10240x128xf32, #tpu.memory_space<vmem_shared>>) offsets(%dma_start3A_66 : memref<128xi32, #tpu.memory_space<vmem>>) semaphore(%arg15 : memref<!tpu.dma_semaphore, #tpu.memory_space<semaphore_mem>>) {add = true}
      %mul3A_70 = arith.constant 8 : i32
      %mul3A_71 = arith.muli %scan3A_20, %mul3A_70 : i32
      %add3A_72 = arith.constant 5 : i32
      %add3A_73 = arith.addi %mul3A_71, %add3A_72 : i32
      %dma_start3A_74 = arith.constant 0 : i32
      %dma_start3A_75 = tpu.memref_slice %arg10[%add3A_73, %dma_start3A_74] : memref<80x128xi32, #tpu.memory_space<vmem>> -> memref<1x128xi32, #tpu.memory_space<vmem>>
      %dma_start3A_76 = tpu.memref_squeeze %dma_start3A_75 : memref<1x128xi32, #tpu.memory_space<vmem>> -> memref<128xi32, #tpu.memory_space<vmem>>
      %dma_start3A_77 = arith.constant 0 : i32
      %dma_start3A_78 = arith.constant 0 : i32
      %dma_start3A_79 = tpu.memref_slice %arg13[%dma_start3A_77, %dma_start3A_78] : memref<10240x128xf32, #tpu.memory_space<vmem_shared>> -> memref<10240x128xf32, #tpu.memory_space<vmem_shared>>
      tpu.enqueue_indirect_dma source(%arg11 : memref<128x128xf32, #tpu.memory_space<vmem>>) target(%dma_start3A_79 : memref<10240x128xf32, #tpu.memory_space<vmem_shared>>) offsets(%dma_start3A_76 : memref<128xi32, #tpu.memory_space<vmem>>) semaphore(%arg15 : memref<!tpu.dma_semaphore, #tpu.memory_space<semaphore_mem>>) {add = true}
      %mul3A_80 = arith.constant 8 : i32
      %mul3A_81 = arith.muli %scan3A_20, %mul3A_80 : i32
      %add3A_82 = arith.constant 6 : i32
      %add3A_83 = arith.addi %mul3A_81, %add3A_82 : i32
      %dma_start3A_84 = arith.constant 0 : i32
      %dma_start3A_85 = tpu.memref_slice %arg10[%add3A_83, %dma_start3A_84] : memref<80x128xi32, #tpu.memory_space<vmem>> -> memref<1x128xi32, #tpu.memory_space<vmem>>
      %dma_start3A_86 = tpu.memref_squeeze %dma_start3A_85 : memref<1x128xi32, #tpu.memory_space<vmem>> -> memref<128xi32, #tpu.memory_space<vmem>>
      %dma_start3A_87 = arith.constant 0 : i32
      %dma_start3A_88 = arith.constant 0 : i32
      %dma_start3A_89 = tpu.memref_slice %arg13[%dma_start3A_87, %dma_start3A_88] : memref<10240x128xf32, #tpu.memory_space<vmem_shared>> -> memref<10240x128xf32, #tpu.memory_space<vmem_shared>>
      tpu.enqueue_indirect_dma source(%arg11 : memref<128x128xf32, #tpu.memory_space<vmem>>) target(%dma_start3A_89 : memref<10240x128xf32, #tpu.memory_space<vmem_shared>>) offsets(%dma_start3A_86 : memref<128xi32, #tpu.memory_space<vmem>>) semaphore(%arg15 : memref<!tpu.dma_semaphore, #tpu.memory_space<semaphore_mem>>) {add = true}
      %mul3A_90 = arith.constant 8 : i32
      %mul3A_91 = arith.muli %scan3A_20, %mul3A_90 : i32
      %add3A_92 = arith.constant 7 : i32
      %add3A_93 = arith.addi %mul3A_91, %add3A_92 : i32
      %dma_start3A_94 = arith.constant 0 : i32
      %dma_start3A_95 = tpu.memref_slice %arg10[%add3A_93, %dma_start3A_94] : memref<80x128xi32, #tpu.memory_space<vmem>> -> memref<1x128xi32, #tpu.memory_space<vmem>>
      %dma_start3A_96 = tpu.memref_squeeze %dma_start3A_95 : memref<1x128xi32, #tpu.memory_space<vmem>> -> memref<128xi32, #tpu.memory_space<vmem>>
      %dma_start3A_97 = arith.constant 0 : i32
      %dma_start3A_98 = arith.constant 0 : i32
      %dma_start3A_99 = tpu.memref_slice %arg13[%dma_start3A_97, %dma_start3A_98] : memref<10240x128xf32, #tpu.memory_space<vmem_shared>> -> memref<10240x128xf32, #tpu.memory_space<vmem_shared>>
      tpu.enqueue_indirect_dma source(%arg11 : memref<128x128xf32, #tpu.memory_space<vmem>>) target(%dma_start3A_99 : memref<10240x128xf32, #tpu.memory_space<vmem_shared>>) offsets(%dma_start3A_96 : memref<128xi32, #tpu.memory_space<vmem>>) semaphore(%arg15 : memref<!tpu.dma_semaphore, #tpu.memory_space<semaphore_mem>>) {add = true}
      %mul3A_100 = arith.constant 8 : i32
      %mul3A_101 = arith.muli %scan3A_20, %mul3A_100 : i32
      %add3A_102 = arith.constant 0 : i32
      %add3A_103 = arith.addi %mul3A_101, %add3A_102 : i32
      %dma_wait3A = arith.constant 0 : i32
      %dma_wait3A_104 = tpu.memref_slice %arg10[%add3A_103, %dma_wait3A] : memref<80x128xi32, #tpu.memory_space<vmem>> -> memref<1x128xi32, #tpu.memory_space<vmem>>
      %dma_wait3A_105 = tpu.memref_squeeze %dma_wait3A_104 : memref<1x128xi32, #tpu.memory_space<vmem>> -> memref<128xi32, #tpu.memory_space<vmem>>
      %dma_wait3A_106 = arith.constant 0 : i32
      %dma_wait3A_107 = arith.constant 0 : i32
      %dma_wait3A_108 = tpu.memref_slice %arg13[%dma_wait3A_106, %dma_wait3A_107] : memref<10240x128xf32, #tpu.memory_space<vmem_shared>> -> memref<10240x128xf32, #tpu.memory_space<vmem_shared>>
      tpu.wait_indirect_dma semaphore(%arg15 : memref<!tpu.dma_semaphore, #tpu.memory_space<semaphore_mem>>) src(%arg11 : memref<128x128xf32, #tpu.memory_space<vmem>>) dst(%dma_wait3A_108 : memref<10240x128xf32, #tpu.memory_space<vmem_shared>>)
      %mul3A_109 = arith.constant 8 : i32
      %mul3A_110 = arith.muli %scan3A_20, %mul3A_109 : i32
      %add3A_111 = arith.constant 1 : i32
      %add3A_112 = arith.addi %mul3A_110, %add3A_111 : i32
      %dma_wait3A_113 = arith.constant 0 : i32
      %dma_wait3A_114 = tpu.memref_slice %arg10[%add3A_112, %dma_wait3A_113] : memref<80x128xi32, #tpu.memory_space<vmem>> -> memref<1x128xi32, #tpu.memory_space<vmem>>
      %dma_wait3A_115 = tpu.memref_squeeze %dma_wait3A_114 : memref<1x128xi32, #tpu.memory_space<vmem>> -> memref<128xi32, #tpu.memory_space<vmem>>
      %dma_wait3A_116 = arith.constant 0 : i32
      %dma_wait3A_117 = arith.constant 0 : i32
      %dma_wait3A_118 = tpu.memref_slice %arg13[%dma_wait3A_116, %dma_wait3A_117] : memref<10240x128xf32, #tpu.memory_space<vmem_shared>> -> memref<10240x128xf32, #tpu.memory_space<vmem_shared>>
      tpu.wait_indirect_dma semaphore(%arg15 : memref<!tpu.dma_semaphore, #tpu.memory_space<semaphore_mem>>) src(%arg11 : memref<128x128xf32, #tpu.memory_space<vmem>>) dst(%dma_wait3A_118 : memref<10240x128xf32, #tpu.memory_space<vmem_shared>>)
      %mul3A_119 = arith.constant 8 : i32
      %mul3A_120 = arith.muli %scan3A_20, %mul3A_119 : i32
      %add3A_121 = arith.constant 2 : i32
      %add3A_122 = arith.addi %mul3A_120, %add3A_121 : i32
      %dma_wait3A_123 = arith.constant 0 : i32
      %dma_wait3A_124 = tpu.memref_slice %arg10[%add3A_122, %dma_wait3A_123] : memref<80x128xi32, #tpu.memory_space<vmem>> -> memref<1x128xi32, #tpu.memory_space<vmem>>
      %dma_wait3A_125 = tpu.memref_squeeze %dma_wait3A_124 : memref<1x128xi32, #tpu.memory_space<vmem>> -> memref<128xi32, #tpu.memory_space<vmem>>
      %dma_wait3A_126 = arith.constant 0 : i32
      %dma_wait3A_127 = arith.constant 0 : i32
      %dma_wait3A_128 = tpu.memref_slice %arg13[%dma_wait3A_126, %dma_wait3A_127] : memref<10240x128xf32, #tpu.memory_space<vmem_shared>> -> memref<10240x128xf32, #tpu.memory_space<vmem_shared>>
      tpu.wait_indirect_dma semaphore(%arg15 : memref<!tpu.dma_semaphore, #tpu.memory_space<semaphore_mem>>) src(%arg11 : memref<128x128xf32, #tpu.memory_space<vmem>>) dst(%dma_wait3A_128 : memref<10240x128xf32, #tpu.memory_space<vmem_shared>>)
      %mul3A_129 = arith.constant 8 : i32
      %mul3A_130 = arith.muli %scan3A_20, %mul3A_129 : i32
      %add3A_131 = arith.constant 3 : i32
      %add3A_132 = arith.addi %mul3A_130, %add3A_131 : i32
      %dma_wait3A_133 = arith.constant 0 : i32
      %dma_wait3A_134 = tpu.memref_slice %arg10[%add3A_132, %dma_wait3A_133] : memref<80x128xi32, #tpu.memory_space<vmem>> -> memref<1x128xi32, #tpu.memory_space<vmem>>
      %dma_wait3A_135 = tpu.memref_squeeze %dma_wait3A_134 : memref<1x128xi32, #tpu.memory_space<vmem>> -> memref<128xi32, #tpu.memory_space<vmem>>
      %dma_wait3A_136 = arith.constant 0 : i32
      %dma_wait3A_137 = arith.constant 0 : i32
      %dma_wait3A_138 = tpu.memref_slice %arg13[%dma_wait3A_136, %dma_wait3A_137] : memref<10240x128xf32, #tpu.memory_space<vmem_shared>> -> memref<10240x128xf32, #tpu.memory_space<vmem_shared>>
      tpu.wait_indirect_dma semaphore(%arg15 : memref<!tpu.dma_semaphore, #tpu.memory_space<semaphore_mem>>) src(%arg11 : memref<128x128xf32, #tpu.memory_space<vmem>>) dst(%dma_wait3A_138 : memref<10240x128xf32, #tpu.memory_space<vmem_shared>>)
      %mul3A_139 = arith.constant 8 : i32
      %mul3A_140 = arith.muli %scan3A_20, %mul3A_139 : i32
      %add3A_141 = arith.constant 4 : i32
      %add3A_142 = arith.addi %mul3A_140, %add3A_141 : i32
      %dma_wait3A_143 = arith.constant 0 : i32
      %dma_wait3A_144 = tpu.memref_slice %arg10[%add3A_142, %dma_wait3A_143] : memref<80x128xi32, #tpu.memory_space<vmem>> -> memref<1x128xi32, #tpu.memory_space<vmem>>
      %dma_wait3A_145 = tpu.memref_squeeze %dma_wait3A_144 : memref<1x128xi32, #tpu.memory_space<vmem>> -> memref<128xi32, #tpu.memory_space<vmem>>
      %dma_wait3A_146 = arith.constant 0 : i32
      %dma_wait3A_147 = arith.constant 0 : i32
      %dma_wait3A_148 = tpu.memref_slice %arg13[%dma_wait3A_146, %dma_wait3A_147] : memref<10240x128xf32, #tpu.memory_space<vmem_shared>> -> memref<10240x128xf32, #tpu.memory_space<vmem_shared>>
      tpu.wait_indirect_dma semaphore(%arg15 : memref<!tpu.dma_semaphore, #tpu.memory_space<semaphore_mem>>) src(%arg11 : memref<128x128xf32, #tpu.memory_space<vmem>>) dst(%dma_wait3A_148 : memref<10240x128xf32, #tpu.memory_space<vmem_shared>>)
      %mul3A_149 = arith.constant 8 : i32
      %mul3A_150 = arith.muli %scan3A_20, %mul3A_149 : i32
      %add3A_151 = arith.constant 5 : i32
      %add3A_152 = arith.addi %mul3A_150, %add3A_151 : i32
      %dma_wait3A_153 = arith.constant 0 : i32
      %dma_wait3A_154 = tpu.memref_slice %arg10[%add3A_152, %dma_wait3A_153] : memref<80x128xi32, #tpu.memory_space<vmem>> -> memref<1x128xi32, #tpu.memory_space<vmem>>
      %dma_wait3A_155 = tpu.memref_squeeze %dma_wait3A_154 : memref<1x128xi32, #tpu.memory_space<vmem>> -> memref<128xi32, #tpu.memory_space<vmem>>
      %dma_wait3A_156 = arith.constant 0 : i32
      %dma_wait3A_157 = arith.constant 0 : i32
      %dma_wait3A_158 = tpu.memref_slice %arg13[%dma_wait3A_156, %dma_wait3A_157] : memref<10240x128xf32, #tpu.memory_space<vmem_shared>> -> memref<10240x128xf32, #tpu.memory_space<vmem_shared>>
      tpu.wait_indirect_dma semaphore(%arg15 : memref<!tpu.dma_semaphore, #tpu.memory_space<semaphore_mem>>) src(%arg11 : memref<128x128xf32, #tpu.memory_space<vmem>>) dst(%dma_wait3A_158 : memref<10240x128xf32, #tpu.memory_space<vmem_shared>>)
      %mul3A_159 = arith.constant 8 : i32
      %mul3A_160 = arith.muli %scan3A_20, %mul3A_159 : i32
      %add3A_161 = arith.constant 6 : i32
      %add3A_162 = arith.addi %mul3A_160, %add3A_161 : i32
      %dma_wait3A_163 = arith.constant 0 : i32
      %dma_wait3A_164 = tpu.memref_slice %arg10[%add3A_162, %dma_wait3A_163] : memref<80x128xi32, #tpu.memory_space<vmem>> -> memref<1x128xi32, #tpu.memory_space<vmem>>
      %dma_wait3A_165 = tpu.memref_squeeze %dma_wait3A_164 : memref<1x128xi32, #tpu.memory_space<vmem>> -> memref<128xi32, #tpu.memory_space<vmem>>
      %dma_wait3A_166 = arith.constant 0 : i32
      %dma_wait3A_167 = arith.constant 0 : i32
      %dma_wait3A_168 = tpu.memref_slice %arg13[%dma_wait3A_166, %dma_wait3A_167] : memref<10240x128xf32, #tpu.memory_space<vmem_shared>> -> memref<10240x128xf32, #tpu.memory_space<vmem_shared>>
      tpu.wait_indirect_dma semaphore(%arg15 : memref<!tpu.dma_semaphore, #tpu.memory_space<semaphore_mem>>) src(%arg11 : memref<128x128xf32, #tpu.memory_space<vmem>>) dst(%dma_wait3A_168 : memref<10240x128xf32, #tpu.memory_space<vmem_shared>>)
      %mul3A_169 = arith.constant 8 : i32
      %mul3A_170 = arith.muli %scan3A_20, %mul3A_169 : i32
      %add3A_171 = arith.constant 7 : i32
      %add3A_172 = arith.addi %mul3A_170, %add3A_171 : i32
      %dma_wait3A_173 = arith.constant 0 : i32
      %dma_wait3A_174 = tpu.memref_slice %arg10[%add3A_172, %dma_wait3A_173] : memref<80x128xi32, #tpu.memory_space<vmem>> -> memref<1x128xi32, #tpu.memory_space<vmem>>
      %dma_wait3A_175 = tpu.memref_squeeze %dma_wait3A_174 : memref<1x128xi32, #tpu.memory_space<vmem>> -> memref<128xi32, #tpu.memory_space<vmem>>
      %dma_wait3A_176 = arith.constant 0 : i32
      %dma_wait3A_177 = arith.constant 0 : i32
      %dma_wait3A_178 = tpu.memref_slice %arg13[%dma_wait3A_176, %dma_wait3A_177] : memref<10240x128xf32, #tpu.memory_space<vmem_shared>> -> memref<10240x128xf32, #tpu.memory_space<vmem_shared>>
      tpu.wait_indirect_dma semaphore(%arg15 : memref<!tpu.dma_semaphore, #tpu.memory_space<semaphore_mem>>) src(%arg11 : memref<128x128xf32, #tpu.memory_space<vmem>>) dst(%dma_wait3A_178 : memref<10240x128xf32, #tpu.memory_space<vmem_shared>>)
    }
    %scan3A_12 = arith.constant 10 : i32
    %scan3A_13 = arith.constant 0 : i32
    %scan3A_14 = arith.constant 0 : i32
    %scan3A_15 = arith.constant 3 : i32
    %scan3A_16 = arith.addi %scan3A_14, %scan3A_15 : i32
    %scan3A_17 = arith.constant 1 : i32
    scf.for %scan3A_20 = %scan3A_14 to %scan3A_16 step %scan3A_17  : i32 {
      %mul3A_21 = arith.constant 32 : i32
      %mul3A_22 = arith.muli %mul3A_21, %scan3A_20 : i32
      %add3A_23 = arith.addi %add3A, %mul3A_22 : i32
      %lt3A = arith.constant 80 : i32
      %lt3A_24 = arith.cmpi slt, %add3A_23, %lt3A : i32
      %convert_element_type3A = arith.extui %lt3A_24 : i1 to i32
      %cond3A = arith.constant 0 : i32
      %cond3A_25 = arith.cmpi ne, %convert_element_type3A, %cond3A : i32
      scf.if %cond3A_25 {
        %mul3A_26 = arith.constant 128 : i32
        %mul3A_27 = arith.muli %add3A_23, %mul3A_26 : i32
        "tpu.region"() ({
          %run_scoped3A = tpu.sem_alloc : memref<!tpu.dma_semaphore, #tpu.memory_space<semaphore_mem>>
          %dma_start3A_32 = tpu.memref_slice %arg2[%mul3A_27] : memref<10240xi32, #tpu.memory_space<hbm>> -> memref<128xi32, #tpu.memory_space<hbm>>
          %dma_start3A_33 = tpu.memref_slice %arg2[%mul3A_27] : memref<10240xi32, #tpu.memory_space<hbm>> -> memref<128xi32, #tpu.memory_space<hbm>>
          tpu.enqueue_dma source(%dma_start3A_33 : memref<128xi32, #tpu.memory_space<hbm>>) target(%arg9 : memref<128xi32, #tpu.memory_space<vmem>>) target_semaphore(%run_scoped3A : memref<!tpu.dma_semaphore, #tpu.memory_space<semaphore_mem>>)
          %dma_wait3A_34 = tpu.memref_slice %arg2[%mul3A_27] : memref<10240xi32, #tpu.memory_space<hbm>> -> memref<128xi32, #tpu.memory_space<hbm>>
          %dma_wait3A_35 = tpu.memref_slice %arg2[%mul3A_27] : memref<10240xi32, #tpu.memory_space<hbm>> -> memref<128xi32, #tpu.memory_space<hbm>>
          tpu.wait_dma2 semaphore(%run_scoped3A : memref<!tpu.dma_semaphore, #tpu.memory_space<semaphore_mem>>) src(%dma_wait3A_35 : memref<128xi32, #tpu.memory_space<hbm>>) dst(%arg9 : memref<128xi32, #tpu.memory_space<vmem>>)
          tpu.yield
        }) : () -> ()
        %dma_start3A = arith.constant 0 : i32
        %dma_start3A_28 = arith.constant 0 : i32
        %dma_start3A_29 = tpu.memref_slice %arg4[%dma_start3A, %dma_start3A_28] : memref<1000x128xf32, #tpu.memory_space<hbm>> -> memref<1000x128xf32, #tpu.memory_space<hbm>>
        tpu.enqueue_indirect_dma source(%dma_start3A_29 : memref<1000x128xf32, #tpu.memory_space<hbm>>) target(%arg12 : memref<128x128xf32, #tpu.memory_space<vmem>>) offsets(%arg9 : memref<128xi32, #tpu.memory_space<vmem>>) semaphore(%arg14 : memref<!tpu.dma_semaphore, #tpu.memory_space<semaphore_mem>>)
        %dma_wait3A = arith.constant 0 : i32
        %dma_wait3A_30 = arith.constant 0 : i32
        %dma_wait3A_31 = tpu.memref_slice %arg4[%dma_wait3A, %dma_wait3A_30] : memref<1000x128xf32, #tpu.memory_space<hbm>> -> memref<1000x128xf32, #tpu.memory_space<hbm>>
        tpu.wait_indirect_dma semaphore(%arg14 : memref<!tpu.dma_semaphore, #tpu.memory_space<semaphore_mem>>) src(%dma_wait3A_31 : memref<1000x128xf32, #tpu.memory_space<hbm>>) dst(%arg12 : memref<128x128xf32, #tpu.memory_space<vmem>>)
        "tpu.region"() ({
          %run_scoped3A = tpu.sem_alloc : memref<!tpu.dma_semaphore, #tpu.memory_space<semaphore_mem>>
          %dma_start3A_32 = arith.constant 0 : i32
          %dma_start3A_33 = tpu.memref_slice %arg7[%mul3A_27, %dma_start3A_32] : memref<10240x128xf32, #tpu.memory_space<hbm>> -> memref<128x128xf32, #tpu.memory_space<hbm>>
          %dma_start3A_34 = arith.constant 0 : i32
          %dma_start3A_35 = tpu.memref_slice %arg7[%mul3A_27, %dma_start3A_34] : memref<10240x128xf32, #tpu.memory_space<hbm>> -> memref<128x128xf32, #tpu.memory_space<hbm>>
          tpu.enqueue_dma source(%arg12 : memref<128x128xf32, #tpu.memory_space<vmem>>) target(%dma_start3A_35 : memref<128x128xf32, #tpu.memory_space<hbm>>) target_semaphore(%run_scoped3A : memref<!tpu.dma_semaphore, #tpu.memory_space<semaphore_mem>>)
          %dma_wait3A_36 = arith.constant 0 : i32
          %dma_wait3A_37 = tpu.memref_slice %arg7[%mul3A_27, %dma_wait3A_36] : memref<10240x128xf32, #tpu.memory_space<hbm>> -> memref<128x128xf32, #tpu.memory_space<hbm>>
          %dma_wait3A_38 = arith.constant 0 : i32
          %dma_wait3A_39 = tpu.memref_slice %arg7[%mul3A_27, %dma_wait3A_38] : memref<10240x128xf32, #tpu.memory_space<hbm>> -> memref<128x128xf32, #tpu.memory_space<hbm>>
          tpu.wait_dma2 semaphore(%run_scoped3A : memref<!tpu.dma_semaphore, #tpu.memory_space<semaphore_mem>>) src(%arg12 : memref<128x128xf32, #tpu.memory_space<vmem>>) dst(%dma_wait3A_39 : memref<128x128xf32, #tpu.memory_space<hbm>>)
          tpu.yield
        }) : () -> ()
      } else {
      }
    }
    %scan3A_18 = arith.constant 3 : i32
    %barrier3A_19 = arith.constant 0 : index
    tpu.barrier barrier_id(%barrier3A_19)
    "tpu.region"() ({
      %run_scoped3A = tpu.sem_alloc : memref<!tpu.dma_semaphore, #tpu.memory_space<semaphore_mem>>
      %dma_start3A = arith.constant 0 : i32
      %dma_start3A_20 = tpu.memref_slice %arg8[%arg0, %mul3A_2, %dma_start3A] : memref<2x10240x128xf32, #tpu.memory_space<hbm>> -> memref<1x640x128xf32, #tpu.memory_space<hbm>>
      %dma_start3A_21 = tpu.memref_squeeze %dma_start3A_20 : memref<1x640x128xf32, #tpu.memory_space<hbm>> -> memref<640x128xf32, #tpu.memory_space<hbm>>
      %dma_start3A_22 = arith.constant 0 : i32
      %dma_start3A_23 = tpu.memref_slice %arg13[%mul3A_2, %dma_start3A_22] : memref<10240x128xf32, #tpu.memory_space<vmem_shared>> -> memref<640x128xf32, #tpu.memory_space<vmem_shared>>
      tpu.enqueue_dma source(%dma_start3A_23 : memref<640x128xf32, #tpu.memory_space<vmem_shared>>) target(%dma_start3A_21 : memref<640x128xf32, #tpu.memory_space<hbm>>) target_semaphore(%run_scoped3A : memref<!tpu.dma_semaphore, #tpu.memory_space<semaphore_mem>>)
      %dma_wait3A = arith.constant 0 : i32
      %dma_wait3A_24 = tpu.memref_slice %arg8[%arg0, %mul3A_2, %dma_wait3A] : memref<2x10240x128xf32, #tpu.memory_space<hbm>> -> memref<1x640x128xf32, #tpu.memory_space<hbm>>
      %dma_wait3A_25 = tpu.memref_squeeze %dma_wait3A_24 : memref<1x640x128xf32, #tpu.memory_space<hbm>> -> memref<640x128xf32, #tpu.memory_space<hbm>>
      %dma_wait3A_26 = arith.constant 0 : i32
      %dma_wait3A_27 = tpu.memref_slice %arg13[%mul3A_2, %dma_wait3A_26] : memref<10240x128xf32, #tpu.memory_space<vmem_shared>> -> memref<640x128xf32, #tpu.memory_space<vmem_shared>>
      tpu.wait_dma2 semaphore(%run_scoped3A : memref<!tpu.dma_semaphore, #tpu.memory_space<semaphore_mem>>) src(%dma_wait3A_27 : memref<640x128xf32, #tpu.memory_space<vmem_shared>>) dst(%dma_wait3A_25 : memref<640x128xf32, #tpu.memory_space<hbm>>)
      tpu.yield
    }) : () -> ()
    return
  }
}

#map = affine_map<(d0, d1) -> (0, 0)>
#map1 = affine_map<(d0, d1) -> (0, 0, 0)>
module attributes {stable_mosaic.version = 14 : i64} {
  func.func @_sc_agg_body(%arg0: i32, %arg1: i32, %arg2: memref<10240x128xf32, #tpu.memory_space<hbm>>, %arg3: memref<2560x128xi32, #tpu.memory_space<hbm>>, %arg4: memref<2560x128xi32, #tpu.memory_space<hbm>>, %arg5: memref<10240x128xf32, #tpu.memory_space<hbm>>, %arg6: memref<2x10240x128xf32, #tpu.memory_space<hbm>>, %arg7: memref<40x128xi32, #tpu.memory_space<vmem>>, %arg8: memref<40x128xi32, #tpu.memory_space<vmem>>, %arg9: memref<128x128xf32, #tpu.memory_space<vmem>>, %arg10: memref<128x128xf32, #tpu.memory_space<vmem>>, %arg11: memref<10240x128xf32, #tpu.memory_space<vmem_shared>>, %arg12: memref<!tpu.dma_semaphore, #tpu.memory_space<semaphore_mem>>, %arg13: memref<!tpu.dma_semaphore, #tpu.memory_space<semaphore_mem>>) attributes {dimension_semantics = [#tpu.dimension_semantics<core_parallel>, #tpu.dimension_semantics<subcore_parallel>], iteration_bounds = array<i64: 2, 16>, scalar_prefetch = 0 : i64, scratch_operands = 7 : i64, tpu.core_type = #tpu.core_type<sc_vector_subcore>, window_params = [{transform_indices = #map}, {transform_indices = #map}, {transform_indices = #map}, {transform_indices = #map}, {transform_indices = #map1}]} {
    %mul3A = arith.constant 640 : i32
    %mul3A_0 = arith.muli %arg1, %mul3A : i32
    %mul3A_1 = arith.constant 1280 : i32
    %mul3A_2 = arith.muli %arg0, %mul3A_1 : i32
    %mul3A_3 = arith.constant 80 : i32
    %mul3A_4 = arith.muli %arg1, %mul3A_3 : i32
    %add3A = arith.addi %mul3A_2, %mul3A_4 : i32
    "tpu.region"() ({
      %run_scoped3A = tpu.sem_alloc : memref<!tpu.dma_semaphore, #tpu.memory_space<semaphore_mem>>
      %dma_start3A_52 = arith.constant 0 : i32
      %dma_start3A_53 = tpu.memref_slice %arg11[%mul3A_0, %dma_start3A_52] : memref<10240x128xf32, #tpu.memory_space<vmem_shared>> -> memref<640x128xf32, #tpu.memory_space<vmem_shared>>
      %dma_start3A_54 = arith.constant 0 : i32
      %dma_start3A_55 = tpu.memref_slice %arg5[%mul3A_0, %dma_start3A_54] : memref<10240x128xf32, #tpu.memory_space<hbm>> -> memref<640x128xf32, #tpu.memory_space<hbm>>
      tpu.enqueue_dma source(%dma_start3A_55 : memref<640x128xf32, #tpu.memory_space<hbm>>) target(%dma_start3A_53 : memref<640x128xf32, #tpu.memory_space<vmem_shared>>) target_semaphore(%run_scoped3A : memref<!tpu.dma_semaphore, #tpu.memory_space<semaphore_mem>>)
      %dma_wait3A = arith.constant 0 : i32
      %dma_wait3A_56 = tpu.memref_slice %arg11[%mul3A_0, %dma_wait3A] : memref<10240x128xf32, #tpu.memory_space<vmem_shared>> -> memref<640x128xf32, #tpu.memory_space<vmem_shared>>
      %dma_wait3A_57 = arith.constant 0 : i32
      %dma_wait3A_58 = tpu.memref_slice %arg5[%mul3A_0, %dma_wait3A_57] : memref<10240x128xf32, #tpu.memory_space<hbm>> -> memref<640x128xf32, #tpu.memory_space<hbm>>
      tpu.wait_dma2 semaphore(%run_scoped3A : memref<!tpu.dma_semaphore, #tpu.memory_space<semaphore_mem>>) src(%dma_wait3A_58 : memref<640x128xf32, #tpu.memory_space<hbm>>) dst(%dma_wait3A_56 : memref<640x128xf32, #tpu.memory_space<vmem_shared>>)
      tpu.yield
    }) : () -> ()
    %barrier3A = arith.constant 0 : index
    tpu.barrier barrier_id(%barrier3A)
    %add3A_5 = arith.constant 0 : i32
    %add3A_6 = arith.addi %add3A, %add3A_5 : i32
    "tpu.region"() ({
      %run_scoped3A = tpu.sem_alloc : memref<!tpu.dma_semaphore, #tpu.memory_space<semaphore_mem>>
      %dma_start3A_52 = arith.constant 0 : i32
      %dma_start3A_53 = tpu.memref_slice %arg3[%add3A_6, %dma_start3A_52] : memref<2560x128xi32, #tpu.memory_space<hbm>> -> memref<40x128xi32, #tpu.memory_space<hbm>>
      %dma_start3A_54 = arith.constant 0 : i32
      %dma_start3A_55 = tpu.memref_slice %arg3[%add3A_6, %dma_start3A_54] : memref<2560x128xi32, #tpu.memory_space<hbm>> -> memref<40x128xi32, #tpu.memory_space<hbm>>
      tpu.enqueue_dma source(%dma_start3A_55 : memref<40x128xi32, #tpu.memory_space<hbm>>) target(%arg7 : memref<40x128xi32, #tpu.memory_space<vmem>>) target_semaphore(%run_scoped3A : memref<!tpu.dma_semaphore, #tpu.memory_space<semaphore_mem>>)
      %dma_wait3A = arith.constant 0 : i32
      %dma_wait3A_56 = tpu.memref_slice %arg3[%add3A_6, %dma_wait3A] : memref<2560x128xi32, #tpu.memory_space<hbm>> -> memref<40x128xi32, #tpu.memory_space<hbm>>
      %dma_wait3A_57 = arith.constant 0 : i32
      %dma_wait3A_58 = tpu.memref_slice %arg3[%add3A_6, %dma_wait3A_57] : memref<2560x128xi32, #tpu.memory_space<hbm>> -> memref<40x128xi32, #tpu.memory_space<hbm>>
      tpu.wait_dma2 semaphore(%run_scoped3A : memref<!tpu.dma_semaphore, #tpu.memory_space<semaphore_mem>>) src(%dma_wait3A_58 : memref<40x128xi32, #tpu.memory_space<hbm>>) dst(%arg7 : memref<40x128xi32, #tpu.memory_space<vmem>>)
      tpu.yield
    }) : () -> ()
    %add3A_7 = arith.constant 0 : i32
    %add3A_8 = arith.addi %add3A, %add3A_7 : i32
    "tpu.region"() ({
      %run_scoped3A = tpu.sem_alloc : memref<!tpu.dma_semaphore, #tpu.memory_space<semaphore_mem>>
      %dma_start3A_52 = arith.constant 0 : i32
      %dma_start3A_53 = tpu.memref_slice %arg4[%add3A_8, %dma_start3A_52] : memref<2560x128xi32, #tpu.memory_space<hbm>> -> memref<40x128xi32, #tpu.memory_space<hbm>>
      %dma_start3A_54 = arith.constant 0 : i32
      %dma_start3A_55 = tpu.memref_slice %arg4[%add3A_8, %dma_start3A_54] : memref<2560x128xi32, #tpu.memory_space<hbm>> -> memref<40x128xi32, #tpu.memory_space<hbm>>
      tpu.enqueue_dma source(%dma_start3A_55 : memref<40x128xi32, #tpu.memory_space<hbm>>) target(%arg8 : memref<40x128xi32, #tpu.memory_space<vmem>>) target_semaphore(%run_scoped3A : memref<!tpu.dma_semaphore, #tpu.memory_space<semaphore_mem>>)
      %dma_wait3A = arith.constant 0 : i32
      %dma_wait3A_56 = tpu.memref_slice %arg4[%add3A_8, %dma_wait3A] : memref<2560x128xi32, #tpu.memory_space<hbm>> -> memref<40x128xi32, #tpu.memory_space<hbm>>
      %dma_wait3A_57 = arith.constant 0 : i32
      %dma_wait3A_58 = tpu.memref_slice %arg4[%add3A_8, %dma_wait3A_57] : memref<2560x128xi32, #tpu.memory_space<hbm>> -> memref<40x128xi32, #tpu.memory_space<hbm>>
      tpu.wait_dma2 semaphore(%run_scoped3A : memref<!tpu.dma_semaphore, #tpu.memory_space<semaphore_mem>>) src(%dma_wait3A_58 : memref<40x128xi32, #tpu.memory_space<hbm>>) dst(%arg8 : memref<40x128xi32, #tpu.memory_space<vmem>>)
      tpu.yield
    }) : () -> ()
    %dma_start3A = arith.constant 0 : i32
    %dma_start3A_9 = arith.constant 0 : i32
    %dma_start3A_10 = tpu.memref_slice %arg7[%dma_start3A, %dma_start3A_9] : memref<40x128xi32, #tpu.memory_space<vmem>> -> memref<1x128xi32, #tpu.memory_space<vmem>>
    %dma_start3A_11 = tpu.memref_squeeze %dma_start3A_10 : memref<1x128xi32, #tpu.memory_space<vmem>> -> memref<128xi32, #tpu.memory_space<vmem>>
    %dma_start3A_12 = arith.constant 0 : i32
    %dma_start3A_13 = arith.constant 0 : i32
    %dma_start3A_14 = tpu.memref_slice %arg2[%dma_start3A_12, %dma_start3A_13] : memref<10240x128xf32, #tpu.memory_space<hbm>> -> memref<10240x128xf32, #tpu.memory_space<hbm>>
    tpu.enqueue_indirect_dma source(%dma_start3A_14 : memref<10240x128xf32, #tpu.memory_space<hbm>>) target(%arg9 : memref<128x128xf32, #tpu.memory_space<vmem>>) offsets(%dma_start3A_11 : memref<128xi32, #tpu.memory_space<vmem>>) semaphore(%arg12 : memref<!tpu.dma_semaphore, #tpu.memory_space<semaphore_mem>>)
    %dma_start3A_15 = arith.constant 1 : i32
    %dma_start3A_16 = arith.constant 0 : i32
    %dma_start3A_17 = tpu.memref_slice %arg7[%dma_start3A_15, %dma_start3A_16] : memref<40x128xi32, #tpu.memory_space<vmem>> -> memref<1x128xi32, #tpu.memory_space<vmem>>
    %dma_start3A_18 = tpu.memref_squeeze %dma_start3A_17 : memref<1x128xi32, #tpu.memory_space<vmem>> -> memref<128xi32, #tpu.memory_space<vmem>>
    %dma_start3A_19 = arith.constant 0 : i32
    %dma_start3A_20 = arith.constant 0 : i32
    %dma_start3A_21 = tpu.memref_slice %arg2[%dma_start3A_19, %dma_start3A_20] : memref<10240x128xf32, #tpu.memory_space<hbm>> -> memref<10240x128xf32, #tpu.memory_space<hbm>>
    tpu.enqueue_indirect_dma source(%dma_start3A_21 : memref<10240x128xf32, #tpu.memory_space<hbm>>) target(%arg10 : memref<128x128xf32, #tpu.memory_space<vmem>>) offsets(%dma_start3A_18 : memref<128xi32, #tpu.memory_space<vmem>>) semaphore(%arg13 : memref<!tpu.dma_semaphore, #tpu.memory_space<semaphore_mem>>)
    %scan3A = arith.constant 0 : i32
    %scan3A_22 = arith.constant 0 : i32
    %scan3A_23 = arith.constant 20 : i32
    %scan3A_24 = arith.addi %scan3A_22, %scan3A_23 : i32
    %scan3A_25 = arith.constant 1 : i32
    scf.for %scan3A_52 = %scan3A_22 to %scan3A_24 step %scan3A_25  : i32 {
      %mul3A_53 = arith.constant 2 : i32
      %mul3A_54 = arith.muli %scan3A_52, %mul3A_53 : i32
      %add3A_55 = arith.constant 0 : i32
      %add3A_56 = arith.addi %mul3A_54, %add3A_55 : i32
      %dma_wait3A = arith.constant 0 : i32
      %dma_wait3A_57 = tpu.memref_slice %arg7[%add3A_56, %dma_wait3A] : memref<40x128xi32, #tpu.memory_space<vmem>> -> memref<1x128xi32, #tpu.memory_space<vmem>>
      %dma_wait3A_58 = tpu.memref_squeeze %dma_wait3A_57 : memref<1x128xi32, #tpu.memory_space<vmem>> -> memref<128xi32, #tpu.memory_space<vmem>>
      %dma_wait3A_59 = arith.constant 0 : i32
      %dma_wait3A_60 = arith.constant 0 : i32
      %dma_wait3A_61 = tpu.memref_slice %arg2[%dma_wait3A_59, %dma_wait3A_60] : memref<10240x128xf32, #tpu.memory_space<hbm>> -> memref<10240x128xf32, #tpu.memory_space<hbm>>
      tpu.wait_indirect_dma semaphore(%arg12 : memref<!tpu.dma_semaphore, #tpu.memory_space<semaphore_mem>>) src(%dma_wait3A_61 : memref<10240x128xf32, #tpu.memory_space<hbm>>) dst(%arg9 : memref<128x128xf32, #tpu.memory_space<vmem>>)
      "tpu.region"() ({
        %run_scoped3A = tpu.sem_alloc : memref<!tpu.dma_semaphore, #tpu.memory_space<semaphore_mem>>
        %dma_start3A_83 = arith.constant 0 : i32
        %dma_start3A_84 = tpu.memref_slice %arg8[%add3A_56, %dma_start3A_83] : memref<40x128xi32, #tpu.memory_space<vmem>> -> memref<1x128xi32, #tpu.memory_space<vmem>>
        %dma_start3A_85 = tpu.memref_squeeze %dma_start3A_84 : memref<1x128xi32, #tpu.memory_space<vmem>> -> memref<128xi32, #tpu.memory_space<vmem>>
        %dma_start3A_86 = arith.constant 0 : i32
        %dma_start3A_87 = arith.constant 0 : i32
        %dma_start3A_88 = tpu.memref_slice %arg11[%dma_start3A_86, %dma_start3A_87] : memref<10240x128xf32, #tpu.memory_space<vmem_shared>> -> memref<10240x128xf32, #tpu.memory_space<vmem_shared>>
        tpu.enqueue_indirect_dma source(%arg9 : memref<128x128xf32, #tpu.memory_space<vmem>>) target(%dma_start3A_88 : memref<10240x128xf32, #tpu.memory_space<vmem_shared>>) offsets(%dma_start3A_85 : memref<128xi32, #tpu.memory_space<vmem>>) semaphore(%run_scoped3A : memref<!tpu.dma_semaphore, #tpu.memory_space<semaphore_mem>>) {add = true}
        %dma_wait3A_89 = arith.constant 0 : i32
        %dma_wait3A_90 = tpu.memref_slice %arg8[%add3A_56, %dma_wait3A_89] : memref<40x128xi32, #tpu.memory_space<vmem>> -> memref<1x128xi32, #tpu.memory_space<vmem>>
        %dma_wait3A_91 = tpu.memref_squeeze %dma_wait3A_90 : memref<1x128xi32, #tpu.memory_space<vmem>> -> memref<128xi32, #tpu.memory_space<vmem>>
        %dma_wait3A_92 = arith.constant 0 : i32
        %dma_wait3A_93 = arith.constant 0 : i32
        %dma_wait3A_94 = tpu.memref_slice %arg11[%dma_wait3A_92, %dma_wait3A_93] : memref<10240x128xf32, #tpu.memory_space<vmem_shared>> -> memref<10240x128xf32, #tpu.memory_space<vmem_shared>>
        tpu.wait_indirect_dma semaphore(%run_scoped3A : memref<!tpu.dma_semaphore, #tpu.memory_space<semaphore_mem>>) src(%arg9 : memref<128x128xf32, #tpu.memory_space<vmem>>) dst(%dma_wait3A_94 : memref<10240x128xf32, #tpu.memory_space<vmem_shared>>)
        tpu.yield
      }) : () -> ()
      %add3A_62 = arith.constant 2 : i32
      %add3A_63 = arith.addi %add3A_56, %add3A_62 : i32
      %lt3A = arith.constant 40 : i32
      %lt3A_64 = arith.cmpi slt, %add3A_63, %lt3A : i32
      %convert_element_type3A = arith.extui %lt3A_64 : i1 to i32
      %cond3A = arith.constant 0 : i32
      %cond3A_65 = arith.cmpi ne, %convert_element_type3A, %cond3A : i32
      scf.if %cond3A_65 {
        %add3A_83 = arith.constant 2 : i32
        %add3A_84 = arith.addi %add3A_56, %add3A_83 : i32
        %dma_start3A_85 = arith.constant 0 : i32
        %dma_start3A_86 = tpu.memref_slice %arg7[%add3A_84, %dma_start3A_85] : memref<40x128xi32, #tpu.memory_space<vmem>> -> memref<1x128xi32, #tpu.memory_space<vmem>>
        %dma_start3A_87 = tpu.memref_squeeze %dma_start3A_86 : memref<1x128xi32, #tpu.memory_space<vmem>> -> memref<128xi32, #tpu.memory_space<vmem>>
        %dma_start3A_88 = arith.constant 0 : i32
        %dma_start3A_89 = arith.constant 0 : i32
        %dma_start3A_90 = tpu.memref_slice %arg2[%dma_start3A_88, %dma_start3A_89] : memref<10240x128xf32, #tpu.memory_space<hbm>> -> memref<10240x128xf32, #tpu.memory_space<hbm>>
        tpu.enqueue_indirect_dma source(%dma_start3A_90 : memref<10240x128xf32, #tpu.memory_space<hbm>>) target(%arg9 : memref<128x128xf32, #tpu.memory_space<vmem>>) offsets(%dma_start3A_87 : memref<128xi32, #tpu.memory_space<vmem>>) semaphore(%arg12 : memref<!tpu.dma_semaphore, #tpu.memory_space<semaphore_mem>>)
      } else {
      }
      %mul3A_66 = arith.constant 2 : i32
      %mul3A_67 = arith.muli %scan3A_52, %mul3A_66 : i32
      %add3A_68 = arith.constant 1 : i32
      %add3A_69 = arith.addi %mul3A_67, %add3A_68 : i32
      %dma_wait3A_70 = arith.constant 0 : i32
      %dma_wait3A_71 = tpu.memref_slice %arg7[%add3A_69, %dma_wait3A_70] : memref<40x128xi32, #tpu.memory_space<vmem>> -> memref<1x128xi32, #tpu.memory_space<vmem>>
      %dma_wait3A_72 = tpu.memref_squeeze %dma_wait3A_71 : memref<1x128xi32, #tpu.memory_space<vmem>> -> memref<128xi32, #tpu.memory_space<vmem>>
      %dma_wait3A_73 = arith.constant 0 : i32
      %dma_wait3A_74 = arith.constant 0 : i32
      %dma_wait3A_75 = tpu.memref_slice %arg2[%dma_wait3A_73, %dma_wait3A_74] : memref<10240x128xf32, #tpu.memory_space<hbm>> -> memref<10240x128xf32, #tpu.memory_space<hbm>>
      tpu.wait_indirect_dma semaphore(%arg13 : memref<!tpu.dma_semaphore, #tpu.memory_space<semaphore_mem>>) src(%dma_wait3A_75 : memref<10240x128xf32, #tpu.memory_space<hbm>>) dst(%arg10 : memref<128x128xf32, #tpu.memory_space<vmem>>)
      "tpu.region"() ({
        %run_scoped3A = tpu.sem_alloc : memref<!tpu.dma_semaphore, #tpu.memory_space<semaphore_mem>>
        %dma_start3A_83 = arith.constant 0 : i32
        %dma_start3A_84 = tpu.memref_slice %arg8[%add3A_69, %dma_start3A_83] : memref<40x128xi32, #tpu.memory_space<vmem>> -> memref<1x128xi32, #tpu.memory_space<vmem>>
        %dma_start3A_85 = tpu.memref_squeeze %dma_start3A_84 : memref<1x128xi32, #tpu.memory_space<vmem>> -> memref<128xi32, #tpu.memory_space<vmem>>
        %dma_start3A_86 = arith.constant 0 : i32
        %dma_start3A_87 = arith.constant 0 : i32
        %dma_start3A_88 = tpu.memref_slice %arg11[%dma_start3A_86, %dma_start3A_87] : memref<10240x128xf32, #tpu.memory_space<vmem_shared>> -> memref<10240x128xf32, #tpu.memory_space<vmem_shared>>
        tpu.enqueue_indirect_dma source(%arg10 : memref<128x128xf32, #tpu.memory_space<vmem>>) target(%dma_start3A_88 : memref<10240x128xf32, #tpu.memory_space<vmem_shared>>) offsets(%dma_start3A_85 : memref<128xi32, #tpu.memory_space<vmem>>) semaphore(%run_scoped3A : memref<!tpu.dma_semaphore, #tpu.memory_space<semaphore_mem>>) {add = true}
        %dma_wait3A_89 = arith.constant 0 : i32
        %dma_wait3A_90 = tpu.memref_slice %arg8[%add3A_69, %dma_wait3A_89] : memref<40x128xi32, #tpu.memory_space<vmem>> -> memref<1x128xi32, #tpu.memory_space<vmem>>
        %dma_wait3A_91 = tpu.memref_squeeze %dma_wait3A_90 : memref<1x128xi32, #tpu.memory_space<vmem>> -> memref<128xi32, #tpu.memory_space<vmem>>
        %dma_wait3A_92 = arith.constant 0 : i32
        %dma_wait3A_93 = arith.constant 0 : i32
        %dma_wait3A_94 = tpu.memref_slice %arg11[%dma_wait3A_92, %dma_wait3A_93] : memref<10240x128xf32, #tpu.memory_space<vmem_shared>> -> memref<10240x128xf32, #tpu.memory_space<vmem_shared>>
        tpu.wait_indirect_dma semaphore(%run_scoped3A : memref<!tpu.dma_semaphore, #tpu.memory_space<semaphore_mem>>) src(%arg10 : memref<128x128xf32, #tpu.memory_space<vmem>>) dst(%dma_wait3A_94 : memref<10240x128xf32, #tpu.memory_space<vmem_shared>>)
        tpu.yield
      }) : () -> ()
      %add3A_76 = arith.constant 2 : i32
      %add3A_77 = arith.addi %add3A_69, %add3A_76 : i32
      %lt3A_78 = arith.constant 40 : i32
      %lt3A_79 = arith.cmpi slt, %add3A_77, %lt3A_78 : i32
      %convert_element_type3A_80 = arith.extui %lt3A_79 : i1 to i32
      %cond3A_81 = arith.constant 0 : i32
      %cond3A_82 = arith.cmpi ne, %convert_element_type3A_80, %cond3A_81 : i32
      scf.if %cond3A_82 {
        %add3A_83 = arith.constant 2 : i32
        %add3A_84 = arith.addi %add3A_69, %add3A_83 : i32
        %dma_start3A_85 = arith.constant 0 : i32
        %dma_start3A_86 = tpu.memref_slice %arg7[%add3A_84, %dma_start3A_85] : memref<40x128xi32, #tpu.memory_space<vmem>> -> memref<1x128xi32, #tpu.memory_space<vmem>>
        %dma_start3A_87 = tpu.memref_squeeze %dma_start3A_86 : memref<1x128xi32, #tpu.memory_space<vmem>> -> memref<128xi32, #tpu.memory_space<vmem>>
        %dma_start3A_88 = arith.constant 0 : i32
        %dma_start3A_89 = arith.constant 0 : i32
        %dma_start3A_90 = tpu.memref_slice %arg2[%dma_start3A_88, %dma_start3A_89] : memref<10240x128xf32, #tpu.memory_space<hbm>> -> memref<10240x128xf32, #tpu.memory_space<hbm>>
        tpu.enqueue_indirect_dma source(%dma_start3A_90 : memref<10240x128xf32, #tpu.memory_space<hbm>>) target(%arg10 : memref<128x128xf32, #tpu.memory_space<vmem>>) offsets(%dma_start3A_87 : memref<128xi32, #tpu.memory_space<vmem>>) semaphore(%arg13 : memref<!tpu.dma_semaphore, #tpu.memory_space<semaphore_mem>>)
      } else {
      }
    }
    %scan3A_26 = arith.constant 20 : i32
    %add3A_27 = arith.constant 40 : i32
    %add3A_28 = arith.addi %add3A, %add3A_27 : i32
    "tpu.region"() ({
      %run_scoped3A = tpu.sem_alloc : memref<!tpu.dma_semaphore, #tpu.memory_space<semaphore_mem>>
      %dma_start3A_52 = arith.constant 0 : i32
      %dma_start3A_53 = tpu.memref_slice %arg3[%add3A_28, %dma_start3A_52] : memref<2560x128xi32, #tpu.memory_space<hbm>> -> memref<40x128xi32, #tpu.memory_space<hbm>>
      %dma_start3A_54 = arith.constant 0 : i32
      %dma_start3A_55 = tpu.memref_slice %arg3[%add3A_28, %dma_start3A_54] : memref<2560x128xi32, #tpu.memory_space<hbm>> -> memref<40x128xi32, #tpu.memory_space<hbm>>
      tpu.enqueue_dma source(%dma_start3A_55 : memref<40x128xi32, #tpu.memory_space<hbm>>) target(%arg7 : memref<40x128xi32, #tpu.memory_space<vmem>>) target_semaphore(%run_scoped3A : memref<!tpu.dma_semaphore, #tpu.memory_space<semaphore_mem>>)
      %dma_wait3A = arith.constant 0 : i32
      %dma_wait3A_56 = tpu.memref_slice %arg3[%add3A_28, %dma_wait3A] : memref<2560x128xi32, #tpu.memory_space<hbm>> -> memref<40x128xi32, #tpu.memory_space<hbm>>
      %dma_wait3A_57 = arith.constant 0 : i32
      %dma_wait3A_58 = tpu.memref_slice %arg3[%add3A_28, %dma_wait3A_57] : memref<2560x128xi32, #tpu.memory_space<hbm>> -> memref<40x128xi32, #tpu.memory_space<hbm>>
      tpu.wait_dma2 semaphore(%run_scoped3A : memref<!tpu.dma_semaphore, #tpu.memory_space<semaphore_mem>>) src(%dma_wait3A_58 : memref<40x128xi32, #tpu.memory_space<hbm>>) dst(%arg7 : memref<40x128xi32, #tpu.memory_space<vmem>>)
      tpu.yield
    }) : () -> ()
    %add3A_29 = arith.constant 40 : i32
    %add3A_30 = arith.addi %add3A, %add3A_29 : i32
    "tpu.region"() ({
      %run_scoped3A = tpu.sem_alloc : memref<!tpu.dma_semaphore, #tpu.memory_space<semaphore_mem>>
      %dma_start3A_52 = arith.constant 0 : i32
      %dma_start3A_53 = tpu.memref_slice %arg4[%add3A_30, %dma_start3A_52] : memref<2560x128xi32, #tpu.memory_space<hbm>> -> memref<40x128xi32, #tpu.memory_space<hbm>>
      %dma_start3A_54 = arith.constant 0 : i32
      %dma_start3A_55 = tpu.memref_slice %arg4[%add3A_30, %dma_start3A_54] : memref<2560x128xi32, #tpu.memory_space<hbm>> -> memref<40x128xi32, #tpu.memory_space<hbm>>
      tpu.enqueue_dma source(%dma_start3A_55 : memref<40x128xi32, #tpu.memory_space<hbm>>) target(%arg8 : memref<40x128xi32, #tpu.memory_space<vmem>>) target_semaphore(%run_scoped3A : memref<!tpu.dma_semaphore, #tpu.memory_space<semaphore_mem>>)
      %dma_wait3A = arith.constant 0 : i32
      %dma_wait3A_56 = tpu.memref_slice %arg4[%add3A_30, %dma_wait3A] : memref<2560x128xi32, #tpu.memory_space<hbm>> -> memref<40x128xi32, #tpu.memory_space<hbm>>
      %dma_wait3A_57 = arith.constant 0 : i32
      %dma_wait3A_58 = tpu.memref_slice %arg4[%add3A_30, %dma_wait3A_57] : memref<2560x128xi32, #tpu.memory_space<hbm>> -> memref<40x128xi32, #tpu.memory_space<hbm>>
      tpu.wait_dma2 semaphore(%run_scoped3A : memref<!tpu.dma_semaphore, #tpu.memory_space<semaphore_mem>>) src(%dma_wait3A_58 : memref<40x128xi32, #tpu.memory_space<hbm>>) dst(%arg8 : memref<40x128xi32, #tpu.memory_space<vmem>>)
      tpu.yield
    }) : () -> ()
    %dma_start3A_31 = arith.constant 0 : i32
    %dma_start3A_32 = arith.constant 0 : i32
    %dma_start3A_33 = tpu.memref_slice %arg7[%dma_start3A_31, %dma_start3A_32] : memref<40x128xi32, #tpu.memory_space<vmem>> -> memref<1x128xi32, #tpu.memory_space<vmem>>
    %dma_start3A_34 = tpu.memref_squeeze %dma_start3A_33 : memref<1x128xi32, #tpu.memory_space<vmem>> -> memref<128xi32, #tpu.memory_space<vmem>>
    %dma_start3A_35 = arith.constant 0 : i32
    %dma_start3A_36 = arith.constant 0 : i32
    %dma_start3A_37 = tpu.memref_slice %arg2[%dma_start3A_35, %dma_start3A_36] : memref<10240x128xf32, #tpu.memory_space<hbm>> -> memref<10240x128xf32, #tpu.memory_space<hbm>>
    tpu.enqueue_indirect_dma source(%dma_start3A_37 : memref<10240x128xf32, #tpu.memory_space<hbm>>) target(%arg9 : memref<128x128xf32, #tpu.memory_space<vmem>>) offsets(%dma_start3A_34 : memref<128xi32, #tpu.memory_space<vmem>>) semaphore(%arg12 : memref<!tpu.dma_semaphore, #tpu.memory_space<semaphore_mem>>)
    %dma_start3A_38 = arith.constant 1 : i32
    %dma_start3A_39 = arith.constant 0 : i32
    %dma_start3A_40 = tpu.memref_slice %arg7[%dma_start3A_38, %dma_start3A_39] : memref<40x128xi32, #tpu.memory_space<vmem>> -> memref<1x128xi32, #tpu.memory_space<vmem>>
    %dma_start3A_41 = tpu.memref_squeeze %dma_start3A_40 : memref<1x128xi32, #tpu.memory_space<vmem>> -> memref<128xi32, #tpu.memory_space<vmem>>
    %dma_start3A_42 = arith.constant 0 : i32
    %dma_start3A_43 = arith.constant 0 : i32
    %dma_start3A_44 = tpu.memref_slice %arg2[%dma_start3A_42, %dma_start3A_43] : memref<10240x128xf32, #tpu.memory_space<hbm>> -> memref<10240x128xf32, #tpu.memory_space<hbm>>
    tpu.enqueue_indirect_dma source(%dma_start3A_44 : memref<10240x128xf32, #tpu.memory_space<hbm>>) target(%arg10 : memref<128x128xf32, #tpu.memory_space<vmem>>) offsets(%dma_start3A_41 : memref<128xi32, #tpu.memory_space<vmem>>) semaphore(%arg13 : memref<!tpu.dma_semaphore, #tpu.memory_space<semaphore_mem>>)
    %scan3A_45 = arith.constant 0 : i32
    %scan3A_46 = arith.constant 0 : i32
    %scan3A_47 = arith.constant 20 : i32
    %scan3A_48 = arith.addi %scan3A_46, %scan3A_47 : i32
    %scan3A_49 = arith.constant 1 : i32
    scf.for %scan3A_52 = %scan3A_46 to %scan3A_48 step %scan3A_49  : i32 {
      %mul3A_53 = arith.constant 2 : i32
      %mul3A_54 = arith.muli %scan3A_52, %mul3A_53 : i32
      %add3A_55 = arith.constant 0 : i32
      %add3A_56 = arith.addi %mul3A_54, %add3A_55 : i32
      %dma_wait3A = arith.constant 0 : i32
      %dma_wait3A_57 = tpu.memref_slice %arg7[%add3A_56, %dma_wait3A] : memref<40x128xi32, #tpu.memory_space<vmem>> -> memref<1x128xi32, #tpu.memory_space<vmem>>
      %dma_wait3A_58 = tpu.memref_squeeze %dma_wait3A_57 : memref<1x128xi32, #tpu.memory_space<vmem>> -> memref<128xi32, #tpu.memory_space<vmem>>
      %dma_wait3A_59 = arith.constant 0 : i32
      %dma_wait3A_60 = arith.constant 0 : i32
      %dma_wait3A_61 = tpu.memref_slice %arg2[%dma_wait3A_59, %dma_wait3A_60] : memref<10240x128xf32, #tpu.memory_space<hbm>> -> memref<10240x128xf32, #tpu.memory_space<hbm>>
      tpu.wait_indirect_dma semaphore(%arg12 : memref<!tpu.dma_semaphore, #tpu.memory_space<semaphore_mem>>) src(%dma_wait3A_61 : memref<10240x128xf32, #tpu.memory_space<hbm>>) dst(%arg9 : memref<128x128xf32, #tpu.memory_space<vmem>>)
      "tpu.region"() ({
        %run_scoped3A = tpu.sem_alloc : memref<!tpu.dma_semaphore, #tpu.memory_space<semaphore_mem>>
        %dma_start3A_83 = arith.constant 0 : i32
        %dma_start3A_84 = tpu.memref_slice %arg8[%add3A_56, %dma_start3A_83] : memref<40x128xi32, #tpu.memory_space<vmem>> -> memref<1x128xi32, #tpu.memory_space<vmem>>
        %dma_start3A_85 = tpu.memref_squeeze %dma_start3A_84 : memref<1x128xi32, #tpu.memory_space<vmem>> -> memref<128xi32, #tpu.memory_space<vmem>>
        %dma_start3A_86 = arith.constant 0 : i32
        %dma_start3A_87 = arith.constant 0 : i32
        %dma_start3A_88 = tpu.memref_slice %arg11[%dma_start3A_86, %dma_start3A_87] : memref<10240x128xf32, #tpu.memory_space<vmem_shared>> -> memref<10240x128xf32, #tpu.memory_space<vmem_shared>>
        tpu.enqueue_indirect_dma source(%arg9 : memref<128x128xf32, #tpu.memory_space<vmem>>) target(%dma_start3A_88 : memref<10240x128xf32, #tpu.memory_space<vmem_shared>>) offsets(%dma_start3A_85 : memref<128xi32, #tpu.memory_space<vmem>>) semaphore(%run_scoped3A : memref<!tpu.dma_semaphore, #tpu.memory_space<semaphore_mem>>) {add = true}
        %dma_wait3A_89 = arith.constant 0 : i32
        %dma_wait3A_90 = tpu.memref_slice %arg8[%add3A_56, %dma_wait3A_89] : memref<40x128xi32, #tpu.memory_space<vmem>> -> memref<1x128xi32, #tpu.memory_space<vmem>>
        %dma_wait3A_91 = tpu.memref_squeeze %dma_wait3A_90 : memref<1x128xi32, #tpu.memory_space<vmem>> -> memref<128xi32, #tpu.memory_space<vmem>>
        %dma_wait3A_92 = arith.constant 0 : i32
        %dma_wait3A_93 = arith.constant 0 : i32
        %dma_wait3A_94 = tpu.memref_slice %arg11[%dma_wait3A_92, %dma_wait3A_93] : memref<10240x128xf32, #tpu.memory_space<vmem_shared>> -> memref<10240x128xf32, #tpu.memory_space<vmem_shared>>
        tpu.wait_indirect_dma semaphore(%run_scoped3A : memref<!tpu.dma_semaphore, #tpu.memory_space<semaphore_mem>>) src(%arg9 : memref<128x128xf32, #tpu.memory_space<vmem>>) dst(%dma_wait3A_94 : memref<10240x128xf32, #tpu.memory_space<vmem_shared>>)
        tpu.yield
      }) : () -> ()
      %add3A_62 = arith.constant 2 : i32
      %add3A_63 = arith.addi %add3A_56, %add3A_62 : i32
      %lt3A = arith.constant 40 : i32
      %lt3A_64 = arith.cmpi slt, %add3A_63, %lt3A : i32
      %convert_element_type3A = arith.extui %lt3A_64 : i1 to i32
      %cond3A = arith.constant 0 : i32
      %cond3A_65 = arith.cmpi ne, %convert_element_type3A, %cond3A : i32
      scf.if %cond3A_65 {
        %add3A_83 = arith.constant 2 : i32
        %add3A_84 = arith.addi %add3A_56, %add3A_83 : i32
        %dma_start3A_85 = arith.constant 0 : i32
        %dma_start3A_86 = tpu.memref_slice %arg7[%add3A_84, %dma_start3A_85] : memref<40x128xi32, #tpu.memory_space<vmem>> -> memref<1x128xi32, #tpu.memory_space<vmem>>
        %dma_start3A_87 = tpu.memref_squeeze %dma_start3A_86 : memref<1x128xi32, #tpu.memory_space<vmem>> -> memref<128xi32, #tpu.memory_space<vmem>>
        %dma_start3A_88 = arith.constant 0 : i32
        %dma_start3A_89 = arith.constant 0 : i32
        %dma_start3A_90 = tpu.memref_slice %arg2[%dma_start3A_88, %dma_start3A_89] : memref<10240x128xf32, #tpu.memory_space<hbm>> -> memref<10240x128xf32, #tpu.memory_space<hbm>>
        tpu.enqueue_indirect_dma source(%dma_start3A_90 : memref<10240x128xf32, #tpu.memory_space<hbm>>) target(%arg9 : memref<128x128xf32, #tpu.memory_space<vmem>>) offsets(%dma_start3A_87 : memref<128xi32, #tpu.memory_space<vmem>>) semaphore(%arg12 : memref<!tpu.dma_semaphore, #tpu.memory_space<semaphore_mem>>)
      } else {
      }
      %mul3A_66 = arith.constant 2 : i32
      %mul3A_67 = arith.muli %scan3A_52, %mul3A_66 : i32
      %add3A_68 = arith.constant 1 : i32
      %add3A_69 = arith.addi %mul3A_67, %add3A_68 : i32
      %dma_wait3A_70 = arith.constant 0 : i32
      %dma_wait3A_71 = tpu.memref_slice %arg7[%add3A_69, %dma_wait3A_70] : memref<40x128xi32, #tpu.memory_space<vmem>> -> memref<1x128xi32, #tpu.memory_space<vmem>>
      %dma_wait3A_72 = tpu.memref_squeeze %dma_wait3A_71 : memref<1x128xi32, #tpu.memory_space<vmem>> -> memref<128xi32, #tpu.memory_space<vmem>>
      %dma_wait3A_73 = arith.constant 0 : i32
      %dma_wait3A_74 = arith.constant 0 : i32
      %dma_wait3A_75 = tpu.memref_slice %arg2[%dma_wait3A_73, %dma_wait3A_74] : memref<10240x128xf32, #tpu.memory_space<hbm>> -> memref<10240x128xf32, #tpu.memory_space<hbm>>
      tpu.wait_indirect_dma semaphore(%arg13 : memref<!tpu.dma_semaphore, #tpu.memory_space<semaphore_mem>>) src(%dma_wait3A_75 : memref<10240x128xf32, #tpu.memory_space<hbm>>) dst(%arg10 : memref<128x128xf32, #tpu.memory_space<vmem>>)
      "tpu.region"() ({
        %run_scoped3A = tpu.sem_alloc : memref<!tpu.dma_semaphore, #tpu.memory_space<semaphore_mem>>
        %dma_start3A_83 = arith.constant 0 : i32
        %dma_start3A_84 = tpu.memref_slice %arg8[%add3A_69, %dma_start3A_83] : memref<40x128xi32, #tpu.memory_space<vmem>> -> memref<1x128xi32, #tpu.memory_space<vmem>>
        %dma_start3A_85 = tpu.memref_squeeze %dma_start3A_84 : memref<1x128xi32, #tpu.memory_space<vmem>> -> memref<128xi32, #tpu.memory_space<vmem>>
        %dma_start3A_86 = arith.constant 0 : i32
        %dma_start3A_87 = arith.constant 0 : i32
        %dma_start3A_88 = tpu.memref_slice %arg11[%dma_start3A_86, %dma_start3A_87] : memref<10240x128xf32, #tpu.memory_space<vmem_shared>> -> memref<10240x128xf32, #tpu.memory_space<vmem_shared>>
        tpu.enqueue_indirect_dma source(%arg10 : memref<128x128xf32, #tpu.memory_space<vmem>>) target(%dma_start3A_88 : memref<10240x128xf32, #tpu.memory_space<vmem_shared>>) offsets(%dma_start3A_85 : memref<128xi32, #tpu.memory_space<vmem>>) semaphore(%run_scoped3A : memref<!tpu.dma_semaphore, #tpu.memory_space<semaphore_mem>>) {add = true}
        %dma_wait3A_89 = arith.constant 0 : i32
        %dma_wait3A_90 = tpu.memref_slice %arg8[%add3A_69, %dma_wait3A_89] : memref<40x128xi32, #tpu.memory_space<vmem>> -> memref<1x128xi32, #tpu.memory_space<vmem>>
        %dma_wait3A_91 = tpu.memref_squeeze %dma_wait3A_90 : memref<1x128xi32, #tpu.memory_space<vmem>> -> memref<128xi32, #tpu.memory_space<vmem>>
        %dma_wait3A_92 = arith.constant 0 : i32
        %dma_wait3A_93 = arith.constant 0 : i32
        %dma_wait3A_94 = tpu.memref_slice %arg11[%dma_wait3A_92, %dma_wait3A_93] : memref<10240x128xf32, #tpu.memory_space<vmem_shared>> -> memref<10240x128xf32, #tpu.memory_space<vmem_shared>>
        tpu.wait_indirect_dma semaphore(%run_scoped3A : memref<!tpu.dma_semaphore, #tpu.memory_space<semaphore_mem>>) src(%arg10 : memref<128x128xf32, #tpu.memory_space<vmem>>) dst(%dma_wait3A_94 : memref<10240x128xf32, #tpu.memory_space<vmem_shared>>)
        tpu.yield
      }) : () -> ()
      %add3A_76 = arith.constant 2 : i32
      %add3A_77 = arith.addi %add3A_69, %add3A_76 : i32
      %lt3A_78 = arith.constant 40 : i32
      %lt3A_79 = arith.cmpi slt, %add3A_77, %lt3A_78 : i32
      %convert_element_type3A_80 = arith.extui %lt3A_79 : i1 to i32
      %cond3A_81 = arith.constant 0 : i32
      %cond3A_82 = arith.cmpi ne, %convert_element_type3A_80, %cond3A_81 : i32
      scf.if %cond3A_82 {
        %add3A_83 = arith.constant 2 : i32
        %add3A_84 = arith.addi %add3A_69, %add3A_83 : i32
        %dma_start3A_85 = arith.constant 0 : i32
        %dma_start3A_86 = tpu.memref_slice %arg7[%add3A_84, %dma_start3A_85] : memref<40x128xi32, #tpu.memory_space<vmem>> -> memref<1x128xi32, #tpu.memory_space<vmem>>
        %dma_start3A_87 = tpu.memref_squeeze %dma_start3A_86 : memref<1x128xi32, #tpu.memory_space<vmem>> -> memref<128xi32, #tpu.memory_space<vmem>>
        %dma_start3A_88 = arith.constant 0 : i32
        %dma_start3A_89 = arith.constant 0 : i32
        %dma_start3A_90 = tpu.memref_slice %arg2[%dma_start3A_88, %dma_start3A_89] : memref<10240x128xf32, #tpu.memory_space<hbm>> -> memref<10240x128xf32, #tpu.memory_space<hbm>>
        tpu.enqueue_indirect_dma source(%dma_start3A_90 : memref<10240x128xf32, #tpu.memory_space<hbm>>) target(%arg10 : memref<128x128xf32, #tpu.memory_space<vmem>>) offsets(%dma_start3A_87 : memref<128xi32, #tpu.memory_space<vmem>>) semaphore(%arg13 : memref<!tpu.dma_semaphore, #tpu.memory_space<semaphore_mem>>)
      } else {
      }
    }
    %scan3A_50 = arith.constant 20 : i32
    %barrier3A_51 = arith.constant 0 : index
    tpu.barrier barrier_id(%barrier3A_51)
    "tpu.region"() ({
      %run_scoped3A = tpu.sem_alloc : memref<!tpu.dma_semaphore, #tpu.memory_space<semaphore_mem>>
      %dma_start3A_52 = arith.constant 0 : i32
      %dma_start3A_53 = tpu.memref_slice %arg6[%arg0, %mul3A_0, %dma_start3A_52] : memref<2x10240x128xf32, #tpu.memory_space<hbm>> -> memref<1x640x128xf32, #tpu.memory_space<hbm>>
      %dma_start3A_54 = tpu.memref_squeeze %dma_start3A_53 : memref<1x640x128xf32, #tpu.memory_space<hbm>> -> memref<640x128xf32, #tpu.memory_space<hbm>>
      %dma_start3A_55 = arith.constant 0 : i32
      %dma_start3A_56 = tpu.memref_slice %arg11[%mul3A_0, %dma_start3A_55] : memref<10240x128xf32, #tpu.memory_space<vmem_shared>> -> memref<640x128xf32, #tpu.memory_space<vmem_shared>>
      tpu.enqueue_dma source(%dma_start3A_56 : memref<640x128xf32, #tpu.memory_space<vmem_shared>>) target(%dma_start3A_54 : memref<640x128xf32, #tpu.memory_space<hbm>>) target_semaphore(%run_scoped3A : memref<!tpu.dma_semaphore, #tpu.memory_space<semaphore_mem>>)
      %dma_wait3A = arith.constant 0 : i32
      %dma_wait3A_57 = tpu.memref_slice %arg6[%arg0, %mul3A_0, %dma_wait3A] : memref<2x10240x128xf32, #tpu.memory_space<hbm>> -> memref<1x640x128xf32, #tpu.memory_space<hbm>>
      %dma_wait3A_58 = tpu.memref_squeeze %dma_wait3A_57 : memref<1x640x128xf32, #tpu.memory_space<hbm>> -> memref<640x128xf32, #tpu.memory_space<hbm>>
      %dma_wait3A_59 = arith.constant 0 : i32
      %dma_wait3A_60 = tpu.memref_slice %arg11[%mul3A_0, %dma_wait3A_59] : memref<10240x128xf32, #tpu.memory_space<vmem_shared>> -> memref<640x128xf32, #tpu.memory_space<vmem_shared>>
      tpu.wait_dma2 semaphore(%run_scoped3A : memref<!tpu.dma_semaphore, #tpu.memory_space<semaphore_mem>>) src(%dma_wait3A_60 : memref<640x128xf32, #tpu.memory_space<vmem_shared>>) dst(%dma_wait3A_58 : memref<640x128xf32, #tpu.memory_space<hbm>>)
      tpu.yield
    }) : () -> ()
    return
  }
}

module attributes {stable_mosaic.version = 14 : i64} {
  func.func @_tc_first_body(%arg0: i32, %arg1: memref<1024x128xf32, #tpu.memory_space<vmem>>, %arg2: memref<2x1024x128xf32, #tpu.memory_space<vmem>>, %arg3: memref<128x128xf32, #tpu.memory_space<vmem>>, %arg4: memref<1024x128xf32, #tpu.memory_space<vmem>>, %arg5: memref<1024x1xf32, #tpu.memory_space<vmem>>) attributes {dimension_semantics = [#tpu.dimension_semantics<arbitrary>], iteration_bounds = array<i64: 10>, scalar_prefetch = 0 : i64, scratch_operands = 0 : i64, tpu.core_type = #tpu.core_type<tc>, window_params = [{transform_indices = @transform_0, window_bounds = array<i64: 1024, 128>}, {transform_indices = @transform_1, window_bounds = array<i64: 2, 1024, 128>}, {pipeline_mode = #tpu.pipeline_mode<synchronous>, transform_indices = @transform_2, window_bounds = array<i64: 128, 128>}, {transform_indices = @transform_3, window_bounds = array<i64: 1024, 128>}, {transform_indices = @transform_4, window_bounds = array<i64: 1024, 1>}]} {
    %get3A = arith.constant 0 : index
    %get3A_0 = arith.constant 0 : index
    %get3A_1 = arith.constant 0 : index
    %get3A_2 = vector.load %arg2[%get3A, %get3A_0, %get3A_1] : memref<2x1024x128xf32, #tpu.memory_space<vmem>>, vector<2x1024x128xf32>
    %slice3A = vector.extract_strided_slice %get3A_2 {offsets = [0, 0, 0], sizes = [1, 1024, 1], strides = [1, 1, 1]} : vector<2x1024x128xf32> to vector<1x1024x1xf32>
    %squeeze3A = vector.shape_cast %slice3A : vector<1x1024x1xf32> to vector<1024x1xf32>
    %add3A = arith.constant 1.000000e+00 : f32
    %add3A_3 = vector.broadcast %add3A : f32 to vector<1024x1xf32>
    %add3A_4 = arith.addf %add3A_3, %squeeze3A : vector<1024x1xf32>
    %slice3A_5 = vector.extract_strided_slice %get3A_2 {offsets = [1, 0, 0], sizes = [1, 1024, 1], strides = [1, 1, 1]} : vector<2x1024x128xf32> to vector<1x1024x1xf32>
    %squeeze3A_6 = vector.shape_cast %slice3A_5 : vector<1x1024x1xf32> to vector<1024x1xf32>
    %add3A_7 = arith.addf %add3A_4, %squeeze3A_6 : vector<1024x1xf32>
    %rsqrt3A = math.rsqrt %add3A_7 : vector<1024x1xf32>
    %get3A_8 = arith.constant 0 : index
    %get3A_9 = arith.constant 0 : index
    %get3A_10 = vector.load %arg1[%get3A_8, %get3A_9] : memref<1024x128xf32, #tpu.memory_space<vmem>>, vector<1024x128xf32>
    %get3A_11 = arith.constant 0 : index
    %get3A_12 = arith.constant 0 : index
    %get3A_13 = vector.load %arg3[%get3A_11, %get3A_12] : memref<128x128xf32, #tpu.memory_space<vmem>>, vector<128x128xf32>
    %dot_general3A = arith.constant dense<0.000000e+00> : vector<1024x128xf32>
    %dot_general3A_14 = tpu.matmul %get3A_10, %get3A_13, %dot_general3A {dimension_numbers = #tpu.dot_dimension_numbers<[1], [0], [0], [1], [0, 0, 1, 1], [], []>, transpose_lhs_hint = false} : vector<1024x128xf32>, vector<128x128xf32>, vector<1024x128xf32> -> vector<1024x128xf32>
    %mul3A = vector.broadcast %rsqrt3A : vector<1024x1xf32> to vector<1024x128xf32>
    %mul3A_15 = arith.mulf %dot_general3A_14, %mul3A : vector<1024x128xf32>
    %swap3A = arith.constant 0 : index
    %swap3A_16 = arith.constant 0 : index
    %swap3A_17 = vector.load %arg4[%swap3A, %swap3A_16] : memref<1024x128xf32, #tpu.memory_space<vmem>>, vector<1024x128xf32>
    tpu.vector_store %arg4[%swap3A, %swap3A_16], %mul3A_15 {strides = array<i32>} : memref<1024x128xf32, #tpu.memory_space<vmem>>, vector<1024x128xf32>,
    %swap3A_18 = arith.constant 0 : index
    %swap3A_19 = arith.constant 0 : index
    %swap3A_20 = vector.load %arg5[%swap3A_18, %swap3A_19] : memref<1024x1xf32, #tpu.memory_space<vmem>>, vector<1024x1xf32>
    tpu.vector_store %arg5[%swap3A_18, %swap3A_19], %rsqrt3A {strides = array<i32>} : memref<1024x1xf32, #tpu.memory_space<vmem>>, vector<1024x1xf32>,
    return
  }
  func.func @transform_0(%arg0: i32) -> (i32, i32) {
    %c0_i32 = arith.constant 0 : i32
    %c0_i32_0 = arith.constant 0 : i32
    return %arg0, %c0_i32 : i32, i32
  }
  func.func @transform_1(%arg0: i32) -> (i32, i32, i32) {
    %c0_i32 = arith.constant 0 : i32
    %c0_i32_0 = arith.constant 0 : i32
    %c0_i32_1 = arith.constant 0 : i32
    return %c0_i32, %arg0, %c0_i32_0 : i32, i32, i32
  }
  func.func @transform_2(%arg0: i32) -> (i32, i32) {
    %c0_i32 = arith.constant 0 : i32
    %c0_i32_0 = arith.constant 0 : i32
    %c0_i32_1 = arith.constant 0 : i32
    return %c0_i32, %c0_i32_0 : i32, i32
  }
  func.func @transform_3(%arg0: i32) -> (i32, i32) {
    %c0_i32 = arith.constant 0 : i32
    %c0_i32_0 = arith.constant 0 : i32
    return %arg0, %c0_i32 : i32, i32
  }
  func.func @transform_4(%arg0: i32) -> (i32, i32) {
    %c0_i32 = arith.constant 0 : i32
    %c0_i32_0 = arith.constant 0 : i32
    return %arg0, %c0_i32 : i32, i32
  }
}

module attributes {stable_mosaic.version = 14 : i64} {
  func.func @_tc_mid_body(%arg0: i32, %arg1: memref<2x1024x128xf32, #tpu.memory_space<vmem>>, %arg2: memref<1024x128xf32, #tpu.memory_space<vmem>>, %arg3: memref<1024x1xf32, #tpu.memory_space<vmem>>, %arg4: memref<1x128xf32, #tpu.memory_space<vmem>>, %arg5: memref<128x128xf32, #tpu.memory_space<vmem>>, %arg6: memref<1024x128xf32, #tpu.memory_space<vmem>>) attributes {dimension_semantics = [#tpu.dimension_semantics<arbitrary>], iteration_bounds = array<i64: 10>, scalar_prefetch = 0 : i64, scratch_operands = 0 : i64, tpu.core_type = #tpu.core_type<tc>, window_params = [{transform_indices = @transform_0, window_bounds = array<i64: 2, 1024, 128>}, {transform_indices = @transform_1, window_bounds = array<i64: 1024, 128>}, {transform_indices = @transform_2, window_bounds = array<i64: 1024, 1>}, {pipeline_mode = #tpu.pipeline_mode<synchronous>, transform_indices = @transform_3, window_bounds = array<i64: 1, 128>}, {pipeline_mode = #tpu.pipeline_mode<synchronous>, transform_indices = @transform_4, window_bounds = array<i64: 128, 128>}, {transform_indices = @transform_5, window_bounds = array<i64: 1024, 128>}]} {
    %get3A = arith.constant 0 : index
    %get3A_0 = arith.constant 0 : index
    %get3A_1 = arith.constant 0 : index
    %get3A_2 = vector.load %arg1[%get3A, %get3A_0, %get3A_1] : memref<2x1024x128xf32, #tpu.memory_space<vmem>>, vector<2x1024x128xf32>
    %get3A_3 = arith.constant 0 : index
    %get3A_4 = arith.constant 0 : index
    %get3A_5 = vector.load %arg3[%get3A_3, %get3A_4] : memref<1024x1xf32, #tpu.memory_space<vmem>>, vector<1024x1xf32>
    %slice3A = vector.extract_strided_slice %get3A_2 {offsets = [0, 0, 0], sizes = [1, 1024, 128], strides = [1, 1, 1]} : vector<2x1024x128xf32> to vector<1x1024x128xf32>
    %squeeze3A = vector.shape_cast %slice3A : vector<1x1024x128xf32> to vector<1024x128xf32>
    %slice3A_6 = vector.extract_strided_slice %get3A_2 {offsets = [1, 0, 0], sizes = [1, 1024, 128], strides = [1, 1, 1]} : vector<2x1024x128xf32> to vector<1x1024x128xf32>
    %squeeze3A_7 = vector.shape_cast %slice3A_6 : vector<1x1024x128xf32> to vector<1024x128xf32>
    %add3A = arith.addf %squeeze3A, %squeeze3A_7 : vector<1024x128xf32>
    %get3A_8 = arith.constant 0 : index
    %get3A_9 = arith.constant 0 : index
    %get3A_10 = vector.load %arg2[%get3A_8, %get3A_9] : memref<1024x128xf32, #tpu.memory_space<vmem>>, vector<1024x128xf32>
    %add3A_11 = arith.addf %add3A, %get3A_10 : vector<1024x128xf32>
    %mul3A = vector.broadcast %get3A_5 : vector<1024x1xf32> to vector<1024x128xf32>
    %mul3A_12 = arith.mulf %add3A_11, %mul3A : vector<1024x128xf32>
    %get3A_13 = arith.constant 0 : index
    %get3A_14 = arith.constant 0 : index
    %get3A_15 = vector.load %arg4[%get3A_13, %get3A_14] : memref<1x128xf32, #tpu.memory_space<vmem>>, vector<1x128xf32>
    %add3A_16 = vector.broadcast %get3A_15 : vector<1x128xf32> to vector<1024x128xf32>
    %add3A_17 = arith.addf %mul3A_12, %add3A_16 : vector<1024x128xf32>
    %max3A = arith.constant 0.000000e+00 : f32
    %max3A_18 = vector.broadcast %max3A : f32 to vector<1024x128xf32>
    %max3A_19 = arith.maximumf %add3A_17, %max3A_18 : vector<1024x128xf32>
    %get3A_20 = arith.constant 0 : index
    %get3A_21 = arith.constant 0 : index
    %get3A_22 = vector.load %arg5[%get3A_20, %get3A_21] : memref<128x128xf32, #tpu.memory_space<vmem>>, vector<128x128xf32>
    %dot_general3A = arith.constant dense<0.000000e+00> : vector<1024x128xf32>
    %dot_general3A_23 = tpu.matmul %max3A_19, %get3A_22, %dot_general3A {dimension_numbers = #tpu.dot_dimension_numbers<[1], [0], [0], [1], [0, 0, 1, 1], [], []>, transpose_lhs_hint = false} : vector<1024x128xf32>, vector<128x128xf32>, vector<1024x128xf32> -> vector<1024x128xf32>
    %mul3A_24 = vector.broadcast %get3A_5 : vector<1024x1xf32> to vector<1024x128xf32>
    %mul3A_25 = arith.mulf %dot_general3A_23, %mul3A_24 : vector<1024x128xf32>
    %swap3A = arith.constant 0 : index
    %swap3A_26 = arith.constant 0 : index
    %swap3A_27 = vector.load %arg6[%swap3A, %swap3A_26] : memref<1024x128xf32, #tpu.memory_space<vmem>>, vector<1024x128xf32>
    tpu.vector_store %arg6[%swap3A, %swap3A_26], %mul3A_25 {strides = array<i32>} : memref<1024x128xf32, #tpu.memory_space<vmem>>, vector<1024x128xf32>,
    return
  }
  func.func @transform_0(%arg0: i32) -> (i32, i32, i32) {
    %c0_i32 = arith.constant 0 : i32
    %c0_i32_0 = arith.constant 0 : i32
    %c0_i32_1 = arith.constant 0 : i32
    return %c0_i32, %arg0, %c0_i32_0 : i32, i32, i32
  }
  func.func @transform_1(%arg0: i32) -> (i32, i32) {
    %c0_i32 = arith.constant 0 : i32
    %c0_i32_0 = arith.constant 0 : i32
    return %arg0, %c0_i32 : i32, i32
  }
  func.func @transform_2(%arg0: i32) -> (i32, i32) {
    %c0_i32 = arith.constant 0 : i32
    %c0_i32_0 = arith.constant 0 : i32
    return %arg0, %c0_i32 : i32, i32
  }
  func.func @transform_3(%arg0: i32) -> (i32, i32) {
    %c0_i32 = arith.constant 0 : i32
    %c0_i32_0 = arith.constant 0 : i32
    %c0_i32_1 = arith.constant 0 : i32
    return %c0_i32, %c0_i32_0 : i32, i32
  }
  func.func @transform_4(%arg0: i32) -> (i32, i32) {
    %c0_i32 = arith.constant 0 : i32
    %c0_i32_0 = arith.constant 0 : i32
    %c0_i32_1 = arith.constant 0 : i32
    return %c0_i32, %c0_i32_0 : i32, i32
  }
  func.func @transform_5(%arg0: i32) -> (i32, i32) {
    %c0_i32 = arith.constant 0 : i32
    %c0_i32_0 = arith.constant 0 : i32
    return %arg0, %c0_i32 : i32, i32
  }
}

module attributes {stable_mosaic.version = 14 : i64} {
  func.func @_tc_pool_body(%arg0: memref<2x10240x128xf32, #tpu.memory_space<vmem>>, %arg1: memref<10240x128xf32, #tpu.memory_space<vmem>>, %arg2: memref<10240x1xf32, #tpu.memory_space<vmem>>, %arg3: memref<1x128xf32, #tpu.memory_space<vmem>>, %arg4: memref<1x10240xi32, #tpu.memory_space<vmem>>, %arg5: memref<128x128xf32, #tpu.memory_space<vmem>>, %arg6: memref<1x128xf32, #tpu.memory_space<vmem>>, %arg7: memref<128x1xf32, #tpu.memory_space<vmem>>, %arg8: memref<1x1xf32, #tpu.memory_space<vmem>>, %arg9: memref<64x1xf32, #tpu.memory_space<vmem>>) attributes {dimension_semantics = [], scalar_prefetch = 0 : i64, scratch_operands = 0 : i64, tpu.core_type = #tpu.core_type<tc>} {
    %get3A = arith.constant 0 : index
    %get3A_0 = arith.constant 0 : index
    %get3A_1 = arith.constant 0 : index
    %get3A_2 = vector.load %arg0[%get3A, %get3A_0, %get3A_1] : memref<2x10240x128xf32, #tpu.memory_space<vmem>>, vector<2x10240x128xf32>
    %slice3A = vector.extract_strided_slice %get3A_2 {offsets = [0, 0, 0], sizes = [1, 10240, 128], strides = [1, 1, 1]} : vector<2x10240x128xf32> to vector<1x10240x128xf32>
    %squeeze3A = vector.shape_cast %slice3A : vector<1x10240x128xf32> to vector<10240x128xf32>
    %slice3A_3 = vector.extract_strided_slice %get3A_2 {offsets = [1, 0, 0], sizes = [1, 10240, 128], strides = [1, 1, 1]} : vector<2x10240x128xf32> to vector<1x10240x128xf32>
    %squeeze3A_4 = vector.shape_cast %slice3A_3 : vector<1x10240x128xf32> to vector<10240x128xf32>
    %add3A = arith.addf %squeeze3A, %squeeze3A_4 : vector<10240x128xf32>
    %get3A_5 = arith.constant 0 : index
    %get3A_6 = arith.constant 0 : index
    %get3A_7 = vector.load %arg1[%get3A_5, %get3A_6] : memref<10240x128xf32, #tpu.memory_space<vmem>>, vector<10240x128xf32>
    %add3A_8 = arith.addf %add3A, %get3A_7 : vector<10240x128xf32>
    %get3A_9 = arith.constant 0 : index
    %get3A_10 = arith.constant 0 : index
    %get3A_11 = vector.load %arg2[%get3A_9, %get3A_10] : memref<10240x1xf32, #tpu.memory_space<vmem>>, vector<10240x1xf32>
    %mul3A = vector.broadcast %get3A_11 : vector<10240x1xf32> to vector<10240x128xf32>
    %mul3A_12 = arith.mulf %add3A_8, %mul3A : vector<10240x128xf32>
    %get3A_13 = arith.constant 0 : index
    %get3A_14 = arith.constant 0 : index
    %get3A_15 = vector.load %arg3[%get3A_13, %get3A_14] : memref<1x128xf32, #tpu.memory_space<vmem>>, vector<1x128xf32>
    %add3A_16 = vector.broadcast %get3A_15 : vector<1x128xf32> to vector<10240x128xf32>
    %add3A_17 = arith.addf %mul3A_12, %add3A_16 : vector<10240x128xf32>
    %get3A_18 = arith.constant 0 : index
    %get3A_19 = arith.constant 0 : index
    %get3A_20 = vector.load %arg4[%get3A_18, %get3A_19] : memref<1x10240xi32, #tpu.memory_space<vmem>>, vector<1x10240xi32>
    %iota3A = tpu.iota {dimensions = array<i32: 0>} : vector<64x1xi32>
    %lt3A = vector.broadcast %get3A_20 : vector<1x10240xi32> to vector<64x10240xi32>
    %lt3A_21 = vector.broadcast %iota3A : vector<64x1xi32> to vector<64x10240xi32>
    %lt3A_22 = arith.cmpi slt, %lt3A, %lt3A_21 : vector<64x10240xi32>
    %convert_element_type3A = arith.extui %lt3A_22 : vector<64x10240xi1> to vector<64x10240xi32>
    %convert_element_type3A_23 = arith.sitofp %convert_element_type3A : vector<64x10240xi32> to vector<64x10240xf32>
    %reduce_sum3A = arith.constant dense<0.000000e+00> : vector<64xf32>
    %reduce_sum3A_24 = vector.multi_reduction <add>, %convert_element_type3A_23, %reduce_sum3A [1] : vector<64x10240xf32> to vector<64xf32>
    %broadcast_in_dim3A = vector.shape_cast %reduce_sum3A_24 : vector<64xf32> to vector<64x1xf32>
    %convert_element_type3A_25 = arith.fptosi %broadcast_in_dim3A : vector<64x1xf32> to vector<64x1xi32>
    %min3A = arith.constant 9999 : i32
    %min3A_26 = vector.broadcast %min3A : i32 to vector<64x1xi32>
    %min3A_27 = arith.minsi %convert_element_type3A_25, %min3A_26 : vector<64x1xi32>
    %add3A_28 = arith.constant 1 : i32
    %add3A_29 = vector.broadcast %add3A_28 : i32 to vector<64x1xi32>
    %add3A_30 = arith.addi %convert_element_type3A_25, %add3A_29 : vector<64x1xi32>
    %min3A_31 = arith.constant 9999 : i32
    %min3A_32 = vector.broadcast %min3A_31 : i32 to vector<64x1xi32>
    %min3A_33 = arith.minsi %add3A_30, %min3A_32 : vector<64x1xi32>
    %iota3A_34 = tpu.iota {dimensions = array<i32: 1>} : vector<1x10240xi32>
    %eq3A = vector.broadcast %iota3A_34 : vector<1x10240xi32> to vector<64x10240xi32>
    %eq3A_35 = vector.broadcast %min3A_27 : vector<64x1xi32> to vector<64x10240xi32>
    %eq3A_36 = arith.cmpi eq, %eq3A, %eq3A_35 : vector<64x10240xi32>
    %convert_element_type3A_37 = arith.extui %eq3A_36 : vector<64x10240xi1> to vector<64x10240xi32>
    %convert_element_type3A_38 = arith.sitofp %convert_element_type3A_37 : vector<64x10240xi32> to vector<64x10240xf32>
    %eq3A_39 = vector.broadcast %iota3A_34 : vector<1x10240xi32> to vector<64x10240xi32>
    %eq3A_40 = vector.broadcast %min3A_33 : vector<64x1xi32> to vector<64x10240xi32>
    %eq3A_41 = arith.cmpi eq, %eq3A_39, %eq3A_40 : vector<64x10240xi32>
    %convert_element_type3A_42 = arith.extui %eq3A_41 : vector<64x10240xi1> to vector<64x10240xi32>
    %convert_element_type3A_43 = arith.sitofp %convert_element_type3A_42 : vector<64x10240xi32> to vector<64x10240xf32>
    %dot_general3A = arith.constant dense<0.000000e+00> : vector<64x128xf32>
    %dot_general3A_44 = tpu.matmul %convert_element_type3A_38, %add3A_17, %dot_general3A {dimension_numbers = #tpu.dot_dimension_numbers<[1], [0], [0], [1], [0, 0, 1, 1], [], []>, transpose_lhs_hint = false} : vector<64x10240xf32>, vector<10240x128xf32>, vector<64x128xf32> -> vector<64x128xf32>
    %dot_general3A_45 = arith.constant dense<0.000000e+00> : vector<64x128xf32>
    %dot_general3A_46 = tpu.matmul %convert_element_type3A_43, %add3A_17, %dot_general3A_45 {dimension_numbers = #tpu.dot_dimension_numbers<[1], [0], [0], [1], [0, 0, 1, 1], [], []>, transpose_lhs_hint = false} : vector<64x10240xf32>, vector<10240x128xf32>, vector<64x128xf32> -> vector<64x128xf32>
    %mul3A_47 = arith.mulf %dot_general3A_44, %dot_general3A_46 : vector<64x128xf32>
    %get3A_48 = arith.constant 0 : index
    %get3A_49 = arith.constant 0 : index
    %get3A_50 = vector.load %arg5[%get3A_48, %get3A_49] : memref<128x128xf32, #tpu.memory_space<vmem>>, vector<128x128xf32>
    %dot_general3A_51 = arith.constant dense<0.000000e+00> : vector<64x128xf32>
    %dot_general3A_52 = tpu.matmul %mul3A_47, %get3A_50, %dot_general3A_51 {dimension_numbers = #tpu.dot_dimension_numbers<[1], [0], [0], [1], [0, 0, 1, 1], [], []>, transpose_lhs_hint = false} : vector<64x128xf32>, vector<128x128xf32>, vector<64x128xf32> -> vector<64x128xf32>
    %get3A_53 = arith.constant 0 : index
    %get3A_54 = arith.constant 0 : index
    %get3A_55 = vector.load %arg6[%get3A_53, %get3A_54] : memref<1x128xf32, #tpu.memory_space<vmem>>, vector<1x128xf32>
    %add3A_56 = vector.broadcast %get3A_55 : vector<1x128xf32> to vector<64x128xf32>
    %add3A_57 = arith.addf %dot_general3A_52, %add3A_56 : vector<64x128xf32>
    %max3A = arith.constant 0.000000e+00 : f32
    %max3A_58 = vector.broadcast %max3A : f32 to vector<64x128xf32>
    %max3A_59 = arith.maximumf %add3A_57, %max3A_58 : vector<64x128xf32>
    %get3A_60 = arith.constant 0 : index
    %get3A_61 = arith.constant 0 : index
    %get3A_62 = vector.load %arg7[%get3A_60, %get3A_61] : memref<128x1xf32, #tpu.memory_space<vmem>>, vector<128x1xf32>
    %dot_general3A_63 = arith.constant dense<0.000000e+00> : vector<64x1xf32>
    %dot_general3A_64 = tpu.matmul %max3A_59, %get3A_62, %dot_general3A_63 {dimension_numbers = #tpu.dot_dimension_numbers<[1], [0], [0], [1], [0, 0, 1, 1], [], []>, transpose_lhs_hint = false} : vector<64x128xf32>, vector<128x1xf32>, vector<64x1xf32> -> vector<64x1xf32>
    %get3A_65 = arith.constant 0 : index
    %get3A_66 = arith.constant 0 : index
    %get3A_67 = vector.load %arg8[%get3A_65, %get3A_66] : memref<1x1xf32, #tpu.memory_space<vmem>>, vector<1x1xf32>
    %add3A_68 = vector.broadcast %get3A_67 : vector<1x1xf32> to vector<64x1xf32>
    %add3A_69 = arith.addf %dot_general3A_64, %add3A_68 : vector<64x1xf32>
    %swap3A = arith.constant 0 : index
    %swap3A_70 = arith.constant 0 : index
    %swap3A_71 = vector.load %arg9[%swap3A, %swap3A_70] : memref<64x1xf32, #tpu.memory_space<vmem>>, vector<64x1xf32>
    tpu.vector_store %arg9[%swap3A, %swap3A_70], %add3A_69 {strides = array<i32>} : memref<64x1xf32, #tpu.memory_space<vmem>>, vector<64x1xf32>,
    return
  }
}

</mosaic_0001>

<sc_bundles>
// kernel: kernel.10.cloned.1.call-start
scs
__scs_entry_jumppad:
0x0: {  	(pc) =	sbr.rel $0x88, $3  }
0x1: {  	(tag) =	ssettag $0x0;
	lr =	simm.s32 $0x1  }
0x2: {  	[smem:$0x3F93] =	sst lr;
	_ =	strace $0xD0000000  }
0x3: {  	_ = 	snop  }
0x4: {  	_ = 	snop  }
0x5: {  	_ = 	snop  }
0x6: {  	_ = 	snop  }
0x7: {  	_ = 	snop  }
__scs_overlays_trampoline_lowered:
0x8: {  	[smem:$0x3FA2] =	sst s0  }
0x9: {  	[smem:$0x3FA3] =	sst s1  }
0xa: {  	[smem:$0x3FA4] =	sst s2  }
0xb: {  	[smem:$0x3FA5] =	sst s3  }
0xc: {  	[smem:$0x3FA6] =	sst s4  }
0xd: {  	[smem:$0x3FA7] =	sst s5  }
0xe: {  	[smem:$0x3FA8] =	sst s6  }
0xf: {  	[smem:$0x3FA9] =	sst s7  }
0x10: {  	[smem:$0x3FAA] =	sst s8  }
0x11: {  	[smem:$0x3FAB] =	sst s9;
	s0 =	simm.s32 @!p0 $0x0  }
0x12: {  	s1 =	sld [smem:$0x3F91];
	s0 =	simm.s32 @p0 $0x1  }
0x13: {  	[smem:$0x3FAC] =	sst s0;
	s0 =	simm.s32 @!p1 $0x0  }
0x14: {  	s2 =	sld [smem:$0x3F90];
	s0 =	simm.s32 @p1 $0x1  }
0x15: {  	[smem:$0x3FAD] =	sst s0;
	s0 =	simm.s32 @!p2 $0x0  }
0x16: {  	s3 =	sld [smem:$0x3FDB];
	s0 =	simm.s32 @p2 $0x1  }
0x17: {  	s4 =	simm.s32 $0x1BF5;
	[smem:$0x3FAF] =	sst s0  }
0x18: {  	s0 =	sld [smem:$0x3F92];
	_ =	swait.ge [sflag:s4], $0x0  }
0x19: {  	s7 =	sld [smem:$0x3F93]  }
0x1a: {  	s8 =	sadd.s32 $0xFFFFE003, lr  }
0x1b: {  	s9 =	sadd.s32 $0xFFFFFEF7, lr;
	s5 =	simm.s32 $0xFFFFFFFF;
	p2 =	slt.u32 s8, $0xFFFFF086  }
0x1c: {  	p1 =	slt.u32 s9, $0xF7A;
	s5 =	simm.s32 @!p2 $0x0  }
0x1d: {  	s5 =	simm.s32 @p1 $0x1;
	p0 =	seq.s32 s7, s2  }
0x1e: {  	s7 =	smul.u32 @!p0 $0xF7A, s2;
	p2 =	seq.s32 @!p0 s5, $0x0  }
0x1f: {  	s9 =	smul.u32 $0xF7A, s1;
	s8 =	simm.s32 @!p0 $0x1BF5;
	p2 =	por !p2, p0  }
0x20: {  	[sflag:s8] =	ssyncset.s32 @!p0 $0xFFFFF086;
	s6 =	sadd.s32 @!p0 s3, s7;
	s7 =	simm.s32 @!p0 $0x108  }
0x21: {  	s3 =	sadd.s32 s3, s9;
	s6 =	sadd.s32 @!p0 $0x88, s6;
	s7 =	simm.s32 @p2 $0x1082  }
0x22: {  	[simem:s7], [sflag:s8] =	dma.local @!p0 [hbm:s6], $0xF7A  }
0x23: {  	s9 =	sor.u32 $0xD0000000, s2;
	s6 =	simm.s32 $0x108;
	_ =	swait.ge @!p0 [sflag:s8], $0x0  }
0x24: {  	s3 =	sadd.s32 $0x88, s3;
	s6 =	simm.s32 @!p1 $0x1082;
	[sflag:s4] =	ssyncset.s32 $0xFFFFF086  }
0x25: {  	[simem:s6], [sflag:s4] =	dma.local [hbm:s3], $0xF7A  }
0x26: {  	[smem:$0x3F93] =	sst s1;
	(tag) =	ssettag s2;
	_ =	strace s9  }
0x27: {  	s1 =	sld [smem:$0x3FA3]  }
0x28: {  	s2 =	sld [smem:$0x3FA4]  }
0x29: {  	s4 =	sld [smem:$0x3FA6]  }
0x2a: {  	p0 =	seq.s32 s5, $0x0;
	s5 =	sld [smem:$0x3FA7]  }
0x2b: {  	s6 =	sld [smem:$0x3FA8]  }
0x2c: {  	s7 =	sld [smem:$0x3FA9]  }
0x2d: {  	s3 =	simm.s32 $0x108;
	s8 =	sld [smem:$0x3FAA]  }
0x2e: {  	s3 =	simm.s32 @!p0 $0x1082;
	s9 =	sld [smem:$0x3FAB]  }
0x2f: {  	lr =	sadd.s32 s0, s3;
	s0 =	sld [smem:$0x3FA2]  }
0x30: {  	s3 =	sld [smem:$0x3FA5]  }
0x31: {  	[smem:$0x3FAE] =	sst s10  }
0x32: {  	s10 =	sld [smem:$0x3FAC];
	_ =	sdelay $0x3  }
0x33: {  	p0 =	seq.s32 s10, $0x1;
	s10 =	sld [smem:$0x3FAE];
	_ =	sdelay $0x3  }
0x34: {  	[smem:$0x3FAE] =	sst s10  }
0x35: {  	s10 =	sld [smem:$0x3FAD];
	_ =	sdelay $0x3  }
0x36: {  	p1 =	seq.s32 s10, $0x1;
	s10 =	sld [smem:$0x3FAE];
	_ =	sdelay $0x3  }
0x37: {  	[smem:$0x3FAE] =	sst s10  }
0x38: {  	s10 =	sld [smem:$0x3FAF]  }
0x39: {  	_ = 	snop;
	(pc) =	sbr.ind lr, $3  }
0x3a: {  	_ = 	snop  }
0x3b: {  	_ = 	snop  }
0x3c: {  	p2 =	seq.s32 s10, $0x1;
	s10 =	sld [smem:$0x3FAE]  }
0x3d: {  	_ =	shalt  }
0x3e: {  	_ =	shalt  }
0x3f: {  	_ =	shalt  }
0x40: {  	_ =	shalt  }
0x41: {  	_ =	shalt  }
0x42: {  	_ =	shalt  }
0x43: {  	_ =	shalt  }
0x44: {  	_ =	shalt  }
0x45: {  	_ =	shalt  }
0x46: {  	_ =	shalt  }
0x47: {  	_ =	shalt  }
0x48: {  	_ =	shalt  }
0x49: {  	_ =	shalt  }
0x4a: {  	_ =	shalt  }
0x4b: {  	_ =	shalt  }
0x4c: {  	_ =	shalt  }
0x4d: {  	_ =	shalt  }
0x4e: {  	_ =	shalt  }
0x4f: {  	_ =	shalt  }
0x50: {  	_ =	shalt  }
0x51: {  	_ =	shalt  }
0x52: {  	_ =	shalt  }
0x53: {  	_ =	shalt  }
0x54: {  	_ =	shalt  }
0x55: {  	_ =	shalt  }
0x56: {  	_ =	shalt  }
0x57: {  	_ =	shalt  }
0x58: {  	_ =	shalt  }
0x59: {  	_ =	shalt  }
0x5a: {  	_ =	shalt  }
0x5b: {  	_ =	shalt  }
0x5c: {  	_ =	shalt  }
0x5d: {  	_ =	shalt  }
0x5e: {  	_ =	shalt  }
0x5f: {  	_ =	shalt  }
0x60: {  	_ =	shalt  }
0x61: {  	_ =	shalt  }
0x62: {  	_ =	shalt  }
0x63: {  	_ =	shalt  }
0x64: {  	_ =	shalt  }
0x65: {  	_ =	shalt  }
0x66: {  	_ =	shalt  }
0x67: {  	_ =	shalt  }
0x68: {  	_ =	shalt  }
0x69: {  	_ =	shalt  }
0x6a: {  	_ =	shalt  }
0x6b: {  	_ =	shalt  }
0x6c: {  	_ =	shalt  }
0x6d: {  	_ =	shalt  }
0x6e: {  	_ =	shalt  }
0x6f: {  	_ =	shalt  }
0x70: {  	_ =	shalt  }
0x71: {  	_ =	shalt  }
0x72: {  	_ =	shalt  }
0x73: {  	_ =	shalt  }
0x74: {  	_ =	shalt  }
0x75: {  	_ =	shalt  }
0x76: {  	_ =	shalt  }
0x77: {  	_ =	shalt  }
0x78: {  	_ =	shalt  }
0x79: {  	_ =	shalt  }
0x7a: {  	_ =	shalt  }
0x7b: {  	_ =	shalt  }
0x7c: {  	_ =	shalt  }
0x7d: {  	_ =	shalt  }
0x7e: {  	_ =	shalt  }
0x7f: {  	_ =	shalt  }
0x80: {  	_ =	shalt  }
0x81: {  	_ =	shalt  }
0x82: {  	_ =	shalt  }
0x83: {  	_ =	shalt  }
0x84: {  	_ =	shalt  }
0x85: {  	_ =	shalt  }
0x86: {  	_ =	shalt  }
0x87: {  	_ =	shalt  }
.Lfunc_end0:
.L_simem_size_0:
called_computation_lowered:
.L_overlay_start_0:
0x88: {  	s2 =	sld [smem:$0x3FD9]  }
0x89: {  	s3 =	sld [smem:$0x3FFE];
	_ =	sdelay $0x1  }
0x8a: {  	s1 =	srdreg.scid  }
0x8b: {  	s0 =	sand.u32 $0x1, s1  }
0x8c: {  	s17 =	sshll.u32 s0, $0xA;
	s2 =	sadd.s32 s3, s2  }
0x8d: {  	s2 =	sadd.s32 s2, s17  }
0x8e: {  	[smem:$0x3FBA] =	sst s2  }
0x8f: {  	_ = 	snop  }
0x90: {  	s2 =	sld [smem:$0x3FC6];
	(tm) =	ssettm $0x1  }
0x91: {  	s18 =	sld [smem:$0x3FFB];
	_ =	sdelay $0x3  }
0x92: {  	_ =	strace s18  }
0x93: {  	s3 =	sld [smem:$0x3FFC];
	_ =	sdelay $0x3  }
0x94: {  	_ =	strace s3  }
0x95: {  	s3 =	sld [smem:$0x3FFD];
	_ =	sdelay $0x3  }
0x96: {  	_ =	strace s3  }
0x97: {  	_ =	strace $0x8FFFFFFF  }
0x98: {  	s19 =	sld [smem:$0x3FDB];
	_ =	sdelay $0x1  }
0x99: {  	s4 =	simm.s32 $_scs_section_size  }
0x9a: {  	s5 =	simm.s32 $_size__tile_overlayer_lowered;
	s6 =	simm.s32 $_tile_overlayer_lowered  }
0x9b: {  	s22 =	simm.s32 $0x1BFF;
	s21 =	sshll.u32 s6, $0x1;
	s3 =	sadd.s32 s4, s19  }
0x9c: {  	s7 =	simm.s32 $0x0;
	s20 =	sshll.u32 s5, $0x1;
	s5 =	sadd.s32 s21, s3  }
0x9d: {  	[timem:s7], [sflag:s22] =	dma.local [hbm:s5], s20  }
0x9e: {  	_ =	swait.ge [sflag:s22], s20  }
0x9f: {  	s4 =	ssub.s32 $0x0, s20;
	[sflag:s22] =	ssyncset.done $0x0  }
0xa0: {  	[sflag:s22] =	ssyncadd.s32 s4;
	_ =	sdelay $0x1  }
0xa1: {  	s23 =	simm.s32 $0x1B8B  }
0xa2: {  	_ =	swait.ge [sflag:s23], $0x1  }
0xa3: {  	[sflag:s23] =	ssyncset.done $0x0  }
0xa4: {  	s25 =	simm.s32 $0x1B8E;
	s24 =	sld [smem:$0x3FFE];
	[sflag:s23] =	ssyncadd.s32 $0xFFFFFFFF  }
0xa5: {  	s26 =	simm.s32 $execute0_lowered;
	[smem:$0x3FD2] =	sst s25  }
0xa6: {  	s5 =	sshll.u32 s26, $0x1;
	_ =	strace $0x80000046;
	[dreg:$0x1] =	wrdreg $0xFFFFFFFF  }
0xa7: {  	s28 =	simm.s32 $_size_execute0_lowered;
	s3 =	sadd.s32 s3, s5;
	[dreg:$0x0] =	wrdreg $0x0  }
0xa8: {  	s5 =	sshll.u32 s28, $0x1;
	[dreg:$0x2] =	wrdreg s3  }
0xa9: {  	[dreg:$0x3] =	wrdreg s5  }
0xaa: {  	[dreg:$0x4] =	wrdreg $0xC0  }
0xab: {  	_ =	task [dreg:s7], $0x5FFFF  }
0xac: {  	[dreg:$0x1] =	wrdreg $0xFFFFFFFF  }
0xad: {  	[dreg:$0x0] =	wrdreg $0x60  }
0xae: {  	[dreg:$0x2] =	wrdreg s24  }
0xaf: {  	[dreg:$0x3] =	wrdreg s2  }
0xb0: {  	[dreg:$0x4] =	wrdreg $0xA8800  }
0xb1: {  	[dreg:$0x5] =	wrdreg $0x9  }
0xb2: {  	_ =	task.clear_ibuf [dreg:s7], $0x6FFFF;
	_ =	strace $0x90000046  }
0xb3: {  	s29 =	simm.s32 $0x9;
	_ =	strace $0x80000048  }
0xb4: {  	_ =	swait.ge [sflag:s29], $0x1  }
0xb5: {  	[sflag:s29] =	ssyncadd.s32 $0xFFFFFFFF  }
0xb6: {  	_ =	strace $0x90000048  }
0xb7: {  	_ =	sfence  }
0xb8: {  	s30 =	sld [smem:$0x0];
	_ =	sdelay $0x2  }
0xb9: {  	s31 =	sshll.u32 s1, $0xD;
	s1 =	sshrl.u32 s1, $0x2  }
0xba: {  	s3 =	sand.u32 $0x4000, s31;
	s1 =	sadd.s32 s1, s30  }
0xbb: {  	s0 =	sor.u32 s3, s0;
	s1 =	sshll.u32 s1, $0x11  }
0xbc: {  	s0 =	sor.u32 s1, s0  }
0xbd: {  	s0 =	sadd.s32 $0x8F2B, s0  }
0xbe: {  	[sflag:s0] =	ssyncadd.remote.s32 $0x1  }
0xbf: {  	_ =	sfence.sel $0xFFFF  }
0xc0: {  	[dreg:$0x0] =	wrdreg $0xFFFFFFFF;
	(pc) =	sbr.abs _section_cstart, $3  }
0xc1: {  	[dreg:$0x1] =	wrdreg $0xFFFFFFFF  }
0xc2: {  	_ =	task.clear_ibuf [dreg:s7], $0x2FFFF;
	_ =	strace $0x9FFFFFFF  }
0xc3: {  	(tm) =	ssettm $0x7FFFFFFF  }
tec
execute0_lowered:
.L_overlay_start_1:
0x0: {  	(tag) =	ssettag $0x1  }
0x1: {  	s6 =	rddreg [dreg:$0x0]  }
0x2: {  	s2 =	rddreg [dreg:$0x1];
	s0 =	srdreg.scid  }
0x3: {  	s3 =	rddreg [dreg:$0x2];
	s1 =	stileid.u32  }
0x4: {  	s4 =	simm.s32 $0x0;
	s20 =	simm.s32 $0x2880;
	s21 =	simm.s32 $0x2  }
0x5: {  	s22 =	sand.u32 $0x1, s0;
	s0 =	rddreg [dreg:$0x3];
	s7 =	smul.u32 $0x500, s1  }
0x6: {  	[smem:$0x7FF] =	sst s4;
	s8 =	smul.u32 $0x14000, s1;
	s15 =	sadd.s32 $0x3C00, s6  }
0x7: {  	s11 =	smul.u32 $0x50000, s1;
	s16 =	sadd.s32 $0x40A00, s6;
	s28 =	sshll.u32 s1, $0x6  }
0x8: {  	s18 =	sor.u32 $0x40, s1;
	s5 =	smul.u32 $0x5000, s22;
	_ =	strace $0x80000047  }
0x9: {  	s9 =	smul.u32 $0x140000, s22;
	s24 =	ssub.s32 $0x2, s22;
	s26 =	sshll.u32 s22, $0x4  }
0xa: {  	s19 =	sshll.u32 s18, $0x4;
	s18 =	sshll.u32 s18, $0xB;
	p0 =	sne.s32 s22, $0x0  }
0xb: {  	s22 =	simm.s32 $0x4;
	s23 =	sshrl.u32 s8, $0x3;
	s12 =	sshrl.u32 s24, $0x1  }
0xc: {  	s25 =	sshrl.u32 s11, $0x2;
	s11 =	sor.u32 s1, s26;
	s5 =	sadd.s32 s7, s5  }
0xd: {  	s7 =	sadd.s32 s23, s6;
	s8 =	sadd.s32 s8, s9;
	s12 =	ssub.s32 s24, s12  }
0xe: {  	s17 =	sadd.s32 s25, s3;
	s29 =	sshll.u32 s11, $0x4;
	s30 =	sshll.u32 s11, $0xB  }
0xf: {  	s14 =	sor.u32 $0x20, s11;
	s23 =	simm.s32 $0x6880;
	s24 =	simm.s32 $0x1  }
0x10: {  	s25 =	simm.s32 $0x0;
	s10 =	sadd.s32 s5, s6;
	s5 =	sadd.s32 $0x40200, s6  }
0x11: {  	s8 =	sshrl.u32 s8, $0x3;
	s11 =	sadd.s32 s15, s29;
	s31 =	sshll.u32 s14, $0x4  }
0x12: {  	s14 =	sshll.u32 s14, $0xB;
	s17 =	sshrl.u32 s17, $0x3;
	s13 =	sadd.s32 s8, s6  }
0x13: {  	s6 =	sadd.s32 $0x18200, s7;
	s7 =	sor.u32 $0x1C03, s28;
	s8 =	sadd.s32 $0x4200, s10  }
0x14: {  	s10 =	smax.u32 s12, $0x1;
	s12 =	sadd.s32 s16, s30;
	s14 =	sadd.s32 s16, s14  }
0x15: {  	s16 =	sadd.s32 s16, s18;
	s18 =	simm.s32 $0x3;
	s9 =	sadd.s32 $0x68A00, s13  }
0x16: {  	s13 =	sadd.s32 s15, s31;
	s15 =	sadd.s32 s15, s19;
	s19 =	simm.s32 $0x80  }
.LBB2_1:
0x17: {  	[spmem:s17], [sflag:s7] =	dma.local [hbm:s6], $0x2800  }
0x18: {  	_ =	swait.ge [sflag:s18], $0x2800  }
0x19: {  	[sflag:s18] =	ssyncset.done $0x0  }
0x1a: {  	[sflag:s18] =	ssyncadd.s32 $0xFFFFD800  }
0x1b: {  	[tilespmem:s19], [sflag:$0x3] =	stream.linear.gather [hbm4b:s8+s4], $0x2800, $0x38;
	[tilespmem:$0x1E880] =	vst v63  }
0x1c: {  	_ =	swait.ge [sflag:s18], $0x2800  }
0x1d: {  	[sflag:s18] =	ssyncset.done $0x0  }
0x1e: {  	[sflag:s18] =	ssyncadd.s32 $0xFFFFD800  }
0x1f: {  	[tilespmem:s20], [sflag:$0x3] =	stream.linear.gather [hbm4b:s5+s4], $0x4000, $0x38;
	[tilespmem:$0x1E880] =	vst v63  }
0x20: {  	_ =	swait.ge [sflag:s18], $0x4000  }
0x21: {  	[sflag:s18] =	ssyncset.done $0x0  }
0x22: {  	[sflag:s18] =	ssyncadd.s32 $0xFFFFC000  }
0x23: {  	s26 =	simm.s32 $0x80;
	[bflag:$0x0] =	sbarrier.arrive $0xFFFF  }
0x24: {  	[spmem:s3] =	stream.indirect.scatter.add.f32 [tilespmem:s20], [sflag:$0x2], $0x80, s26, s19, $0xb8;
	[tilespmem:$0x1E880] =	vst v63  }
0x25: {  	s31 =	simm.s32 $0x100  }
0x26: {  	[spmem:s3] =	stream.indirect.scatter.add.f32 [tilespmem:s20], [sflag:$0x2], $0x80, s31, s19, $0xb8;
	[tilespmem:$0x1E880] =	vst v63  }
0x27: {  	s28 =	simm.s32 $0x180  }
0x28: {  	[spmem:s3] =	stream.indirect.scatter.add.f32 [tilespmem:s20], [sflag:$0x2], $0x80, s28, s19, $0xb8;
	[tilespmem:$0x1E880] =	vst v63  }
0x29: {  	s31 =	simm.s32 $0x200  }
0x2a: {  	[spmem:s3] =	stream.indirect.scatter.add.f32 [tilespmem:s20], [sflag:$0x2], $0x80, s31, s19, $0xb8;
	[tilespmem:$0x1E880] =	vst v63  }
0x2b: {  	s28 =	simm.s32 $0x280  }
0x2c: {  	[spmem:s3] =	stream.indirect.scatter.add.f32 [tilespmem:s20], [sflag:$0x2], $0x80, s28, s19, $0xb8;
	[tilespmem:$0x1E880] =	vst v63  }
0x2d: {  	s31 =	simm.s32 $0x300  }
0x2e: {  	[spmem:s3] =	stream.indirect.scatter.add.f32 [tilespmem:s20], [sflag:$0x2], $0x80, s31, s19, $0xb8;
	[tilespmem:$0x1E880] =	vst v63  }
0x2f: {  	s28 =	simm.s32 $0x380  }
0x30: {  	[spmem:s3] =	stream.indirect.scatter.add.f32 [tilespmem:s20], [sflag:$0x2], $0x80, s28, s19, $0xb8;
	[tilespmem:$0x1E880] =	vst v63  }
0x31: {  	s31 =	simm.s32 $0x400  }
0x32: {  	[spmem:s3] =	stream.indirect.scatter.add.f32 [tilespmem:s20], [sflag:$0x2], $0x80, s31, s19, $0xb8;
	[tilespmem:$0x1E880] =	vst v63  }
0x33: {  	_ =	swait.ge [sflag:s21], $0x4000  }
0x34: {  	[sflag:s21] =	ssyncset.done $0x0  }
0x35: {  	[sflag:s21] =	ssyncadd.s32 $0xFFFFC000  }
0x36: {  	_ =	swait.ge [sflag:s21], $0x4000  }
0x37: {  	[sflag:s21] =	ssyncset.done $0x0  }
0x38: {  	[sflag:s21] =	ssyncadd.s32 $0xFFFFC000  }
0x39: {  	_ =	swait.ge [sflag:s21], $0x4000  }
0x3a: {  	[sflag:s21] =	ssyncset.done $0x0  }
0x3b: {  	[sflag:s21] =	ssyncadd.s32 $0xFFFFC000  }
0x3c: {  	_ =	swait.ge [sflag:s21], $0x4000  }
0x3d: {  	[sflag:s21] =	ssyncset.done $0x0  }
0x3e: {  	[sflag:s21] =	ssyncadd.s32 $0xFFFFC000  }
0x3f: {  	_ =	swait.ge [sflag:s21], $0x4000  }
0x40: {  	[sflag:s21] =	ssyncset.done $0x0  }
0x41: {  	[sflag:s21] =	ssyncadd.s32 $0xFFFFC000  }
0x42: {  	_ =	swait.ge [sflag:s21], $0x4000  }
0x43: {  	[sflag:s21] =	ssyncset.done $0x0  }
0x44: {  	[sflag:s21] =	ssyncadd.s32 $0xFFFFC000  }
0x45: {  	_ =	swait.ge [sflag:s21], $0x4000  }
0x46: {  	[sflag:s21] =	ssyncset.done $0x0  }
0x47: {  	[sflag:s21] =	ssyncadd.s32 $0xFFFFC000  }
0x48: {  	_ =	swait.ge [sflag:s21], $0x4000  }
0x49: {  	s30 =	simm.s32 $0x2000;
	s29 =	simm.s32 $0x400;
	[sflag:s21] =	ssyncset.done $0x0  }
.LBB2_2:
0x4a: {  	s31 =	sadd.s32 $0x80, s29  }
0x4b: {  	[sflag:s21] =	ssyncadd.s32 $0xFFFFC000;
	s28 =	smov.u32 s30;
	s26 =	sadd.s32 $0x1000, s30  }
0x4c: {  	[spmem:s3] =	stream.indirect.scatter.add.f32 [tilespmem:s20], [sflag:$0x2], $0x80, s31, s19, $0xb8;
	[tilespmem:$0x1E880] =	vst v63  }
0x4d: {  	p1 =	sne.s32 s30, $0x9000;
	s30 =	sadd.s32 $0x100, s29  }
0x4e: {  	[spmem:s3] =	stream.indirect.scatter.add.f32 [tilespmem:s20], [sflag:$0x2], $0x80, s30, s19, $0xb8;
	[tilespmem:$0x1E880] =	vst v63  }
0x4f: {  	s30 =	sadd.s32 $0x180, s29  }
0x50: {  	[spmem:s3] =	stream.indirect.scatter.add.f32 [tilespmem:s20], [sflag:$0x2], $0x80, s30, s19, $0xb8;
	[tilespmem:$0x1E880] =	vst v63  }
0x51: {  	s30 =	sadd.s32 $0x200, s29  }
0x52: {  	[spmem:s3] =	stream.indirect.scatter.add.f32 [tilespmem:s20], [sflag:$0x2], $0x80, s30, s19, $0xb8;
	[tilespmem:$0x1E880] =	vst v63  }
0x53: {  	s30 =	sadd.s32 $0x280, s29  }
0x54: {  	[spmem:s3] =	stream.indirect.scatter.add.f32 [tilespmem:s20], [sflag:$0x2], $0x80, s30, s19, $0xb8;
	[tilespmem:$0x1E880] =	vst v63  }
0x55: {  	s30 =	sadd.s32 $0x300, s29  }
0x56: {  	[spmem:s3] =	stream.indirect.scatter.add.f32 [tilespmem:s20], [sflag:$0x2], $0x80, s30, s19, $0xb8;
	[tilespmem:$0x1E880] =	vst v63  }
0x57: {  	s30 =	sadd.s32 $0x380, s29  }
0x58: {  	[spmem:s3] =	stream.indirect.scatter.add.f32 [tilespmem:s20], [sflag:$0x2], $0x80, s30, s19, $0xb8;
	[tilespmem:$0x1E880] =	vst v63  }
0x59: {  	s29 =	sadd.s32 $0x400, s29  }
0x5a: {  	[spmem:s3] =	stream.indirect.scatter.add.f32 [tilespmem:s20], [sflag:$0x2], $0x80, s29, s19, $0xb8;
	[tilespmem:$0x1E880] =	vst v63  }
0x5b: {  	_ =	swait.ge [sflag:s21], $0x4000  }
0x5c: {  	[sflag:s21] =	ssyncset.done $0x0  }
0x5d: {  	[sflag:s21] =	ssyncadd.s32 $0xFFFFC000  }
0x5e: {  	_ =	swait.ge [sflag:s21], $0x4000  }
0x5f: {  	[sflag:s21] =	ssyncset.done $0x0  }
0x60: {  	[sflag:s21] =	ssyncadd.s32 $0xFFFFC000  }
0x61: {  	_ =	swait.ge [sflag:s21], $0x4000  }
0x62: {  	[sflag:s21] =	ssyncset.done $0x0  }
0x63: {  	[sflag:s21] =	ssyncadd.s32 $0xFFFFC000  }
0x64: {  	_ =	swait.ge [sflag:s21], $0x4000  }
0x65: {  	[sflag:s21] =	ssyncset.done $0x0  }
0x66: {  	[sflag:s21] =	ssyncadd.s32 $0xFFFFC000  }
0x67: {  	_ =	swait.ge [sflag:s21], $0x4000  }
0x68: {  	[sflag:s21] =	ssyncset.done $0x0  }
0x69: {  	[sflag:s21] =	ssyncadd.s32 $0xFFFFC000  }
0x6a: {  	_ =	swait.ge [sflag:s21], $0x4000  }
0x6b: {  	[sflag:s21] =	ssyncset.done $0x0  }
0x6c: {  	[sflag:s21] =	ssyncadd.s32 $0xFFFFC000  }
.Ltmp0:
0x6d: {  	_ =	swait.ge [sflag:s21], $0x4000;
	(pc) =	sbr.rel @p1 .LBB2_2-.Ltmp0, $4  }
0x6e: {  	[sflag:s21] =	ssyncset.done $0x0  }
0x6f: {  	[sflag:s21] =	ssyncadd.s32 $0xFFFFC000  }
0x70: {  	_ =	swait.ge [sflag:s21], $0x4000  }
0x71: {  	s30 =	smov.u32 s26;
	s29 =	sshra.s32 s28, $0x2;
	[sflag:s21] =	ssyncset.done $0x0  }
0x72: {  	s26 =	sadd.s32 $0x80, s29;
	[sflag:s21] =	ssyncadd.s32 $0xFFFFC000  }
0x73: {  	[spmem:s3] =	stream.indirect.scatter.add.f32 [tilespmem:s20], [sflag:$0x2], $0x80, s26, s19, $0xb8;
	[tilespmem:$0x1E880] =	vst v63  }
0x74: {  	s31 =	sadd.s32 $0x100, s29  }
0x75: {  	[spmem:s3] =	stream.indirect.scatter.add.f32 [tilespmem:s20], [sflag:$0x2], $0x80, s31, s19, $0xb8;
	[tilespmem:$0x1E880] =	vst v63  }
0x76: {  	s28 =	sadd.s32 $0x180, s29  }
0x77: {  	[spmem:s3] =	stream.indirect.scatter.add.f32 [tilespmem:s20], [sflag:$0x2], $0x80, s28, s19, $0xb8;
	[tilespmem:$0x1E880] =	vst v63  }
0x78: {  	s30 =	sadd.s32 $0x200, s29  }
0x79: {  	[spmem:s3] =	stream.indirect.scatter.add.f32 [tilespmem:s20], [sflag:$0x2], $0x80, s30, s19, $0xb8;
	[tilespmem:$0x1E880] =	vst v63  }
0x7a: {  	s31 =	sadd.s32 $0x280, s29  }
0x7b: {  	[spmem:s3] =	stream.indirect.scatter.add.f32 [tilespmem:s20], [sflag:$0x2], $0x80, s31, s19, $0xb8;
	[tilespmem:$0x1E880] =	vst v63  }
0x7c: {  	s28 =	sadd.s32 $0x300, s29  }
0x7d: {  	[spmem:s3] =	stream.indirect.scatter.add.f32 [tilespmem:s20], [sflag:$0x2], $0x80, s28, s19, $0xb8;
	[tilespmem:$0x1E880] =	vst v63  }
0x7e: {  	s30 =	sadd.s32 $0x380, s29  }
0x7f: {  	[spmem:s3] =	stream.indirect.scatter.add.f32 [tilespmem:s20], [sflag:$0x2], $0x80, s30, s19, $0xb8;
	[tilespmem:$0x1E880] =	vst v63  }
0x80: {  	s31 =	sadd.s32 $0x400, s29  }
0x81: {  	[spmem:s3] =	stream.indirect.scatter.add.f32 [tilespmem:s20], [sflag:$0x2], $0x80, s31, s19, $0xb8;
	[tilespmem:$0x1E880] =	vst v63  }
0x82: {  	_ =	swait.ge [sflag:s21], $0x4000  }
0x83: {  	[sflag:s21] =	ssyncset.done $0x0  }
0x84: {  	[sflag:s21] =	ssyncadd.s32 $0xFFFFC000  }
0x85: {  	_ =	swait.ge [sflag:s21], $0x4000  }
0x86: {  	[sflag:s21] =	ssyncset.done $0x0  }
0x87: {  	[sflag:s21] =	ssyncadd.s32 $0xFFFFC000  }
0x88: {  	_ =	swait.ge [sflag:s21], $0x4000  }
0x89: {  	[sflag:s21] =	ssyncset.done $0x0  }
0x8a: {  	[sflag:s21] =	ssyncadd.s32 $0xFFFFC000  }
0x8b: {  	_ =	swait.ge [sflag:s21], $0x4000  }
0x8c: {  	[sflag:s21] =	ssyncset.done $0x0  }
0x8d: {  	[sflag:s21] =	ssyncadd.s32 $0xFFFFC000  }
0x8e: {  	_ =	swait.ge [sflag:s21], $0x4000  }
0x8f: {  	[sflag:s21] =	ssyncset.done $0x0  }
0x90: {  	[sflag:s21] =	ssyncadd.s32 $0xFFFFC000  }
0x91: {  	_ =	swait.ge [sflag:s21], $0x4000  }
0x92: {  	[sflag:s21] =	ssyncset.done $0x0  }
0x93: {  	[sflag:s21] =	ssyncadd.s32 $0xFFFFC000  }
0x94: {  	_ =	swait.ge [sflag:s21], $0x4000  }
0x95: {  	[sflag:s21] =	ssyncset.done $0x0  }
0x96: {  	[sflag:s21] =	ssyncadd.s32 $0xFFFFC000  }
0x97: {  	_ =	swait.ge [sflag:s21], $0x4000  }
0x98: {  	[sflag:s21] =	ssyncset.done $0x0  }
0x99: {  	[sflag:s21] =	ssyncadd.s32 $0xFFFFC000  }
0x9a: {  	[tilespmem:s4], [sflag:$0x4] =	stream.linear.gather [hbm4b:s11+s4], $0x80, $0x38;
	[tilespmem:$0x1E880] =	vst v63  }
0x9b: {  	_ =	swait.ge [sflag:s22], $0x80  }
0x9c: {  	[sflag:s22] =	ssyncset.done $0x0  }
0x9d: {  	[sflag:s22] =	ssyncadd.s32 $0xFFFFFF80  }
0x9e: {  	[tilespmem:s23], [sflag:$0x1] =	stream.indirect.gather [hbm4b:s2+s19], $0x80, s4, s19, $0xb8;
	[tilespmem:$0x1E880] =	vst v63  }
0x9f: {  	_ =	swait.ge [sflag:s24], $0x4000  }
0xa0: {  	[sflag:s24] =	ssyncset.done $0x0  }
0xa1: {  	[sflag:s24] =	ssyncadd.s32 $0xFFFFC000  }
0xa2: {  	[hbm4b:s12+s4] =	stream.linear.scatter [tilespmem:s23], [sflag:$0x3], $0x4000, $0x38;
	[tilespmem:$0x1E880] =	vst v63  }
0xa3: {  	_ =	swait.ge [sflag:s18], $0x4000  }
0xa4: {  	[sflag:s18] =	ssyncset.done $0x0  }
0xa5: {  	[sflag:s18] =	ssyncadd.s32 $0xFFFFC000  }
0xa6: {  	[tilespmem:s4], [sflag:$0x4] =	stream.linear.gather [hbm4b:s13+s4], $0x80, $0x38;
	[tilespmem:$0x1E880] =	vst v63  }
0xa7: {  	_ =	swait.ge [sflag:s22], $0x80  }
0xa8: {  	[sflag:s22] =	ssyncset.done $0x0  }
0xa9: {  	[sflag:s22] =	ssyncadd.s32 $0xFFFFFF80  }
0xaa: {  	[tilespmem:s23], [sflag:$0x1] =	stream.indirect.gather [hbm4b:s2+s19], $0x80, s4, s19, $0xb8;
	[tilespmem:$0x1E880] =	vst v63  }
0xab: {  	_ =	swait.ge [sflag:s24], $0x4000  }
0xac: {  	[sflag:s24] =	ssyncset.done $0x0  }
0xad: {  	[sflag:s24] =	ssyncadd.s32 $0xFFFFC000  }
0xae: {  	[hbm4b:s14+s4] =	stream.linear.scatter [tilespmem:s23], [sflag:$0x3], $0x4000, $0x38;
	[tilespmem:$0x1E880] =	vst v63  }
0xaf: {  	_ =	swait.ge [sflag:s18], $0x4000  }
0xb0: {  	[sflag:s18] =	ssyncset.done $0x0  }
0xb1: {  	s26 =	simm.s32 @!p0 $0x0;
	s28 =	simm.s32 @!p0 $0x4;
	[sflag:s18] =	ssyncadd.s32 $0xFFFFC000  }
0xb2: {  	[tilespmem:s26], [sflag:$0x4] =	stream.linear.gather @!p0 [hbm4b:s15+s26], $0x80, $0x38;
	[tilespmem:$0x1E880] =	vst v63  }
0xb3: {  	_ =	swait.ge @!p0 [sflag:s28], $0x80  }
0xb4: {  	[sflag:s28] =	ssyncset.done @!p0 $0x0  }
0xb5: {  	s29 =	simm.s32 @!p0 $0x6880;
	[sflag:s28] =	ssyncadd.s32 @!p0 $0xFFFFFF80;
	s28 =	simm.s32 @!p0 $0x80  }
0xb6: {  	[tilespmem:s29], [sflag:$0x1] =	stream.indirect.gather @!p0 [hbm4b:s2+s28], $0x80, s26, s28, $0xb8;
	[tilespmem:$0x1E880] =	vst v63  }
0xb7: {  	s28 =	simm.s32 @!p0 $0x1  }
0xb8: {  	_ =	swait.ge @!p0 [sflag:s28], $0x4000  }
0xb9: {  	[sflag:s28] =	ssyncset.done @!p0 $0x0  }
0xba: {  	[sflag:s28] =	ssyncadd.s32 @!p0 $0xFFFFC000  }
0xbb: {  	[hbm4b:s16+s26] =	stream.linear.scatter @!p0 [tilespmem:s29], [sflag:$0x3], $0x4000, $0x38;
	[tilespmem:$0x1E880] =	vst v63  }
0xbc: {  	s26 =	simm.s32 @!p0 $0x3  }
0xbd: {  	_ =	swait.ge @!p0 [sflag:s26], $0x4000  }
0xbe: {  	s25 =	sadd.s32 $0x1, s25;
	[sflag:s26] =	ssyncset.done @!p0 $0x0  }
0xbf: {  	p1 =	sne.s32 s25, s10;
	[sflag:s26] =	ssyncadd.s32 @!p0 $0xFFFFC000  }
.Ltmp1:
0xc0: {  	[bflag:$0x0] =	sbarrier.arrive $0xFFFF;
	(pc) =	sbr.rel @p1 .LBB2_1-.Ltmp1, $4  }
0xc1: {  	[hbm:s9], [sflag:s7] =	dma.local [spmem:s17], $0x2800  }
0xc2: {  	_ =	swait.ge [sflag:s18], $0x2800  }
0xc3: {  	[sflag:s18] =	ssyncset.done $0x0  }
0xc4: {  	[sflag:s18] =	ssyncadd.s32 $0xFFFFD800  }
0xc5: {  	_ =	sfence.sel $0x180000  }
0xc6: {  	[bflag:$0x0] =	sbarrier.arrive $0xFFFF  }
0xc7: {  	p0 =	sne.s32 s1, $0x0;
	_ =	strace $0x90000047  }
0xc8: {  	s0 =	sadd.s32 @!p0 $0x100000, s0;
	[bflag:$0x2] =	sbarrier.arrive $0xFFFF  }
0xc9: {  	[sflag:s0] =	ssyncadd.tile.s32 @!p0 $0x1;
	_ =	shalt  }
.Lfunc_end2:
_tile_overlayer_lowered:
.L_overlay_start_2:
0xca: {  	(tag) =	ssettag $0x2  }
0xcb: {  	s0 =	rddreg [dreg:$0x0];
	s2 =	stileid.u32  }
0xcc: {  	s1 =	rddreg [dreg:$0x1];
	p0 =	sne.s32 s2, $0x0  }
0xcd: {  	s3 =	rddreg [dreg:$0x2];
	[bflag:$0x3] =	sbarrier.arrive $0xFFFF;
	s2 =	simm.s32 @!p0 $0x1C03  }
0xce: {  	[timem:s3], [sflag:s2] =	dma.local @!p0 [hbm:s0], s1  }
0xcf: {  	s0 =	simm.s32 @!p0 $0x3  }
0xd0: {  	_ =	swait.ge @!p0 [sflag:s0], s1  }
0xd1: {  	s1 =	ssub.s32 @!p0 $0x0, s1;
	[sflag:s0] =	ssyncset.done @!p0 $0x0  }
0xd2: {  	[sflag:s0] =	ssyncadd.s32 @!p0 s1  }
0xd3: {  	[bflag:$0x3] =	sbarrier.arrive $0xFFFF  }
0xd4: {  	_ =	shalt  }

// kernel: kernel.13.cloned.1.call-start
scs
__scs_entry_jumppad:
0x0: {  	(pc) =	sbr.rel $0x88, $3  }
0x1: {  	(tag) =	ssettag $0x0;
	lr =	simm.s32 $0x1  }
0x2: {  	[smem:$0x3F93] =	sst lr;
	_ =	strace $0xD0000000  }
0x3: {  	_ = 	snop  }
0x4: {  	_ = 	snop  }
0x5: {  	_ = 	snop  }
0x6: {  	_ = 	snop  }
0x7: {  	_ = 	snop  }
__scs_overlays_trampoline_lowered:
0x8: {  	[smem:$0x3FA2] =	sst s0  }
0x9: {  	[smem:$0x3FA3] =	sst s1  }
0xa: {  	[smem:$0x3FA4] =	sst s2  }
0xb: {  	[smem:$0x3FA5] =	sst s3  }
0xc: {  	[smem:$0x3FA6] =	sst s4  }
0xd: {  	[smem:$0x3FA7] =	sst s5  }
0xe: {  	[smem:$0x3FA8] =	sst s6  }
0xf: {  	[smem:$0x3FA9] =	sst s7  }
0x10: {  	[smem:$0x3FAA] =	sst s8  }
0x11: {  	[smem:$0x3FAB] =	sst s9;
	s0 =	simm.s32 @!p0 $0x0  }
0x12: {  	s1 =	sld [smem:$0x3F91];
	s0 =	simm.s32 @p0 $0x1  }
0x13: {  	[smem:$0x3FAC] =	sst s0;
	s0 =	simm.s32 @!p1 $0x0  }
0x14: {  	s2 =	sld [smem:$0x3F90];
	s0 =	simm.s32 @p1 $0x1  }
0x15: {  	[smem:$0x3FAD] =	sst s0;
	s0 =	simm.s32 @!p2 $0x0  }
0x16: {  	s3 =	sld [smem:$0x3FDB];
	s0 =	simm.s32 @p2 $0x1  }
0x17: {  	s4 =	simm.s32 $0x1BF5;
	[smem:$0x3FAF] =	sst s0  }
0x18: {  	s0 =	sld [smem:$0x3F92];
	_ =	swait.ge [sflag:s4], $0x0  }
0x19: {  	s7 =	sld [smem:$0x3F93]  }
0x1a: {  	s8 =	sadd.s32 $0xFFFFE003, lr  }
0x1b: {  	s9 =	sadd.s32 $0xFFFFFEF7, lr;
	s5 =	simm.s32 $0xFFFFFFFF;
	p2 =	slt.u32 s8, $0xFFFFF086  }
0x1c: {  	p1 =	slt.u32 s9, $0xF7A;
	s5 =	simm.s32 @!p2 $0x0  }
0x1d: {  	s5 =	simm.s32 @p1 $0x1;
	p0 =	seq.s32 s7, s2  }
0x1e: {  	s7 =	smul.u32 @!p0 $0xF7A, s2;
	p2 =	seq.s32 @!p0 s5, $0x0  }
0x1f: {  	s9 =	smul.u32 $0xF7A, s1;
	s8 =	simm.s32 @!p0 $0x1BF5;
	p2 =	por !p2, p0  }
0x20: {  	[sflag:s8] =	ssyncset.s32 @!p0 $0xFFFFF086;
	s6 =	sadd.s32 @!p0 s3, s7;
	s7 =	simm.s32 @!p0 $0x108  }
0x21: {  	s3 =	sadd.s32 s3, s9;
	s6 =	sadd.s32 @!p0 $0x88, s6;
	s7 =	simm.s32 @p2 $0x1082  }
0x22: {  	[simem:s7], [sflag:s8] =	dma.local @!p0 [hbm:s6], $0xF7A  }
0x23: {  	s9 =	sor.u32 $0xD0000000, s2;
	s6 =	simm.s32 $0x108;
	_ =	swait.ge @!p0 [sflag:s8], $0x0  }
0x24: {  	s3 =	sadd.s32 $0x88, s3;
	s6 =	simm.s32 @!p1 $0x1082;
	[sflag:s4] =	ssyncset.s32 $0xFFFFF086  }
0x25: {  	[simem:s6], [sflag:s4] =	dma.local [hbm:s3], $0xF7A  }
0x26: {  	[smem:$0x3F93] =	sst s1;
	(tag) =	ssettag s2;
	_ =	strace s9  }
0x27: {  	s1 =	sld [smem:$0x3FA3]  }
0x28: {  	s2 =	sld [smem:$0x3FA4]  }
0x29: {  	s4 =	sld [smem:$0x3FA6]  }
0x2a: {  	p0 =	seq.s32 s5, $0x0;
	s5 =	sld [smem:$0x3FA7]  }
0x2b: {  	s6 =	sld [smem:$0x3FA8]  }
0x2c: {  	s7 =	sld [smem:$0x3FA9]  }
0x2d: {  	s3 =	simm.s32 $0x108;
	s8 =	sld [smem:$0x3FAA]  }
0x2e: {  	s3 =	simm.s32 @!p0 $0x1082;
	s9 =	sld [smem:$0x3FAB]  }
0x2f: {  	lr =	sadd.s32 s0, s3;
	s0 =	sld [smem:$0x3FA2]  }
0x30: {  	s3 =	sld [smem:$0x3FA5]  }
0x31: {  	[smem:$0x3FAE] =	sst s10  }
0x32: {  	s10 =	sld [smem:$0x3FAC];
	_ =	sdelay $0x3  }
0x33: {  	p0 =	seq.s32 s10, $0x1;
	s10 =	sld [smem:$0x3FAE];
	_ =	sdelay $0x3  }
0x34: {  	[smem:$0x3FAE] =	sst s10  }
0x35: {  	s10 =	sld [smem:$0x3FAD];
	_ =	sdelay $0x3  }
0x36: {  	p1 =	seq.s32 s10, $0x1;
	s10 =	sld [smem:$0x3FAE];
	_ =	sdelay $0x3  }
0x37: {  	[smem:$0x3FAE] =	sst s10  }
0x38: {  	s10 =	sld [smem:$0x3FAF]  }
0x39: {  	_ = 	snop;
	(pc) =	sbr.ind lr, $3  }
0x3a: {  	_ = 	snop  }
0x3b: {  	_ = 	snop  }
0x3c: {  	p2 =	seq.s32 s10, $0x1;
	s10 =	sld [smem:$0x3FAE]  }
0x3d: {  	_ =	shalt  }
0x3e: {  	_ =	shalt  }
0x3f: {  	_ =	shalt  }
0x40: {  	_ =	shalt  }
0x41: {  	_ =	shalt  }
0x42: {  	_ =	shalt  }
0x43: {  	_ =	shalt  }
0x44: {  	_ =	shalt  }
0x45: {  	_ =	shalt  }
0x46: {  	_ =	shalt  }
0x47: {  	_ =	shalt  }
0x48: {  	_ =	shalt  }
0x49: {  	_ =	shalt  }
0x4a: {  	_ =	shalt  }
0x4b: {  	_ =	shalt  }
0x4c: {  	_ =	shalt  }
0x4d: {  	_ =	shalt  }
0x4e: {  	_ =	shalt  }
0x4f: {  	_ =	shalt  }
0x50: {  	_ =	shalt  }
0x51: {  	_ =	shalt  }
0x52: {  	_ =	shalt  }
0x53: {  	_ =	shalt  }
0x54: {  	_ =	shalt  }
0x55: {  	_ =	shalt  }
0x56: {  	_ =	shalt  }
0x57: {  	_ =	shalt  }
0x58: {  	_ =	shalt  }
0x59: {  	_ =	shalt  }
0x5a: {  	_ =	shalt  }
0x5b: {  	_ =	shalt  }
0x5c: {  	_ =	shalt  }
0x5d: {  	_ =	shalt  }
0x5e: {  	_ =	shalt  }
0x5f: {  	_ =	shalt  }
0x60: {  	_ =	shalt  }
0x61: {  	_ =	shalt  }
0x62: {  	_ =	shalt  }
0x63: {  	_ =	shalt  }
0x64: {  	_ =	shalt  }
0x65: {  	_ =	shalt  }
0x66: {  	_ =	shalt  }
0x67: {  	_ =	shalt  }
0x68: {  	_ =	shalt  }
0x69: {  	_ =	shalt  }
0x6a: {  	_ =	shalt  }
0x6b: {  	_ =	shalt  }
0x6c: {  	_ =	shalt  }
0x6d: {  	_ =	shalt  }
0x6e: {  	_ =	shalt  }
0x6f: {  	_ =	shalt  }
0x70: {  	_ =	shalt  }
0x71: {  	_ =	shalt  }
0x72: {  	_ =	shalt  }
0x73: {  	_ =	shalt  }
0x74: {  	_ =	shalt  }
0x75: {  	_ =	shalt  }
0x76: {  	_ =	shalt  }
0x77: {  	_ =	shalt  }
0x78: {  	_ =	shalt  }
0x79: {  	_ =	shalt  }
0x7a: {  	_ =	shalt  }
0x7b: {  	_ =	shalt  }
0x7c: {  	_ =	shalt  }
0x7d: {  	_ =	shalt  }
0x7e: {  	_ =	shalt  }
0x7f: {  	_ =	shalt  }
0x80: {  	_ =	shalt  }
0x81: {  	_ =	shalt  }
0x82: {  	_ =	shalt  }
0x83: {  	_ =	shalt  }
0x84: {  	_ =	shalt  }
0x85: {  	_ =	shalt  }
0x86: {  	_ =	shalt  }
0x87: {  	_ =	shalt  }
.Lfunc_end0:
.L_simem_size_0:
called_computation.1_lowered:
.L_overlay_start_0:
0x88: {  	s2 =	sld [smem:$0x3FD9]  }
0x89: {  	s3 =	sld [smem:$0x3FFE];
	_ =	sdelay $0x1  }
0x8a: {  	s1 =	srdreg.scid  }
0x8b: {  	s0 =	sand.u32 $0x1, s1  }
0x8c: {  	s16 =	sshll.u32 s0, $0xA;
	s2 =	sadd.s32 s3, s2  }
0x8d: {  	s2 =	sadd.s32 s2, s16  }
0x8e: {  	[smem:$0x3FBA] =	sst s2  }
0x8f: {  	_ = 	snop  }
0x90: {  	(tm) =	ssettm $0x1  }
0x91: {  	s17 =	sld [smem:$0x3FFB];
	_ =	sdelay $0x3  }
0x92: {  	_ =	strace s17  }
0x93: {  	s2 =	sld [smem:$0x3FFC];
	_ =	sdelay $0x3  }
0x94: {  	_ =	strace s2  }
0x95: {  	s2 =	sld [smem:$0x3FFD];
	_ =	sdelay $0x3  }
0x96: {  	_ =	strace s2  }
0x97: {  	_ =	strace $0x8FFFFFFF  }
0x98: {  	s18 =	sld [smem:$0x3FDB];
	_ =	sdelay $0x1  }
0x99: {  	s19 =	simm.s32 $_scs_section_size  }
0x9a: {  	s4 =	simm.s32 $_size__tile_overlayer_lowered;
	s5 =	simm.s32 $_tile_overlayer_lowered  }
0x9b: {  	s22 =	simm.s32 $0x1BFF;
	s21 =	sshll.u32 s5, $0x1;
	s2 =	sadd.s32 s19, s18  }
0x9c: {  	s6 =	simm.s32 $0x0;
	s20 =	sshll.u32 s4, $0x1;
	s4 =	sadd.s32 s21, s2  }
0x9d: {  	[timem:s6], [sflag:s22] =	dma.local [hbm:s4], s20  }
0x9e: {  	_ =	swait.ge [sflag:s22], s20  }
0x9f: {  	s3 =	ssub.s32 $0x0, s20;
	[sflag:s22] =	ssyncset.done $0x0  }
0xa0: {  	[sflag:s22] =	ssyncadd.s32 s3;
	_ =	sdelay $0x1  }
0xa1: {  	s23 =	simm.s32 $0x1B8B  }
0xa2: {  	_ =	swait.ge [sflag:s23], $0x1  }
0xa3: {  	[sflag:s23] =	ssyncset.done $0x0  }
0xa4: {  	s25 =	simm.s32 $0x1B8E;
	s24 =	sld [smem:$0x3FFE];
	[sflag:s23] =	ssyncadd.s32 $0xFFFFFFFF  }
0xa5: {  	s26 =	simm.s32 $execute0_lowered;
	[smem:$0x3FD2] =	sst s25  }
0xa6: {  	s4 =	sshll.u32 s26, $0x1;
	_ =	strace $0x80000049;
	[dreg:$0x1] =	wrdreg $0xFFFFFFFF  }
0xa7: {  	s28 =	simm.s32 $_size_execute0_lowered;
	s2 =	sadd.s32 s2, s4;
	[dreg:$0x0] =	wrdreg $0x0  }
0xa8: {  	s4 =	sshll.u32 s28, $0x1;
	[dreg:$0x2] =	wrdreg s2  }
0xa9: {  	[dreg:$0x3] =	wrdreg s4  }
0xaa: {  	[dreg:$0x4] =	wrdreg $0xC0  }
0xab: {  	_ =	task [dreg:s6], $0x5FFFF  }
0xac: {  	[dreg:$0x1] =	wrdreg $0xFFFFFFFF  }
0xad: {  	[dreg:$0x0] =	wrdreg $0x60  }
0xae: {  	[dreg:$0x2] =	wrdreg s24  }
0xaf: {  	[dreg:$0x3] =	wrdreg $0xA8000  }
0xb0: {  	[dreg:$0x4] =	wrdreg $0x9  }
0xb1: {  	_ =	task.clear_ibuf [dreg:s6], $0x5FFFF;
	_ =	strace $0x90000049  }
0xb2: {  	s29 =	simm.s32 $0x9;
	_ =	strace $0x8000004B  }
0xb3: {  	_ =	swait.ge [sflag:s29], $0x1  }
0xb4: {  	[sflag:s29] =	ssyncadd.s32 $0xFFFFFFFF  }
0xb5: {  	_ =	strace $0x9000004B  }
0xb6: {  	_ =	sfence  }
0xb7: {  	s30 =	sld [smem:$0x0];
	_ =	sdelay $0x2  }
0xb8: {  	s31 =	sshll.u32 s1, $0xD;
	s1 =	sshrl.u32 s1, $0x2  }
0xb9: {  	s3 =	sand.u32 $0x4000, s31;
	s1 =	sadd.s32 s1, s30  }
0xba: {  	s0 =	sor.u32 s3, s0;
	s1 =	sshll.u32 s1, $0x11  }
0xbb: {  	s0 =	sor.u32 s1, s0  }
0xbc: {  	s0 =	sadd.s32 $0x8F2B, s0  }
0xbd: {  	[sflag:s0] =	ssyncadd.remote.s32 $0x1  }
0xbe: {  	_ =	sfence.sel $0xFFFF  }
0xbf: {  	[dreg:$0x0] =	wrdreg $0xFFFFFFFF;
	(pc) =	sbr.abs _section_cstart, $3  }
0xc0: {  	[dreg:$0x1] =	wrdreg $0xFFFFFFFF  }
0xc1: {  	_ =	task.clear_ibuf [dreg:s6], $0x2FFFF;
	_ =	strace $0x9FFFFFFF  }
0xc2: {  	(tm) =	ssettm $0x7FFFFFFF  }
0xc3: {  	_ =	shalt  }
tec
execute0_lowered:
.L_overlay_start_1:
0x0: {  	(tag) =	ssettag $0x1  }
0x1: {  	s5 =	rddreg [dreg:$0x0]  }
0x2: {  	s2 =	rddreg [dreg:$0x1]  }
0x3: {  	s0 =	rddreg [dreg:$0x2];
	s3 =	simm.s32 $0x0;
	s1 =	stileid.u32  }
0x4: {  	s7 =	srdreg.scid;
	s16 =	simm.s32 $0x80;
	s17 =	simm.s32 $0x2800  }
0x5: {  	s18 =	simm.s32 $0x6800;
	s19 =	simm.s32 $0x1;
	s20 =	simm.s32 $0x2  }
0x6: {  	s21 =	simm.s32 $0x2700;
	s22 =	simm.s32 $0x2780;
	s6 =	smul.u32 $0x14000, s1  }
0x7: {  	s23 =	simm.s32 $0x0;
	[smem:$0x7FF] =	sst s3;
	s25 =	smul.u32 $0x50000, s1  }
0x8: {  	s4 =	sadd.s32 $0x40200, s5;
	s7 =	sand.u32 $0x1, s7;
	s14 =	smul.u32 $0x50, s1  }
0x9: {  	s9 =	sadd.s32 $0xE200, s5;
	s11 =	sadd.s32 $0x4200, s5;
	s10 =	smul.u32 $0x140000, s7  }
0xa: {  	s30 =	sshll.u32 s1, $0x6;
	s12 =	smul.u32 $0x500, s7;
	s7 =	ssub.s32 $0x2, s7  }
0xb: {  	_ =	strace $0x8000004A;
	s8 =	sshrl.u32 s6, $0x3;
	s13 =	sshrl.u32 s7, $0x1  }
0xc: {  	s26 =	sshrl.u32 s25, $0x2;
	s8 =	sadd.s32 s8, s5;
	s6 =	sadd.s32 s6, s10  }
0xd: {  	s13 =	ssub.s32 s7, s13;
	s28 =	sadd.s32 s14, s12;
	s29 =	sadd.s32 s26, s2  }
0xe: {  	s14 =	simm.s32 $0x3;
	s6 =	sshrl.u32 s6, $0x3;
	s31 =	sshll.u32 s28, $0x4  }
0xf: {  	s12 =	smax.u32 s13, $0x1;
	s13 =	sshrl.u32 s29, $0x3;
	s15 =	sadd.s32 s6, s5  }
0x10: {  	s5 =	sadd.s32 $0x18200, s8;
	s6 =	sor.u32 $0x1C03, s30;
	s10 =	sadd.s32 $0x280, s31  }
0x11: {  	s7 =	sadd.s32 s9, s31;
	s8 =	sadd.s32 s11, s31;
	s9 =	sadd.s32 s9, s10  }
0x12: {  	s10 =	sadd.s32 s11, s10;
	s11 =	sadd.s32 $0x68200, s15;
	s15 =	simm.s32 $0x1400  }
.LBB2_1:
0x13: {  	[spmem:s13], [sflag:s6] =	dma.local [hbm:s5], $0x2800  }
0x14: {  	_ =	swait.ge [sflag:s14], $0x2800  }
0x15: {  	[sflag:s14] =	ssyncset.done $0x0  }
0x16: {  	[sflag:s14] =	ssyncadd.s32 $0xFFFFD800  }
0x17: {  	[bflag:$0x0] =	sbarrier.arrive $0xFFFF  }
0x18: {  	[tilespmem:s3], [sflag:$0x3] =	stream.linear.gather [hbm4b:s7+s3], $0x1400, $0x38;
	[tilespmem:$0x1E800] =	vst v63  }
0x19: {  	_ =	swait.ge [sflag:s14], $0x1400  }
0x1a: {  	[sflag:s14] =	ssyncset.done $0x0  }
0x1b: {  	[sflag:s14] =	ssyncadd.s32 $0xFFFFEC00  }
0x1c: {  	[tilespmem:s15], [sflag:$0x3] =	stream.linear.gather [hbm4b:s8+s3], $0x1400, $0x38;
	[tilespmem:$0x1E800] =	vst v63  }
0x1d: {  	_ =	swait.ge [sflag:s14], $0x1400  }
0x1e: {  	[sflag:s14] =	ssyncset.done $0x0  }
0x1f: {  	[sflag:s14] =	ssyncadd.s32 $0xFFFFEC00  }
0x20: {  	[tilespmem:s17], [sflag:$0x1] =	stream.indirect.gather [hbm4b:s4+s16], $0x80, s3, s16, $0xb8;
	[tilespmem:$0x1E800] =	vst v63  }
0x21: {  	_ = 	snop  }
0x22: {  	[tilespmem:s18], [sflag:$0x2] =	stream.indirect.gather [hbm4b:s4+s16], $0x80, s16, s16, $0xb8;
	[tilespmem:$0x1E800] =	vst v63  }
0x23: {  	_ =	swait.ge [sflag:s19], $0x4000  }
0x24: {  	[sflag:s19] =	ssyncset.done $0x0  }
0x25: {  	s24 =	simm.s32 $0x1400;
	[sflag:s19] =	ssyncadd.s32 $0xFFFFC000  }
0x26: {  	[spmem:s2] =	stream.indirect.scatter.add.f32 [tilespmem:s17], [sflag:$0x3], $0x80, s24, s16, $0xb8;
	[tilespmem:$0x1E800] =	vst v63  }
0x27: {  	_ =	swait.ge [sflag:s14], $0x4000  }
0x28: {  	[sflag:s14] =	ssyncset.done $0x0  }
0x29: {  	s30 =	simm.s32 $0x100;
	[sflag:s14] =	ssyncadd.s32 $0xFFFFC000  }
0x2a: {  	[tilespmem:s17], [sflag:$0x1] =	stream.indirect.gather [hbm4b:s4+s16], $0x80, s30, s16, $0xb8;
	[tilespmem:$0x1E800] =	vst v63  }
0x2b: {  	_ =	swait.ge [sflag:s20], $0x4000  }
0x2c: {  	[sflag:s20] =	ssyncset.done $0x0  }
0x2d: {  	s31 =	simm.s32 $0x1480;
	[sflag:s20] =	ssyncadd.s32 $0xFFFFC000  }
0x2e: {  	[spmem:s2] =	stream.indirect.scatter.add.f32 [tilespmem:s18], [sflag:$0x3], $0x80, s31, s16, $0xb8;
	[tilespmem:$0x1E800] =	vst v63  }
0x2f: {  	_ =	swait.ge [sflag:s14], $0x4000  }
0x30: {  	[sflag:s14] =	ssyncset.done $0x0  }
0x31: {  	s25 =	simm.s32 $0x180;
	s24 =	simm.s32 $0x400;
	[sflag:s14] =	ssyncadd.s32 $0xFFFFC000  }
.LBB2_2:
0x32: {  	[tilespmem:s18], [sflag:$0x2] =	stream.indirect.gather [hbm4b:s4+s16], $0x80, s25, s16, $0xb8;
	[tilespmem:$0x1E800] =	vst v63  }
0x33: {  	s25 =	smov.u32 s24  }
0x34: {  	p0 =	sne.s32 s24, $0x4800;
	s24 =	sadd.s32 $0x400, s24;
	_ =	swait.ge [sflag:s19], $0x4000  }
0x35: {  	s25 =	sshra.s32 s25, $0x2;
	[sflag:s19] =	ssyncset.done $0x0  }
0x36: {  	s26 =	sadd.s32 $0x1400, s25;
	[sflag:s19] =	ssyncadd.s32 $0xFFFFC000  }
0x37: {  	[spmem:s2] =	stream.indirect.scatter.add.f32 [tilespmem:s17], [sflag:$0x3], $0x80, s26, s16, $0xb8;
	[tilespmem:$0x1E800] =	vst v63  }
0x38: {  	_ =	swait.ge [sflag:s14], $0x4000  }
0x39: {  	[sflag:s14] =	ssyncset.done $0x0  }
0x3a: {  	s26 =	sadd.s32 $0x100, s25;
	[sflag:s14] =	ssyncadd.s32 $0xFFFFC000  }
0x3b: {  	[tilespmem:s17], [sflag:$0x1] =	stream.indirect.gather [hbm4b:s4+s16], $0x80, s26, s16, $0xb8;
	[tilespmem:$0x1E800] =	vst v63  }
0x3c: {  	_ =	swait.ge [sflag:s20], $0x4000  }
0x3d: {  	[sflag:s20] =	ssyncset.done $0x0  }
.Ltmp0:
0x3e: {  	s26 =	sadd.s32 $0x1480, s25;
	[sflag:s20] =	ssyncadd.s32 $0xFFFFC000;
	(pc) =	sbr.rel @p0 .LBB2_2-.Ltmp0, $4  }
0x3f: {  	[spmem:s2] =	stream.indirect.scatter.add.f32 [tilespmem:s18], [sflag:$0x3], $0x80, s26, s16, $0xb8;
	[tilespmem:$0x1E800] =	vst v63  }
0x40: {  	_ =	swait.ge [sflag:s14], $0x4000  }
0x41: {  	[sflag:s14] =	ssyncset.done $0x0  }
0x42: {  	s25 =	sadd.s32 $0x180, s25;
	[sflag:s14] =	ssyncadd.s32 $0xFFFFC000  }
0x43: {  	[tilespmem:s18], [sflag:$0x2] =	stream.indirect.gather [hbm4b:s4+s16], $0x80, s25, s16, $0xb8;
	[tilespmem:$0x1E800] =	vst v63  }
0x44: {  	_ =	swait.ge [sflag:s19], $0x4000  }
0x45: {  	[sflag:s19] =	ssyncset.done $0x0  }
0x46: {  	[sflag:s19] =	ssyncadd.s32 $0xFFFFC000  }
0x47: {  	[spmem:s2] =	stream.indirect.scatter.add.f32 [tilespmem:s17], [sflag:$0x3], $0x80, s21, s16, $0xb8;
	[tilespmem:$0x1E800] =	vst v63  }
0x48: {  	_ =	swait.ge [sflag:s14], $0x4000  }
0x49: {  	[sflag:s14] =	ssyncset.done $0x0  }
0x4a: {  	[sflag:s14] =	ssyncadd.s32 $0xFFFFC000  }
0x4b: {  	_ =	swait.ge [sflag:s20], $0x4000  }
0x4c: {  	[sflag:s20] =	ssyncset.done $0x0  }
0x4d: {  	[sflag:s20] =	ssyncadd.s32 $0xFFFFC000  }
0x4e: {  	[spmem:s2] =	stream.indirect.scatter.add.f32 [tilespmem:s18], [sflag:$0x3], $0x80, s22, s16, $0xb8;
	[tilespmem:$0x1E800] =	vst v63  }
0x4f: {  	_ =	swait.ge [sflag:s14], $0x4000  }
0x50: {  	[sflag:s14] =	ssyncset.done $0x0  }
0x51: {  	s24 =	simm.s32 $0x0;
	[sflag:s14] =	ssyncadd.s32 $0xFFFFC000  }
0x52: {  	[tilespmem:s24], [sflag:$0x3] =	stream.linear.gather [hbm4b:s9+s24], $0x1400, $0x38;
	[tilespmem:$0x1E800] =	vst v63  }
0x53: {  	_ =	swait.ge [sflag:s14], $0x1400  }
0x54: {  	[sflag:s14] =	ssyncset.done $0x0  }
0x55: {  	[sflag:s14] =	ssyncadd.s32 $0xFFFFEC00  }
0x56: {  	[tilespmem:s15], [sflag:$0x3] =	stream.linear.gather [hbm4b:s10+s24], $0x1400, $0x38;
	[tilespmem:$0x1E800] =	vst v63  }
0x57: {  	_ =	swait.ge [sflag:s14], $0x1400  }
0x58: {  	[sflag:s14] =	ssyncset.done $0x0  }
0x59: {  	[sflag:s14] =	ssyncadd.s32 $0xFFFFEC00  }
0x5a: {  	[tilespmem:s17], [sflag:$0x1] =	stream.indirect.gather [hbm4b:s4+s16], $0x80, s24, s16, $0xb8;
	[tilespmem:$0x1E800] =	vst v63  }
0x5b: {  	_ = 	snop  }
0x5c: {  	[tilespmem:s18], [sflag:$0x2] =	stream.indirect.gather [hbm4b:s4+s16], $0x80, s16, s16, $0xb8;
	[tilespmem:$0x1E800] =	vst v63  }
0x5d: {  	_ =	swait.ge [sflag:s19], $0x4000  }
0x5e: {  	[sflag:s19] =	ssyncset.done $0x0  }
0x5f: {  	s29 =	simm.s32 $0x1400;
	[sflag:s19] =	ssyncadd.s32 $0xFFFFC000  }
0x60: {  	[spmem:s2] =	stream.indirect.scatter.add.f32 [tilespmem:s17], [sflag:$0x3], $0x80, s29, s16, $0xb8;
	[tilespmem:$0x1E800] =	vst v63  }
0x61: {  	_ =	swait.ge [sflag:s14], $0x4000  }
0x62: {  	[sflag:s14] =	ssyncset.done $0x0  }
0x63: {  	s30 =	simm.s32 $0x100;
	[sflag:s14] =	ssyncadd.s32 $0xFFFFC000  }
0x64: {  	[tilespmem:s17], [sflag:$0x1] =	stream.indirect.gather [hbm4b:s4+s16], $0x80, s30, s16, $0xb8;
	[tilespmem:$0x1E800] =	vst v63  }
0x65: {  	_ =	swait.ge [sflag:s20], $0x4000  }
0x66: {  	[sflag:s20] =	ssyncset.done $0x0  }
0x67: {  	s31 =	simm.s32 $0x1480;
	[sflag:s20] =	ssyncadd.s32 $0xFFFFC000  }
0x68: {  	[spmem:s2] =	stream.indirect.scatter.add.f32 [tilespmem:s18], [sflag:$0x3], $0x80, s31, s16, $0xb8;
	[tilespmem:$0x1E800] =	vst v63  }
0x69: {  	_ =	swait.ge [sflag:s14], $0x4000  }
0x6a: {  	[sflag:s14] =	ssyncset.done $0x0  }
0x6b: {  	s25 =	simm.s32 $0x180;
	s24 =	simm.s32 $0x400;
	[sflag:s14] =	ssyncadd.s32 $0xFFFFC000  }
.LBB2_4:
0x6c: {  	[tilespmem:s18], [sflag:$0x2] =	stream.indirect.gather [hbm4b:s4+s16], $0x80, s25, s16, $0xb8;
	[tilespmem:$0x1E800] =	vst v63  }
0x6d: {  	s25 =	smov.u32 s24  }
0x6e: {  	p0 =	sne.s32 s24, $0x4800;
	s24 =	sadd.s32 $0x400, s24;
	_ =	swait.ge [sflag:s19], $0x4000  }
0x6f: {  	s25 =	sshra.s32 s25, $0x2;
	[sflag:s19] =	ssyncset.done $0x0  }
0x70: {  	s26 =	sadd.s32 $0x1400, s25;
	[sflag:s19] =	ssyncadd.s32 $0xFFFFC000  }
0x71: {  	[spmem:s2] =	stream.indirect.scatter.add.f32 [tilespmem:s17], [sflag:$0x3], $0x80, s26, s16, $0xb8;
	[tilespmem:$0x1E800] =	vst v63  }
0x72: {  	_ =	swait.ge [sflag:s14], $0x4000  }
0x73: {  	[sflag:s14] =	ssyncset.done $0x0  }
0x74: {  	s26 =	sadd.s32 $0x100, s25;
	[sflag:s14] =	ssyncadd.s32 $0xFFFFC000  }
0x75: {  	[tilespmem:s17], [sflag:$0x1] =	stream.indirect.gather [hbm4b:s4+s16], $0x80, s26, s16, $0xb8;
	[tilespmem:$0x1E800] =	vst v63  }
0x76: {  	_ =	swait.ge [sflag:s20], $0x4000  }
0x77: {  	[sflag:s20] =	ssyncset.done $0x0  }
.Ltmp1:
0x78: {  	s26 =	sadd.s32 $0x1480, s25;
	[sflag:s20] =	ssyncadd.s32 $0xFFFFC000;
	(pc) =	sbr.rel @p0 .LBB2_4-.Ltmp1, $4  }
0x79: {  	[spmem:s2] =	stream.indirect.scatter.add.f32 [tilespmem:s18], [sflag:$0x3], $0x80, s26, s16, $0xb8;
	[tilespmem:$0x1E800] =	vst v63  }
0x7a: {  	_ =	swait.ge [sflag:s14], $0x4000  }
0x7b: {  	[sflag:s14] =	ssyncset.done $0x0  }
0x7c: {  	s25 =	sadd.s32 $0x180, s25;
	[sflag:s14] =	ssyncadd.s32 $0xFFFFC000  }
0x7d: {  	[tilespmem:s18], [sflag:$0x2] =	stream.indirect.gather [hbm4b:s4+s16], $0x80, s25, s16, $0xb8;
	[tilespmem:$0x1E800] =	vst v63  }
0x7e: {  	_ =	swait.ge [sflag:s19], $0x4000  }
0x7f: {  	[sflag:s19] =	ssyncset.done $0x0  }
0x80: {  	[sflag:s19] =	ssyncadd.s32 $0xFFFFC000  }
0x81: {  	[spmem:s2] =	stream.indirect.scatter.add.f32 [tilespmem:s17], [sflag:$0x3], $0x80, s21, s16, $0xb8;
	[tilespmem:$0x1E800] =	vst v63  }
0x82: {  	_ =	swait.ge [sflag:s14], $0x4000  }
0x83: {  	[sflag:s14] =	ssyncset.done $0x0  }
0x84: {  	[sflag:s14] =	ssyncadd.s32 $0xFFFFC000  }
0x85: {  	_ =	swait.ge [sflag:s20], $0x4000  }
0x86: {  	[sflag:s20] =	ssyncset.done $0x0  }
0x87: {  	[sflag:s20] =	ssyncadd.s32 $0xFFFFC000  }
0x88: {  	[spmem:s2] =	stream.indirect.scatter.add.f32 [tilespmem:s18], [sflag:$0x3], $0x80, s22, s16, $0xb8;
	[tilespmem:$0x1E800] =	vst v63  }
0x89: {  	_ =	swait.ge [sflag:s14], $0x4000  }
0x8a: {  	s23 =	sadd.s32 $0x1, s23;
	[sflag:s14] =	ssyncset.done $0x0  }
0x8b: {  	p0 =	sne.s32 s23, s12;
	[sflag:s14] =	ssyncadd.s32 $0xFFFFC000  }
.Ltmp2:
0x8c: {  	[bflag:$0x0] =	sbarrier.arrive $0xFFFF;
	(pc) =	sbr.rel @p0 .LBB2_1-.Ltmp2, $4  }
0x8d: {  	[hbm:s11], [sflag:s6] =	dma.local [spmem:s13], $0x2800  }
0x8e: {  	_ =	swait.ge [sflag:s14], $0x2800  }
0x8f: {  	[sflag:s14] =	ssyncset.done $0x0  }
0x90: {  	[sflag:s14] =	ssyncadd.s32 $0xFFFFD800  }
0x91: {  	_ =	sfence.sel $0x180000  }
0x92: {  	[bflag:$0x0] =	sbarrier.arrive $0xFFFF  }
0x93: {  	p0 =	sne.s32 s1, $0x0;
	_ =	strace $0x9000004A  }
0x94: {  	s0 =	sadd.s32 @!p0 $0x100000, s0;
	[bflag:$0x2] =	sbarrier.arrive $0xFFFF  }
0x95: {  	[sflag:s0] =	ssyncadd.tile.s32 @!p0 $0x1;
	_ =	shalt  }
.Lfunc_end2:
_tile_overlayer_lowered:
.L_overlay_start_2:
0x96: {  	(tag) =	ssettag $0x2  }
0x97: {  	s0 =	rddreg [dreg:$0x0];
	s2 =	stileid.u32  }
0x98: {  	s1 =	rddreg [dreg:$0x1];
	p0 =	sne.s32 s2, $0x0  }
0x99: {  	s3 =	rddreg [dreg:$0x2];
	[bflag:$0x3] =	sbarrier.arrive $0xFFFF;
	s2 =	simm.s32 @!p0 $0x1C03  }
0x9a: {  	[timem:s3], [sflag:s2] =	dma.local @!p0 [hbm:s0], s1  }
0x9b: {  	s0 =	simm.s32 @!p0 $0x3  }
0x9c: {  	_ =	swait.ge @!p0 [sflag:s0], s1  }
0x9d: {  	s1 =	ssub.s32 @!p0 $0x0, s1;
	[sflag:s0] =	ssyncset.done @!p0 $0x0  }
0x9e: {  	[sflag:s0] =	ssyncadd.s32 @!p0 s1  }
0x9f: {  	[bflag:$0x3] =	sbarrier.arrive $0xFFFF  }
0xa0: {  	_ =	shalt  }

// kernel: kernel.16.cloned.1.call-start
scs
__scs_entry_jumppad:
0x0: {  	(pc) =	sbr.rel $0x88, $3  }
0x1: {  	(tag) =	ssettag $0x0;
	lr =	simm.s32 $0x1  }
0x2: {  	[smem:$0x3F93] =	sst lr;
	_ =	strace $0xD0000000  }
0x3: {  	_ = 	snop  }
0x4: {  	_ = 	snop  }
0x5: {  	_ = 	snop  }
0x6: {  	_ = 	snop  }
0x7: {  	_ = 	snop  }
__scs_overlays_trampoline_lowered:
0x8: {  	[smem:$0x3FA2] =	sst s0  }
0x9: {  	[smem:$0x3FA3] =	sst s1  }
0xa: {  	[smem:$0x3FA4] =	sst s2  }
0xb: {  	[smem:$0x3FA5] =	sst s3  }
0xc: {  	[smem:$0x3FA6] =	sst s4  }
0xd: {  	[smem:$0x3FA7] =	sst s5  }
0xe: {  	[smem:$0x3FA8] =	sst s6  }
0xf: {  	[smem:$0x3FA9] =	sst s7  }
0x10: {  	[smem:$0x3FAA] =	sst s8  }
0x11: {  	[smem:$0x3FAB] =	sst s9;
	s0 =	simm.s32 @!p0 $0x0  }
0x12: {  	s1 =	sld [smem:$0x3F91];
	s0 =	simm.s32 @p0 $0x1  }
0x13: {  	[smem:$0x3FAC] =	sst s0;
	s0 =	simm.s32 @!p1 $0x0  }
0x14: {  	s2 =	sld [smem:$0x3F90];
	s0 =	simm.s32 @p1 $0x1  }
0x15: {  	[smem:$0x3FAD] =	sst s0;
	s0 =	simm.s32 @!p2 $0x0  }
0x16: {  	s3 =	sld [smem:$0x3FDB];
	s0 =	simm.s32 @p2 $0x1  }
0x17: {  	s4 =	simm.s32 $0x1BF5;
	[smem:$0x3FAF] =	sst s0  }
0x18: {  	s0 =	sld [smem:$0x3F92];
	_ =	swait.ge [sflag:s4], $0x0  }
0x19: {  	s7 =	sld [smem:$0x3F93]  }
0x1a: {  	s8 =	sadd.s32 $0xFFFFE003, lr  }
0x1b: {  	s9 =	sadd.s32 $0xFFFFFEF7, lr;
	s5 =	simm.s32 $0xFFFFFFFF;
	p2 =	slt.u32 s8, $0xFFFFF086  }
0x1c: {  	p1 =	slt.u32 s9, $0xF7A;
	s5 =	simm.s32 @!p2 $0x0  }
0x1d: {  	s5 =	simm.s32 @p1 $0x1;
	p0 =	seq.s32 s7, s2  }
0x1e: {  	s7 =	smul.u32 @!p0 $0xF7A, s2;
	p2 =	seq.s32 @!p0 s5, $0x0  }
0x1f: {  	s9 =	smul.u32 $0xF7A, s1;
	s8 =	simm.s32 @!p0 $0x1BF5;
	p2 =	por !p2, p0  }
0x20: {  	[sflag:s8] =	ssyncset.s32 @!p0 $0xFFFFF086;
	s6 =	sadd.s32 @!p0 s3, s7;
	s7 =	simm.s32 @!p0 $0x108  }
0x21: {  	s3 =	sadd.s32 s3, s9;
	s6 =	sadd.s32 @!p0 $0x88, s6;
	s7 =	simm.s32 @p2 $0x1082  }
0x22: {  	[simem:s7], [sflag:s8] =	dma.local @!p0 [hbm:s6], $0xF7A  }
0x23: {  	s9 =	sor.u32 $0xD0000000, s2;
	s6 =	simm.s32 $0x108;
	_ =	swait.ge @!p0 [sflag:s8], $0x0  }
0x24: {  	s3 =	sadd.s32 $0x88, s3;
	s6 =	simm.s32 @!p1 $0x1082;
	[sflag:s4] =	ssyncset.s32 $0xFFFFF086  }
0x25: {  	[simem:s6], [sflag:s4] =	dma.local [hbm:s3], $0xF7A  }
0x26: {  	[smem:$0x3F93] =	sst s1;
	(tag) =	ssettag s2;
	_ =	strace s9  }
0x27: {  	s1 =	sld [smem:$0x3FA3]  }
0x28: {  	s2 =	sld [smem:$0x3FA4]  }
0x29: {  	s4 =	sld [smem:$0x3FA6]  }
0x2a: {  	p0 =	seq.s32 s5, $0x0;
	s5 =	sld [smem:$0x3FA7]  }
0x2b: {  	s6 =	sld [smem:$0x3FA8]  }
0x2c: {  	s7 =	sld [smem:$0x3FA9]  }
0x2d: {  	s3 =	simm.s32 $0x108;
	s8 =	sld [smem:$0x3FAA]  }
0x2e: {  	s3 =	simm.s32 @!p0 $0x1082;
	s9 =	sld [smem:$0x3FAB]  }
0x2f: {  	lr =	sadd.s32 s0, s3;
	s0 =	sld [smem:$0x3FA2]  }
0x30: {  	s3 =	sld [smem:$0x3FA5]  }
0x31: {  	[smem:$0x3FAE] =	sst s10  }
0x32: {  	s10 =	sld [smem:$0x3FAC];
	_ =	sdelay $0x3  }
0x33: {  	p0 =	seq.s32 s10, $0x1;
	s10 =	sld [smem:$0x3FAE];
	_ =	sdelay $0x3  }
0x34: {  	[smem:$0x3FAE] =	sst s10  }
0x35: {  	s10 =	sld [smem:$0x3FAD];
	_ =	sdelay $0x3  }
0x36: {  	p1 =	seq.s32 s10, $0x1;
	s10 =	sld [smem:$0x3FAE];
	_ =	sdelay $0x3  }
0x37: {  	[smem:$0x3FAE] =	sst s10  }
0x38: {  	s10 =	sld [smem:$0x3FAF]  }
0x39: {  	_ = 	snop;
	(pc) =	sbr.ind lr, $3  }
0x3a: {  	_ = 	snop  }
0x3b: {  	_ = 	snop  }
0x3c: {  	p2 =	seq.s32 s10, $0x1;
	s10 =	sld [smem:$0x3FAE]  }
0x3d: {  	_ =	shalt  }
0x3e: {  	_ =	shalt  }
0x3f: {  	_ =	shalt  }
0x40: {  	_ =	shalt  }
0x41: {  	_ =	shalt  }
0x42: {  	_ =	shalt  }
0x43: {  	_ =	shalt  }
0x44: {  	_ =	shalt  }
0x45: {  	_ =	shalt  }
0x46: {  	_ =	shalt  }
0x47: {  	_ =	shalt  }
0x48: {  	_ =	shalt  }
0x49: {  	_ =	shalt  }
0x4a: {  	_ =	shalt  }
0x4b: {  	_ =	shalt  }
0x4c: {  	_ =	shalt  }
0x4d: {  	_ =	shalt  }
0x4e: {  	_ =	shalt  }
0x4f: {  	_ =	shalt  }
0x50: {  	_ =	shalt  }
0x51: {  	_ =	shalt  }
0x52: {  	_ =	shalt  }
0x53: {  	_ =	shalt  }
0x54: {  	_ =	shalt  }
0x55: {  	_ =	shalt  }
0x56: {  	_ =	shalt  }
0x57: {  	_ =	shalt  }
0x58: {  	_ =	shalt  }
0x59: {  	_ =	shalt  }
0x5a: {  	_ =	shalt  }
0x5b: {  	_ =	shalt  }
0x5c: {  	_ =	shalt  }
0x5d: {  	_ =	shalt  }
0x5e: {  	_ =	shalt  }
0x5f: {  	_ =	shalt  }
0x60: {  	_ =	shalt  }
0x61: {  	_ =	shalt  }
0x62: {  	_ =	shalt  }
0x63: {  	_ =	shalt  }
0x64: {  	_ =	shalt  }
0x65: {  	_ =	shalt  }
0x66: {  	_ =	shalt  }
0x67: {  	_ =	shalt  }
0x68: {  	_ =	shalt  }
0x69: {  	_ =	shalt  }
0x6a: {  	_ =	shalt  }
0x6b: {  	_ =	shalt  }
0x6c: {  	_ =	shalt  }
0x6d: {  	_ =	shalt  }
0x6e: {  	_ =	shalt  }
0x6f: {  	_ =	shalt  }
0x70: {  	_ =	shalt  }
0x71: {  	_ =	shalt  }
0x72: {  	_ =	shalt  }
0x73: {  	_ =	shalt  }
0x74: {  	_ =	shalt  }
0x75: {  	_ =	shalt  }
0x76: {  	_ =	shalt  }
0x77: {  	_ =	shalt  }
0x78: {  	_ =	shalt  }
0x79: {  	_ =	shalt  }
0x7a: {  	_ =	shalt  }
0x7b: {  	_ =	shalt  }
0x7c: {  	_ =	shalt  }
0x7d: {  	_ =	shalt  }
0x7e: {  	_ =	shalt  }
0x7f: {  	_ =	shalt  }
0x80: {  	_ =	shalt  }
0x81: {  	_ =	shalt  }
0x82: {  	_ =	shalt  }
0x83: {  	_ =	shalt  }
0x84: {  	_ =	shalt  }
0x85: {  	_ =	shalt  }
0x86: {  	_ =	shalt  }
0x87: {  	_ =	shalt  }
.Lfunc_end0:
.L_simem_size_0:
called_computation.2_lowered:
.L_overlay_start_0:
0x88: {  	s2 =	sld [smem:$0x3FD9]  }
0x89: {  	s3 =	sld [smem:$0x3FFE];
	_ =	sdelay $0x1  }
0x8a: {  	s1 =	srdreg.scid  }
0x8b: {  	s0 =	sand.u32 $0x1, s1  }
0x8c: {  	s16 =	sshll.u32 s0, $0xA;
	s2 =	sadd.s32 s3, s2  }
0x8d: {  	s2 =	sadd.s32 s2, s16  }
0x8e: {  	[smem:$0x3FBA] =	sst s2  }
0x8f: {  	_ = 	snop  }
0x90: {  	(tm) =	ssettm $0x1  }
0x91: {  	s17 =	sld [smem:$0x3FFB];
	_ =	sdelay $0x3  }
0x92: {  	_ =	strace s17  }
0x93: {  	s2 =	sld [smem:$0x3FFC];
	_ =	sdelay $0x3  }
0x94: {  	_ =	strace s2  }
0x95: {  	s2 =	sld [smem:$0x3FFD];
	_ =	sdelay $0x3  }
0x96: {  	_ =	strace s2  }
0x97: {  	_ =	strace $0x8FFFFFFF  }
0x98: {  	s18 =	sld [smem:$0x3FDB];
	_ =	sdelay $0x1  }
0x99: {  	s19 =	simm.s32 $_scs_section_size  }
0x9a: {  	s4 =	simm.s32 $_size__tile_overlayer_lowered;
	s5 =	simm.s32 $_tile_overlayer_lowered  }
0x9b: {  	s22 =	simm.s32 $0x1BFF;
	s21 =	sshll.u32 s5, $0x1;
	s2 =	sadd.s32 s19, s18  }
0x9c: {  	s6 =	simm.s32 $0x0;
	s20 =	sshll.u32 s4, $0x1;
	s4 =	sadd.s32 s21, s2  }
0x9d: {  	[timem:s6], [sflag:s22] =	dma.local [hbm:s4], s20  }
0x9e: {  	_ =	swait.ge [sflag:s22], s20  }
0x9f: {  	s3 =	ssub.s32 $0x0, s20;
	[sflag:s22] =	ssyncset.done $0x0  }
0xa0: {  	[sflag:s22] =	ssyncadd.s32 s3;
	_ =	sdelay $0x1  }
0xa1: {  	s23 =	simm.s32 $0x1B8B  }
0xa2: {  	_ =	swait.ge [sflag:s23], $0x1  }
0xa3: {  	[sflag:s23] =	ssyncset.done $0x0  }
0xa4: {  	s25 =	simm.s32 $0x1B8E;
	s24 =	sld [smem:$0x3FFE];
	[sflag:s23] =	ssyncadd.s32 $0xFFFFFFFF  }
0xa5: {  	s26 =	simm.s32 $execute0_lowered;
	[smem:$0x3FD2] =	sst s25  }
0xa6: {  	s4 =	sshll.u32 s26, $0x1;
	_ =	strace $0x8000004C;
	[dreg:$0x1] =	wrdreg $0xFFFFFFFF  }
0xa7: {  	s28 =	simm.s32 $_size_execute0_lowered;
	s2 =	sadd.s32 s2, s4;
	[dreg:$0x0] =	wrdreg $0x0  }
0xa8: {  	s4 =	sshll.u32 s28, $0x1;
	[dreg:$0x2] =	wrdreg s2  }
0xa9: {  	[dreg:$0x3] =	wrdreg s4  }
0xaa: {  	[dreg:$0x4] =	wrdreg $0xC0  }
0xab: {  	_ =	task [dreg:s6], $0x5FFFF  }
0xac: {  	[dreg:$0x1] =	wrdreg $0xFFFFFFFF  }
0xad: {  	[dreg:$0x0] =	wrdreg $0x60  }
0xae: {  	[dreg:$0x2] =	wrdreg s24  }
0xaf: {  	[dreg:$0x3] =	wrdreg $0xA8000  }
0xb0: {  	[dreg:$0x4] =	wrdreg $0x9  }
0xb1: {  	_ =	task.clear_ibuf [dreg:s6], $0x5FFFF;
	_ =	strace $0x9000004C  }
0xb2: {  	s29 =	simm.s32 $0x9;
	_ =	strace $0x8000004E  }
0xb3: {  	_ =	swait.ge [sflag:s29], $0x1  }
0xb4: {  	[sflag:s29] =	ssyncadd.s32 $0xFFFFFFFF  }
0xb5: {  	_ =	strace $0x9000004E  }
0xb6: {  	_ =	sfence  }
0xb7: {  	s30 =	sld [smem:$0x0];
	_ =	sdelay $0x2  }
0xb8: {  	s31 =	sshll.u32 s1, $0xD;
	s1 =	sshrl.u32 s1, $0x2  }
0xb9: {  	s3 =	sand.u32 $0x4000, s31;
	s1 =	sadd.s32 s1, s30  }
0xba: {  	s0 =	sor.u32 s3, s0;
	s1 =	sshll.u32 s1, $0x11  }
0xbb: {  	s0 =	sor.u32 s1, s0  }
0xbc: {  	s0 =	sadd.s32 $0x8F2B, s0  }
0xbd: {  	[sflag:s0] =	ssyncadd.remote.s32 $0x1  }
0xbe: {  	_ =	sfence.sel $0xFFFF  }
0xbf: {  	[dreg:$0x0] =	wrdreg $0xFFFFFFFF;
	(pc) =	sbr.abs _section_cstart, $3  }
0xc0: {  	[dreg:$0x1] =	wrdreg $0xFFFFFFFF  }
0xc1: {  	_ =	task.clear_ibuf [dreg:s6], $0x2FFFF;
	_ =	strace $0x9FFFFFFF  }
0xc2: {  	(tm) =	ssettm $0x7FFFFFFF  }
0xc3: {  	_ =	shalt  }
tec
execute0_lowered:
.L_overlay_start_1:
0x0: {  	(tag) =	ssettag $0x1  }
0x1: {  	s5 =	rddreg [dreg:$0x0]  }
0x2: {  	s2 =	rddreg [dreg:$0x1]  }
0x3: {  	s0 =	rddreg [dreg:$0x2];
	s3 =	simm.s32 $0x0;
	s1 =	stileid.u32  }
0x4: {  	s7 =	srdreg.scid;
	s16 =	simm.s32 $0x80;
	s17 =	simm.s32 $0x2800  }
0x5: {  	s18 =	simm.s32 $0x6800;
	s19 =	simm.s32 $0x1;
	s20 =	simm.s32 $0x2  }
0x6: {  	s21 =	simm.s32 $0x2700;
	s22 =	simm.s32 $0x2780;
	s6 =	smul.u32 $0x14000, s1  }
0x7: {  	s23 =	simm.s32 $0x0;
	[smem:$0x7FF] =	sst s3;
	s25 =	smul.u32 $0x50000, s1  }
0x8: {  	s4 =	sadd.s32 $0x40200, s5;
	s7 =	sand.u32 $0x1, s7;
	s14 =	smul.u32 $0x50, s1  }
0x9: {  	s9 =	sadd.s32 $0xE200, s5;
	s11 =	sadd.s32 $0x4200, s5;
	s10 =	smul.u32 $0x140000, s7  }
0xa: {  	s30 =	sshll.u32 s1, $0x6;
	s12 =	smul.u32 $0x500, s7;
	s7 =	ssub.s32 $0x2, s7  }
0xb: {  	_ =	strace $0x8000004D;
	s8 =	sshrl.u32 s6, $0x3;
	s13 =	sshrl.u32 s7, $0x1  }
0xc: {  	s26 =	sshrl.u32 s25, $0x2;
	s8 =	sadd.s32 s8, s5;
	s6 =	sadd.s32 s6, s10  }
0xd: {  	s13 =	ssub.s32 s7, s13;
	s28 =	sadd.s32 s14, s12;
	s29 =	sadd.s32 s26, s2  }
0xe: {  	s14 =	simm.s32 $0x3;
	s6 =	sshrl.u32 s6, $0x3;
	s31 =	sshll.u32 s28, $0x4  }
0xf: {  	s12 =	smax.u32 s13, $0x1;
	s13 =	sshrl.u32 s29, $0x3;
	s15 =	sadd.s32 s6, s5  }
0x10: {  	s5 =	sadd.s32 $0x18200, s8;
	s6 =	sor.u32 $0x1C03, s30;
	s10 =	sadd.s32 $0x280, s31  }
0x11: {  	s7 =	sadd.s32 s9, s31;
	s8 =	sadd.s32 s11, s31;
	s9 =	sadd.s32 s9, s10  }
0x12: {  	s10 =	sadd.s32 s11, s10;
	s11 =	sadd.s32 $0x68200, s15;
	s15 =	simm.s32 $0x1400  }
.LBB2_1:
0x13: {  	[spmem:s13], [sflag:s6] =	dma.local [hbm:s5], $0x2800  }
0x14: {  	_ =	swait.ge [sflag:s14], $0x2800  }
0x15: {  	[sflag:s14] =	ssyncset.done $0x0  }
0x16: {  	[sflag:s14] =	ssyncadd.s32 $0xFFFFD800  }
0x17: {  	[bflag:$0x0] =	sbarrier.arrive $0xFFFF  }
0x18: {  	[tilespmem:s3], [sflag:$0x3] =	stream.linear.gather [hbm4b:s7+s3], $0x1400, $0x38;
	[tilespmem:$0x1E800] =	vst v63  }
0x19: {  	_ =	swait.ge [sflag:s14], $0x1400  }
0x1a: {  	[sflag:s14] =	ssyncset.done $0x0  }
0x1b: {  	[sflag:s14] =	ssyncadd.s32 $0xFFFFEC00  }
0x1c: {  	[tilespmem:s15], [sflag:$0x3] =	stream.linear.gather [hbm4b:s8+s3], $0x1400, $0x38;
	[tilespmem:$0x1E800] =	vst v63  }
0x1d: {  	_ =	swait.ge [sflag:s14], $0x1400  }
0x1e: {  	[sflag:s14] =	ssyncset.done $0x0  }
0x1f: {  	[sflag:s14] =	ssyncadd.s32 $0xFFFFEC00  }
0x20: {  	[tilespmem:s17], [sflag:$0x1] =	stream.indirect.gather [hbm4b:s4+s16], $0x80, s3, s16, $0xb8;
	[tilespmem:$0x1E800] =	vst v63  }
0x21: {  	_ = 	snop  }
0x22: {  	[tilespmem:s18], [sflag:$0x2] =	stream.indirect.gather [hbm4b:s4+s16], $0x80, s16, s16, $0xb8;
	[tilespmem:$0x1E800] =	vst v63  }
0x23: {  	_ =	swait.ge [sflag:s19], $0x4000  }
0x24: {  	[sflag:s19] =	ssyncset.done $0x0  }
0x25: {  	s24 =	simm.s32 $0x1400;
	[sflag:s19] =	ssyncadd.s32 $0xFFFFC000  }
0x26: {  	[spmem:s2] =	stream.indirect.scatter.add.f32 [tilespmem:s17], [sflag:$0x3], $0x80, s24, s16, $0xb8;
	[tilespmem:$0x1E800] =	vst v63  }
0x27: {  	_ =	swait.ge [sflag:s14], $0x4000  }
0x28: {  	[sflag:s14] =	ssyncset.done $0x0  }
0x29: {  	s30 =	simm.s32 $0x100;
	[sflag:s14] =	ssyncadd.s32 $0xFFFFC000  }
0x2a: {  	[tilespmem:s17], [sflag:$0x1] =	stream.indirect.gather [hbm4b:s4+s16], $0x80, s30, s16, $0xb8;
	[tilespmem:$0x1E800] =	vst v63  }
0x2b: {  	_ =	swait.ge [sflag:s20], $0x4000  }
0x2c: {  	[sflag:s20] =	ssyncset.done $0x0  }
0x2d: {  	s31 =	simm.s32 $0x1480;
	[sflag:s20] =	ssyncadd.s32 $0xFFFFC000  }
0x2e: {  	[spmem:s2] =	stream.indirect.scatter.add.f32 [tilespmem:s18], [sflag:$0x3], $0x80, s31, s16, $0xb8;
	[tilespmem:$0x1E800] =	vst v63  }
0x2f: {  	_ =	swait.ge [sflag:s14], $0x4000  }
0x30: {  	[sflag:s14] =	ssyncset.done $0x0  }
0x31: {  	s25 =	simm.s32 $0x180;
	s24 =	simm.s32 $0x400;
	[sflag:s14] =	ssyncadd.s32 $0xFFFFC000  }
.LBB2_2:
0x32: {  	[tilespmem:s18], [sflag:$0x2] =	stream.indirect.gather [hbm4b:s4+s16], $0x80, s25, s16, $0xb8;
	[tilespmem:$0x1E800] =	vst v63  }
0x33: {  	s25 =	smov.u32 s24  }
0x34: {  	p0 =	sne.s32 s24, $0x4800;
	s24 =	sadd.s32 $0x400, s24;
	_ =	swait.ge [sflag:s19], $0x4000  }
0x35: {  	s25 =	sshra.s32 s25, $0x2;
	[sflag:s19] =	ssyncset.done $0x0  }
0x36: {  	s26 =	sadd.s32 $0x1400, s25;
	[sflag:s19] =	ssyncadd.s32 $0xFFFFC000  }
0x37: {  	[spmem:s2] =	stream.indirect.scatter.add.f32 [tilespmem:s17], [sflag:$0x3], $0x80, s26, s16, $0xb8;
	[tilespmem:$0x1E800] =	vst v63  }
0x38: {  	_ =	swait.ge [sflag:s14], $0x4000  }
0x39: {  	[sflag:s14] =	ssyncset.done $0x0  }
0x3a: {  	s26 =	sadd.s32 $0x100, s25;
	[sflag:s14] =	ssyncadd.s32 $0xFFFFC000  }
0x3b: {  	[tilespmem:s17], [sflag:$0x1] =	stream.indirect.gather [hbm4b:s4+s16], $0x80, s26, s16, $0xb8;
	[tilespmem:$0x1E800] =	vst v63  }
0x3c: {  	_ =	swait.ge [sflag:s20], $0x4000  }
0x3d: {  	[sflag:s20] =	ssyncset.done $0x0  }
.Ltmp0:
0x3e: {  	s26 =	sadd.s32 $0x1480, s25;
	[sflag:s20] =	ssyncadd.s32 $0xFFFFC000;
	(pc) =	sbr.rel @p0 .LBB2_2-.Ltmp0, $4  }
0x3f: {  	[spmem:s2] =	stream.indirect.scatter.add.f32 [tilespmem:s18], [sflag:$0x3], $0x80, s26, s16, $0xb8;
	[tilespmem:$0x1E800] =	vst v63  }
0x40: {  	_ =	swait.ge [sflag:s14], $0x4000  }
0x41: {  	[sflag:s14] =	ssyncset.done $0x0  }
0x42: {  	s25 =	sadd.s32 $0x180, s25;
	[sflag:s14] =	ssyncadd.s32 $0xFFFFC000  }
0x43: {  	[tilespmem:s18], [sflag:$0x2] =	stream.indirect.gather [hbm4b:s4+s16], $0x80, s25, s16, $0xb8;
	[tilespmem:$0x1E800] =	vst v63  }
0x44: {  	_ =	swait.ge [sflag:s19], $0x4000  }
0x45: {  	[sflag:s19] =	ssyncset.done $0x0  }
0x46: {  	[sflag:s19] =	ssyncadd.s32 $0xFFFFC000  }
0x47: {  	[spmem:s2] =	stream.indirect.scatter.add.f32 [tilespmem:s17], [sflag:$0x3], $0x80, s21, s16, $0xb8;
	[tilespmem:$0x1E800] =	vst v63  }
0x48: {  	_ =	swait.ge [sflag:s14], $0x4000  }
0x49: {  	[sflag:s14] =	ssyncset.done $0x0  }
0x4a: {  	[sflag:s14] =	ssyncadd.s32 $0xFFFFC000  }
0x4b: {  	_ =	swait.ge [sflag:s20], $0x4000  }
0x4c: {  	[sflag:s20] =	ssyncset.done $0x0  }
0x4d: {  	[sflag:s20] =	ssyncadd.s32 $0xFFFFC000  }
0x4e: {  	[spmem:s2] =	stream.indirect.scatter.add.f32 [tilespmem:s18], [sflag:$0x3], $0x80, s22, s16, $0xb8;
	[tilespmem:$0x1E800] =	vst v63  }
0x4f: {  	_ =	swait.ge [sflag:s14], $0x4000  }
0x50: {  	[sflag:s14] =	ssyncset.done $0x0  }
0x51: {  	s24 =	simm.s32 $0x0;
	[sflag:s14] =	ssyncadd.s32 $0xFFFFC000  }
0x52: {  	[tilespmem:s24], [sflag:$0x3] =	stream.linear.gather [hbm4b:s9+s24], $0x1400, $0x38;
	[tilespmem:$0x1E800] =	vst v63  }
0x53: {  	_ =	swait.ge [sflag:s14], $0x1400  }
0x54: {  	[sflag:s14] =	ssyncset.done $0x0  }
0x55: {  	[sflag:s14] =	ssyncadd.s32 $0xFFFFEC00  }
0x56: {  	[tilespmem:s15], [sflag:$0x3] =	stream.linear.gather [hbm4b:s10+s24], $0x1400, $0x38;
	[tilespmem:$0x1E800] =	vst v63  }
0x57: {  	_ =	swait.ge [sflag:s14], $0x1400  }
0x58: {  	[sflag:s14] =	ssyncset.done $0x0  }
0x59: {  	[sflag:s14] =	ssyncadd.s32 $0xFFFFEC00  }
0x5a: {  	[tilespmem:s17], [sflag:$0x1] =	stream.indirect.gather [hbm4b:s4+s16], $0x80, s24, s16, $0xb8;
	[tilespmem:$0x1E800] =	vst v63  }
0x5b: {  	_ = 	snop  }
0x5c: {  	[tilespmem:s18], [sflag:$0x2] =	stream.indirect.gather [hbm4b:s4+s16], $0x80, s16, s16, $0xb8;
	[tilespmem:$0x1E800] =	vst v63  }
0x5d: {  	_ =	swait.ge [sflag:s19], $0x4000  }
0x5e: {  	[sflag:s19] =	ssyncset.done $0x0  }
0x5f: {  	s29 =	simm.s32 $0x1400;
	[sflag:s19] =	ssyncadd.s32 $0xFFFFC000  }
0x60: {  	[spmem:s2] =	stream.indirect.scatter.add.f32 [tilespmem:s17], [sflag:$0x3], $0x80, s29, s16, $0xb8;
	[tilespmem:$0x1E800] =	vst v63  }
0x61: {  	_ =	swait.ge [sflag:s14], $0x4000  }
0x62: {  	[sflag:s14] =	ssyncset.done $0x0  }
0x63: {  	s30 =	simm.s32 $0x100;
	[sflag:s14] =	ssyncadd.s32 $0xFFFFC000  }
0x64: {  	[tilespmem:s17], [sflag:$0x1] =	stream.indirect.gather [hbm4b:s4+s16], $0x80, s30, s16, $0xb8;
	[tilespmem:$0x1E800] =	vst v63  }
0x65: {  	_ =	swait.ge [sflag:s20], $0x4000  }
0x66: {  	[sflag:s20] =	ssyncset.done $0x0  }
0x67: {  	s31 =	simm.s32 $0x1480;
	[sflag:s20] =	ssyncadd.s32 $0xFFFFC000  }
0x68: {  	[spmem:s2] =	stream.indirect.scatter.add.f32 [tilespmem:s18], [sflag:$0x3], $0x80, s31, s16, $0xb8;
	[tilespmem:$0x1E800] =	vst v63  }
0x69: {  	_ =	swait.ge [sflag:s14], $0x4000  }
0x6a: {  	[sflag:s14] =	ssyncset.done $0x0  }
0x6b: {  	s25 =	simm.s32 $0x180;
	s24 =	simm.s32 $0x400;
	[sflag:s14] =	ssyncadd.s32 $0xFFFFC000  }
.LBB2_4:
0x6c: {  	[tilespmem:s18], [sflag:$0x2] =	stream.indirect.gather [hbm4b:s4+s16], $0x80, s25, s16, $0xb8;
	[tilespmem:$0x1E800] =	vst v63  }
0x6d: {  	s25 =	smov.u32 s24  }
0x6e: {  	p0 =	sne.s32 s24, $0x4800;
	s24 =	sadd.s32 $0x400, s24;
	_ =	swait.ge [sflag:s19], $0x4000  }
0x6f: {  	s25 =	sshra.s32 s25, $0x2;
	[sflag:s19] =	ssyncset.done $0x0  }
0x70: {  	s26 =	sadd.s32 $0x1400, s25;
	[sflag:s19] =	ssyncadd.s32 $0xFFFFC000  }
0x71: {  	[spmem:s2] =	stream.indirect.scatter.add.f32 [tilespmem:s17], [sflag:$0x3], $0x80, s26, s16, $0xb8;
	[tilespmem:$0x1E800] =	vst v63  }
0x72: {  	_ =	swait.ge [sflag:s14], $0x4000  }
0x73: {  	[sflag:s14] =	ssyncset.done $0x0  }
0x74: {  	s26 =	sadd.s32 $0x100, s25;
	[sflag:s14] =	ssyncadd.s32 $0xFFFFC000  }
0x75: {  	[tilespmem:s17], [sflag:$0x1] =	stream.indirect.gather [hbm4b:s4+s16], $0x80, s26, s16, $0xb8;
	[tilespmem:$0x1E800] =	vst v63  }
0x76: {  	_ =	swait.ge [sflag:s20], $0x4000  }
0x77: {  	[sflag:s20] =	ssyncset.done $0x0  }
.Ltmp1:
0x78: {  	s26 =	sadd.s32 $0x1480, s25;
	[sflag:s20] =	ssyncadd.s32 $0xFFFFC000;
	(pc) =	sbr.rel @p0 .LBB2_4-.Ltmp1, $4  }
0x79: {  	[spmem:s2] =	stream.indirect.scatter.add.f32 [tilespmem:s18], [sflag:$0x3], $0x80, s26, s16, $0xb8;
	[tilespmem:$0x1E800] =	vst v63  }
0x7a: {  	_ =	swait.ge [sflag:s14], $0x4000  }
0x7b: {  	[sflag:s14] =	ssyncset.done $0x0  }
0x7c: {  	s25 =	sadd.s32 $0x180, s25;
	[sflag:s14] =	ssyncadd.s32 $0xFFFFC000  }
0x7d: {  	[tilespmem:s18], [sflag:$0x2] =	stream.indirect.gather [hbm4b:s4+s16], $0x80, s25, s16, $0xb8;
	[tilespmem:$0x1E800] =	vst v63  }
0x7e: {  	_ =	swait.ge [sflag:s19], $0x4000  }
0x7f: {  	[sflag:s19] =	ssyncset.done $0x0  }
0x80: {  	[sflag:s19] =	ssyncadd.s32 $0xFFFFC000  }
0x81: {  	[spmem:s2] =	stream.indirect.scatter.add.f32 [tilespmem:s17], [sflag:$0x3], $0x80, s21, s16, $0xb8;
	[tilespmem:$0x1E800] =	vst v63  }
0x82: {  	_ =	swait.ge [sflag:s14], $0x4000  }
0x83: {  	[sflag:s14] =	ssyncset.done $0x0  }
0x84: {  	[sflag:s14] =	ssyncadd.s32 $0xFFFFC000  }
0x85: {  	_ =	swait.ge [sflag:s20], $0x4000  }
0x86: {  	[sflag:s20] =	ssyncset.done $0x0  }
0x87: {  	[sflag:s20] =	ssyncadd.s32 $0xFFFFC000  }
0x88: {  	[spmem:s2] =	stream.indirect.scatter.add.f32 [tilespmem:s18], [sflag:$0x3], $0x80, s22, s16, $0xb8;
	[tilespmem:$0x1E800] =	vst v63  }
0x89: {  	_ =	swait.ge [sflag:s14], $0x4000  }
0x8a: {  	s23 =	sadd.s32 $0x1, s23;
	[sflag:s14] =	ssyncset.done $0x0  }
0x8b: {  	p0 =	sne.s32 s23, s12;
	[sflag:s14] =	ssyncadd.s32 $0xFFFFC000  }
.Ltmp2:
0x8c: {  	[bflag:$0x0] =	sbarrier.arrive $0xFFFF;
	(pc) =	sbr.rel @p0 .LBB2_1-.Ltmp2, $4  }
0x8d: {  	[hbm:s11], [sflag:s6] =	dma.local [spmem:s13], $0x2800  }
0x8e: {  	_ =	swait.ge [sflag:s14], $0x2800  }
0x8f: {  	[sflag:s14] =	ssyncset.done $0x0  }
0x90: {  	[sflag:s14] =	ssyncadd.s32 $0xFFFFD800  }
0x91: {  	_ =	sfence.sel $0x180000  }
0x92: {  	[bflag:$0x0] =	sbarrier.arrive $0xFFFF  }
0x93: {  	p0 =	sne.s32 s1, $0x0;
	_ =	strace $0x9000004D  }
0x94: {  	s0 =	sadd.s32 @!p0 $0x100000, s0;
	[bflag:$0x2] =	sbarrier.arrive $0xFFFF  }
0x95: {  	[sflag:s0] =	ssyncadd.tile.s32 @!p0 $0x1;
	_ =	shalt  }
.Lfunc_end2:
_tile_overlayer_lowered:
.L_overlay_start_2:
0x96: {  	(tag) =	ssettag $0x2  }
0x97: {  	s0 =	rddreg [dreg:$0x0];
	s2 =	stileid.u32  }
0x98: {  	s1 =	rddreg [dreg:$0x1];
	p0 =	sne.s32 s2, $0x0  }
0x99: {  	s3 =	rddreg [dreg:$0x2];
	[bflag:$0x3] =	sbarrier.arrive $0xFFFF;
	s2 =	simm.s32 @!p0 $0x1C03  }
0x9a: {  	[timem:s3], [sflag:s2] =	dma.local @!p0 [hbm:s0], s1  }
0x9b: {  	s0 =	simm.s32 @!p0 $0x3  }
0x9c: {  	_ =	swait.ge @!p0 [sflag:s0], s1  }
0x9d: {  	s1 =	ssub.s32 @!p0 $0x0, s1;
	[sflag:s0] =	ssyncset.done @!p0 $0x0  }
0x9e: {  	[sflag:s0] =	ssyncadd.s32 @!p0 s1  }
0x9f: {  	[bflag:$0x3] =	sbarrier.arrive $0xFFFF  }
0xa0: {  	_ =	shalt  }

// kernel: kernel.19.cloned.1.call-start
scs
__scs_entry_jumppad:
0x0: {  	(pc) =	sbr.rel $0x88, $3  }
0x1: {  	(tag) =	ssettag $0x0;
	lr =	simm.s32 $0x1  }
0x2: {  	[smem:$0x3F93] =	sst lr;
	_ =	strace $0xD0000000  }
0x3: {  	_ = 	snop  }
0x4: {  	_ = 	snop  }
0x5: {  	_ = 	snop  }
0x6: {  	_ = 	snop  }
0x7: {  	_ = 	snop  }
__scs_overlays_trampoline_lowered:
0x8: {  	[smem:$0x3FA2] =	sst s0  }
0x9: {  	[smem:$0x3FA3] =	sst s1  }
0xa: {  	[smem:$0x3FA4] =	sst s2  }
0xb: {  	[smem:$0x3FA5] =	sst s3  }
0xc: {  	[smem:$0x3FA6] =	sst s4  }
0xd: {  	[smem:$0x3FA7] =	sst s5  }
0xe: {  	[smem:$0x3FA8] =	sst s6  }
0xf: {  	[smem:$0x3FA9] =	sst s7  }
0x10: {  	[smem:$0x3FAA] =	sst s8  }
0x11: {  	[smem:$0x3FAB] =	sst s9;
	s0 =	simm.s32 @!p0 $0x0  }
0x12: {  	s1 =	sld [smem:$0x3F91];
	s0 =	simm.s32 @p0 $0x1  }
0x13: {  	[smem:$0x3FAC] =	sst s0;
	s0 =	simm.s32 @!p1 $0x0  }
0x14: {  	s2 =	sld [smem:$0x3F90];
	s0 =	simm.s32 @p1 $0x1  }
0x15: {  	[smem:$0x3FAD] =	sst s0;
	s0 =	simm.s32 @!p2 $0x0  }
0x16: {  	s3 =	sld [smem:$0x3FDB];
	s0 =	simm.s32 @p2 $0x1  }
0x17: {  	s4 =	simm.s32 $0x1BF5;
	[smem:$0x3FAF] =	sst s0  }
0x18: {  	s0 =	sld [smem:$0x3F92];
	_ =	swait.ge [sflag:s4], $0x0  }
0x19: {  	s7 =	sld [smem:$0x3F93]  }
0x1a: {  	s8 =	sadd.s32 $0xFFFFE003, lr  }
0x1b: {  	s9 =	sadd.s32 $0xFFFFFEF7, lr;
	s5 =	simm.s32 $0xFFFFFFFF;
	p2 =	slt.u32 s8, $0xFFFFF086  }
0x1c: {  	p1 =	slt.u32 s9, $0xF7A;
	s5 =	simm.s32 @!p2 $0x0  }
0x1d: {  	s5 =	simm.s32 @p1 $0x1;
	p0 =	seq.s32 s7, s2  }
0x1e: {  	s7 =	smul.u32 @!p0 $0xF7A, s2;
	p2 =	seq.s32 @!p0 s5, $0x0  }
0x1f: {  	s9 =	smul.u32 $0xF7A, s1;
	s8 =	simm.s32 @!p0 $0x1BF5;
	p2 =	por !p2, p0  }
0x20: {  	[sflag:s8] =	ssyncset.s32 @!p0 $0xFFFFF086;
	s6 =	sadd.s32 @!p0 s3, s7;
	s7 =	simm.s32 @!p0 $0x108  }
0x21: {  	s3 =	sadd.s32 s3, s9;
	s6 =	sadd.s32 @!p0 $0x88, s6;
	s7 =	simm.s32 @p2 $0x1082  }
0x22: {  	[simem:s7], [sflag:s8] =	dma.local @!p0 [hbm:s6], $0xF7A  }
0x23: {  	s9 =	sor.u32 $0xD0000000, s2;
	s6 =	simm.s32 $0x108;
	_ =	swait.ge @!p0 [sflag:s8], $0x0  }
0x24: {  	s3 =	sadd.s32 $0x88, s3;
	s6 =	simm.s32 @!p1 $0x1082;
	[sflag:s4] =	ssyncset.s32 $0xFFFFF086  }
0x25: {  	[simem:s6], [sflag:s4] =	dma.local [hbm:s3], $0xF7A  }
0x26: {  	[smem:$0x3F93] =	sst s1;
	(tag) =	ssettag s2;
	_ =	strace s9  }
0x27: {  	s1 =	sld [smem:$0x3FA3]  }
0x28: {  	s2 =	sld [smem:$0x3FA4]  }
0x29: {  	s4 =	sld [smem:$0x3FA6]  }
0x2a: {  	p0 =	seq.s32 s5, $0x0;
	s5 =	sld [smem:$0x3FA7]  }
0x2b: {  	s6 =	sld [smem:$0x3FA8]  }
0x2c: {  	s7 =	sld [smem:$0x3FA9]  }
0x2d: {  	s3 =	simm.s32 $0x108;
	s8 =	sld [smem:$0x3FAA]  }
0x2e: {  	s3 =	simm.s32 @!p0 $0x1082;
	s9 =	sld [smem:$0x3FAB]  }
0x2f: {  	lr =	sadd.s32 s0, s3;
	s0 =	sld [smem:$0x3FA2]  }
0x30: {  	s3 =	sld [smem:$0x3FA5]  }
0x31: {  	[smem:$0x3FAE] =	sst s10  }
0x32: {  	s10 =	sld [smem:$0x3FAC];
	_ =	sdelay $0x3  }
0x33: {  	p0 =	seq.s32 s10, $0x1;
	s10 =	sld [smem:$0x3FAE];
	_ =	sdelay $0x3  }
0x34: {  	[smem:$0x3FAE] =	sst s10  }
0x35: {  	s10 =	sld [smem:$0x3FAD];
	_ =	sdelay $0x3  }
0x36: {  	p1 =	seq.s32 s10, $0x1;
	s10 =	sld [smem:$0x3FAE];
	_ =	sdelay $0x3  }
0x37: {  	[smem:$0x3FAE] =	sst s10  }
0x38: {  	s10 =	sld [smem:$0x3FAF]  }
0x39: {  	_ = 	snop;
	(pc) =	sbr.ind lr, $3  }
0x3a: {  	_ = 	snop  }
0x3b: {  	_ = 	snop  }
0x3c: {  	p2 =	seq.s32 s10, $0x1;
	s10 =	sld [smem:$0x3FAE]  }
0x3d: {  	_ =	shalt  }
0x3e: {  	_ =	shalt  }
0x3f: {  	_ =	shalt  }
0x40: {  	_ =	shalt  }
0x41: {  	_ =	shalt  }
0x42: {  	_ =	shalt  }
0x43: {  	_ =	shalt  }
0x44: {  	_ =	shalt  }
0x45: {  	_ =	shalt  }
0x46: {  	_ =	shalt  }
0x47: {  	_ =	shalt  }
0x48: {  	_ =	shalt  }
0x49: {  	_ =	shalt  }
0x4a: {  	_ =	shalt  }
0x4b: {  	_ =	shalt  }
0x4c: {  	_ =	shalt  }
0x4d: {  	_ =	shalt  }
0x4e: {  	_ =	shalt  }
0x4f: {  	_ =	shalt  }
0x50: {  	_ =	shalt  }
0x51: {  	_ =	shalt  }
0x52: {  	_ =	shalt  }
0x53: {  	_ =	shalt  }
0x54: {  	_ =	shalt  }
0x55: {  	_ =	shalt  }
0x56: {  	_ =	shalt  }
0x57: {  	_ =	shalt  }
0x58: {  	_ =	shalt  }
0x59: {  	_ =	shalt  }
0x5a: {  	_ =	shalt  }
0x5b: {  	_ =	shalt  }
0x5c: {  	_ =	shalt  }
0x5d: {  	_ =	shalt  }
0x5e: {  	_ =	shalt  }
0x5f: {  	_ =	shalt  }
0x60: {  	_ =	shalt  }
0x61: {  	_ =	shalt  }
0x62: {  	_ =	shalt  }
0x63: {  	_ =	shalt  }
0x64: {  	_ =	shalt  }
0x65: {  	_ =	shalt  }
0x66: {  	_ =	shalt  }
0x67: {  	_ =	shalt  }
0x68: {  	_ =	shalt  }
0x69: {  	_ =	shalt  }
0x6a: {  	_ =	shalt  }
0x6b: {  	_ =	shalt  }
0x6c: {  	_ =	shalt  }
0x6d: {  	_ =	shalt  }
0x6e: {  	_ =	shalt  }
0x6f: {  	_ =	shalt  }
0x70: {  	_ =	shalt  }
0x71: {  	_ =	shalt  }
0x72: {  	_ =	shalt  }
0x73: {  	_ =	shalt  }
0x74: {  	_ =	shalt  }
0x75: {  	_ =	shalt  }
0x76: {  	_ =	shalt  }
0x77: {  	_ =	shalt  }
0x78: {  	_ =	shalt  }
0x79: {  	_ =	shalt  }
0x7a: {  	_ =	shalt  }
0x7b: {  	_ =	shalt  }
0x7c: {  	_ =	shalt  }
0x7d: {  	_ =	shalt  }
0x7e: {  	_ =	shalt  }
0x7f: {  	_ =	shalt  }
0x80: {  	_ =	shalt  }
0x81: {  	_ =	shalt  }
0x82: {  	_ =	shalt  }
0x83: {  	_ =	shalt  }
0x84: {  	_ =	shalt  }
0x85: {  	_ =	shalt  }
0x86: {  	_ =	shalt  }
0x87: {  	_ =	shalt  }
.Lfunc_end0:
.L_simem_size_0:
called_computation.3_lowered:
.L_overlay_start_0:
0x88: {  	s2 =	sld [smem:$0x3FD9]  }
0x89: {  	s3 =	sld [smem:$0x3FFE];
	_ =	sdelay $0x1  }
0x8a: {  	s1 =	srdreg.scid  }
0x8b: {  	s0 =	sand.u32 $0x1, s1  }
0x8c: {  	s16 =	sshll.u32 s0, $0xA;
	s2 =	sadd.s32 s3, s2  }
0x8d: {  	s2 =	sadd.s32 s2, s16  }
0x8e: {  	[smem:$0x3FBA] =	sst s2  }
0x8f: {  	_ = 	snop  }
0x90: {  	(tm) =	ssettm $0x1  }
0x91: {  	s17 =	sld [smem:$0x3FFB];
	_ =	sdelay $0x3  }
0x92: {  	_ =	strace s17  }
0x93: {  	s2 =	sld [smem:$0x3FFC];
	_ =	sdelay $0x3  }
0x94: {  	_ =	strace s2  }
0x95: {  	s2 =	sld [smem:$0x3FFD];
	_ =	sdelay $0x3  }
0x96: {  	_ =	strace s2  }
0x97: {  	_ =	strace $0x8FFFFFFF  }
0x98: {  	s18 =	sld [smem:$0x3FDB];
	_ =	sdelay $0x1  }
0x99: {  	s19 =	simm.s32 $_scs_section_size  }
0x9a: {  	s4 =	simm.s32 $_size__tile_overlayer_lowered;
	s5 =	simm.s32 $_tile_overlayer_lowered  }
0x9b: {  	s22 =	simm.s32 $0x1BFF;
	s21 =	sshll.u32 s5, $0x1;
	s2 =	sadd.s32 s19, s18  }
0x9c: {  	s6 =	simm.s32 $0x0;
	s20 =	sshll.u32 s4, $0x1;
	s4 =	sadd.s32 s21, s2  }
0x9d: {  	[timem:s6], [sflag:s22] =	dma.local [hbm:s4], s20  }
0x9e: {  	_ =	swait.ge [sflag:s22], s20  }
0x9f: {  	s3 =	ssub.s32 $0x0, s20;
	[sflag:s22] =	ssyncset.done $0x0  }
0xa0: {  	[sflag:s22] =	ssyncadd.s32 s3;
	_ =	sdelay $0x1  }
0xa1: {  	s23 =	simm.s32 $0x1B8B  }
0xa2: {  	_ =	swait.ge [sflag:s23], $0x1  }
0xa3: {  	[sflag:s23] =	ssyncset.done $0x0  }
0xa4: {  	s25 =	simm.s32 $0x1B8E;
	s24 =	sld [smem:$0x3FFE];
	[sflag:s23] =	ssyncadd.s32 $0xFFFFFFFF  }
0xa5: {  	s26 =	simm.s32 $execute0_lowered;
	[smem:$0x3FD2] =	sst s25  }
0xa6: {  	s4 =	sshll.u32 s26, $0x1;
	_ =	strace $0x8000004F;
	[dreg:$0x1] =	wrdreg $0xFFFFFFFF  }
0xa7: {  	s28 =	simm.s32 $_size_execute0_lowered;
	s2 =	sadd.s32 s2, s4;
	[dreg:$0x0] =	wrdreg $0x0  }
0xa8: {  	s4 =	sshll.u32 s28, $0x1;
	[dreg:$0x2] =	wrdreg s2  }
0xa9: {  	[dreg:$0x3] =	wrdreg s4  }
0xaa: {  	[dreg:$0x4] =	wrdreg $0xC0  }
0xab: {  	_ =	task [dreg:s6], $0x5FFFF  }
0xac: {  	[dreg:$0x1] =	wrdreg $0xFFFFFFFF  }
0xad: {  	[dreg:$0x0] =	wrdreg $0x60  }
0xae: {  	[dreg:$0x2] =	wrdreg s24  }
0xaf: {  	[dreg:$0x3] =	wrdreg $0xA8000  }
0xb0: {  	[dreg:$0x4] =	wrdreg $0x9  }
0xb1: {  	_ =	task.clear_ibuf [dreg:s6], $0x5FFFF;
	_ =	strace $0x9000004F  }
0xb2: {  	s29 =	simm.s32 $0x9;
	_ =	strace $0x80000051  }
0xb3: {  	_ =	swait.ge [sflag:s29], $0x1  }
0xb4: {  	[sflag:s29] =	ssyncadd.s32 $0xFFFFFFFF  }
0xb5: {  	_ =	strace $0x90000051  }
0xb6: {  	_ =	sfence  }
0xb7: {  	s30 =	sld [smem:$0x0];
	_ =	sdelay $0x2  }
0xb8: {  	s31 =	sshll.u32 s1, $0xD;
	s1 =	sshrl.u32 s1, $0x2  }
0xb9: {  	s3 =	sand.u32 $0x4000, s31;
	s1 =	sadd.s32 s1, s30  }
0xba: {  	s0 =	sor.u32 s3, s0;
	s1 =	sshll.u32 s1, $0x11  }
0xbb: {  	s0 =	sor.u32 s1, s0  }
0xbc: {  	s0 =	sadd.s32 $0x8F2B, s0  }
0xbd: {  	[sflag:s0] =	ssyncadd.remote.s32 $0x1  }
0xbe: {  	_ =	sfence.sel $0xFFFF  }
0xbf: {  	[dreg:$0x0] =	wrdreg $0xFFFFFFFF;
	(pc) =	sbr.abs _section_cstart, $3  }
0xc0: {  	[dreg:$0x1] =	wrdreg $0xFFFFFFFF  }
0xc1: {  	_ =	task.clear_ibuf [dreg:s6], $0x2FFFF;
	_ =	strace $0x9FFFFFFF  }
0xc2: {  	(tm) =	ssettm $0x7FFFFFFF  }
0xc3: {  	_ =	shalt  }
tec
execute0_lowered:
.L_overlay_start_1:
0x0: {  	(tag) =	ssettag $0x1  }
0x1: {  	s5 =	rddreg [dreg:$0x0]  }
0x2: {  	s2 =	rddreg [dreg:$0x1]  }
0x3: {  	s0 =	rddreg [dreg:$0x2];
	s3 =	simm.s32 $0x0;
	s1 =	stileid.u32  }
0x4: {  	s7 =	srdreg.scid;
	s16 =	simm.s32 $0x80;
	s17 =	simm.s32 $0x2800  }
0x5: {  	s18 =	simm.s32 $0x6800;
	s19 =	simm.s32 $0x1;
	s20 =	simm.s32 $0x2  }
0x6: {  	s21 =	simm.s32 $0x2700;
	s22 =	simm.s32 $0x2780;
	s6 =	smul.u32 $0x14000, s1  }
0x7: {  	s23 =	simm.s32 $0x0;
	[smem:$0x7FF] =	sst s3;
	s25 =	smul.u32 $0x50000, s1  }
0x8: {  	s4 =	sadd.s32 $0x40200, s5;
	s7 =	sand.u32 $0x1, s7;
	s14 =	smul.u32 $0x50, s1  }
0x9: {  	s9 =	sadd.s32 $0xE200, s5;
	s11 =	sadd.s32 $0x4200, s5;
	s10 =	smul.u32 $0x140000, s7  }
0xa: {  	s30 =	sshll.u32 s1, $0x6;
	s12 =	smul.u32 $0x500, s7;
	s7 =	ssub.s32 $0x2, s7  }
0xb: {  	_ =	strace $0x80000050;
	s8 =	sshrl.u32 s6, $0x3;
	s13 =	sshrl.u32 s7, $0x1  }
0xc: {  	s26 =	sshrl.u32 s25, $0x2;
	s8 =	sadd.s32 s8, s5;
	s6 =	sadd.s32 s6, s10  }
0xd: {  	s13 =	ssub.s32 s7, s13;
	s28 =	sadd.s32 s14, s12;
	s29 =	sadd.s32 s26, s2  }
0xe: {  	s14 =	simm.s32 $0x3;
	s6 =	sshrl.u32 s6, $0x3;
	s31 =	sshll.u32 s28, $0x4  }
0xf: {  	s12 =	smax.u32 s13, $0x1;
	s13 =	sshrl.u32 s29, $0x3;
	s15 =	sadd.s32 s6, s5  }
0x10: {  	s5 =	sadd.s32 $0x18200, s8;
	s6 =	sor.u32 $0x1C03, s30;
	s10 =	sadd.s32 $0x280, s31  }
0x11: {  	s7 =	sadd.s32 s9, s31;
	s8 =	sadd.s32 s11, s31;
	s9 =	sadd.s32 s9, s10  }
0x12: {  	s10 =	sadd.s32 s11, s10;
	s11 =	sadd.s32 $0x68200, s15;
	s15 =	simm.s32 $0x1400  }
.LBB2_1:
0x13: {  	[spmem:s13], [sflag:s6] =	dma.local [hbm:s5], $0x2800  }
0x14: {  	_ =	swait.ge [sflag:s14], $0x2800  }
0x15: {  	[sflag:s14] =	ssyncset.done $0x0  }
0x16: {  	[sflag:s14] =	ssyncadd.s32 $0xFFFFD800  }
0x17: {  	[bflag:$0x0] =	sbarrier.arrive $0xFFFF  }
0x18: {  	[tilespmem:s3], [sflag:$0x3] =	stream.linear.gather [hbm4b:s7+s3], $0x1400, $0x38;
	[tilespmem:$0x1E800] =	vst v63  }
0x19: {  	_ =	swait.ge [sflag:s14], $0x1400  }
0x1a: {  	[sflag:s14] =	ssyncset.done $0x0  }
0x1b: {  	[sflag:s14] =	ssyncadd.s32 $0xFFFFEC00  }
0x1c: {  	[tilespmem:s15], [sflag:$0x3] =	stream.linear.gather [hbm4b:s8+s3], $0x1400, $0x38;
	[tilespmem:$0x1E800] =	vst v63  }
0x1d: {  	_ =	swait.ge [sflag:s14], $0x1400  }
0x1e: {  	[sflag:s14] =	ssyncset.done $0x0  }
0x1f: {  	[sflag:s14] =	ssyncadd.s32 $0xFFFFEC00  }
0x20: {  	[tilespmem:s17], [sflag:$0x1] =	stream.indirect.gather [hbm4b:s4+s16], $0x80, s3, s16, $0xb8;
	[tilespmem:$0x1E800] =	vst v63  }
0x21: {  	_ = 	snop  }
0x22: {  	[tilespmem:s18], [sflag:$0x2] =	stream.indirect.gather [hbm4b:s4+s16], $0x80, s16, s16, $0xb8;
	[tilespmem:$0x1E800] =	vst v63  }
0x23: {  	_ =	swait.ge [sflag:s19], $0x4000  }
0x24: {  	[sflag:s19] =	ssyncset.done $0x0  }
0x25: {  	s24 =	simm.s32 $0x1400;
	[sflag:s19] =	ssyncadd.s32 $0xFFFFC000  }
0x26: {  	[spmem:s2] =	stream.indirect.scatter.add.f32 [tilespmem:s17], [sflag:$0x3], $0x80, s24, s16, $0xb8;
	[tilespmem:$0x1E800] =	vst v63  }
0x27: {  	_ =	swait.ge [sflag:s14], $0x4000  }
0x28: {  	[sflag:s14] =	ssyncset.done $0x0  }
0x29: {  	s30 =	simm.s32 $0x100;
	[sflag:s14] =	ssyncadd.s32 $0xFFFFC000  }
0x2a: {  	[tilespmem:s17], [sflag:$0x1] =	stream.indirect.gather [hbm4b:s4+s16], $0x80, s30, s16, $0xb8;
	[tilespmem:$0x1E800] =	vst v63  }
0x2b: {  	_ =	swait.ge [sflag:s20], $0x4000  }
0x2c: {  	[sflag:s20] =	ssyncset.done $0x0  }
0x2d: {  	s31 =	simm.s32 $0x1480;
	[sflag:s20] =	ssyncadd.s32 $0xFFFFC000  }
0x2e: {  	[spmem:s2] =	stream.indirect.scatter.add.f32 [tilespmem:s18], [sflag:$0x3], $0x80, s31, s16, $0xb8;
	[tilespmem:$0x1E800] =	vst v63  }
0x2f: {  	_ =	swait.ge [sflag:s14], $0x4000  }
0x30: {  	[sflag:s14] =	ssyncset.done $0x0  }
0x31: {  	s25 =	simm.s32 $0x180;
	s24 =	simm.s32 $0x400;
	[sflag:s14] =	ssyncadd.s32 $0xFFFFC000  }
.LBB2_2:
0x32: {  	[tilespmem:s18], [sflag:$0x2] =	stream.indirect.gather [hbm4b:s4+s16], $0x80, s25, s16, $0xb8;
	[tilespmem:$0x1E800] =	vst v63  }
0x33: {  	s25 =	smov.u32 s24  }
0x34: {  	p0 =	sne.s32 s24, $0x4800;
	s24 =	sadd.s32 $0x400, s24;
	_ =	swait.ge [sflag:s19], $0x4000  }
0x35: {  	s25 =	sshra.s32 s25, $0x2;
	[sflag:s19] =	ssyncset.done $0x0  }
0x36: {  	s26 =	sadd.s32 $0x1400, s25;
	[sflag:s19] =	ssyncadd.s32 $0xFFFFC000  }
0x37: {  	[spmem:s2] =	stream.indirect.scatter.add.f32 [tilespmem:s17], [sflag:$0x3], $0x80, s26, s16, $0xb8;
	[tilespmem:$0x1E800] =	vst v63  }
0x38: {  	_ =	swait.ge [sflag:s14], $0x4000  }
0x39: {  	[sflag:s14] =	ssyncset.done $0x0  }
0x3a: {  	s26 =	sadd.s32 $0x100, s25;
	[sflag:s14] =	ssyncadd.s32 $0xFFFFC000  }
0x3b: {  	[tilespmem:s17], [sflag:$0x1] =	stream.indirect.gather [hbm4b:s4+s16], $0x80, s26, s16, $0xb8;
	[tilespmem:$0x1E800] =	vst v63  }
0x3c: {  	_ =	swait.ge [sflag:s20], $0x4000  }
0x3d: {  	[sflag:s20] =	ssyncset.done $0x0  }
.Ltmp0:
0x3e: {  	s26 =	sadd.s32 $0x1480, s25;
	[sflag:s20] =	ssyncadd.s32 $0xFFFFC000;
	(pc) =	sbr.rel @p0 .LBB2_2-.Ltmp0, $4  }
0x3f: {  	[spmem:s2] =	stream.indirect.scatter.add.f32 [tilespmem:s18], [sflag:$0x3], $0x80, s26, s16, $0xb8;
	[tilespmem:$0x1E800] =	vst v63  }
0x40: {  	_ =	swait.ge [sflag:s14], $0x4000  }
0x41: {  	[sflag:s14] =	ssyncset.done $0x0  }
0x42: {  	s25 =	sadd.s32 $0x180, s25;
	[sflag:s14] =	ssyncadd.s32 $0xFFFFC000  }
0x43: {  	[tilespmem:s18], [sflag:$0x2] =	stream.indirect.gather [hbm4b:s4+s16], $0x80, s25, s16, $0xb8;
	[tilespmem:$0x1E800] =	vst v63  }
0x44: {  	_ =	swait.ge [sflag:s19], $0x4000  }
0x45: {  	[sflag:s19] =	ssyncset.done $0x0  }
0x46: {  	[sflag:s19] =	ssyncadd.s32 $0xFFFFC000  }
0x47: {  	[spmem:s2] =	stream.indirect.scatter.add.f32 [tilespmem:s17], [sflag:$0x3], $0x80, s21, s16, $0xb8;
	[tilespmem:$0x1E800] =	vst v63  }
0x48: {  	_ =	swait.ge [sflag:s14], $0x4000  }
0x49: {  	[sflag:s14] =	ssyncset.done $0x0  }
0x4a: {  	[sflag:s14] =	ssyncadd.s32 $0xFFFFC000  }
0x4b: {  	_ =	swait.ge [sflag:s20], $0x4000  }
0x4c: {  	[sflag:s20] =	ssyncset.done $0x0  }
0x4d: {  	[sflag:s20] =	ssyncadd.s32 $0xFFFFC000  }
0x4e: {  	[spmem:s2] =	stream.indirect.scatter.add.f32 [tilespmem:s18], [sflag:$0x3], $0x80, s22, s16, $0xb8;
	[tilespmem:$0x1E800] =	vst v63  }
0x4f: {  	_ =	swait.ge [sflag:s14], $0x4000  }
0x50: {  	[sflag:s14] =	ssyncset.done $0x0  }
0x51: {  	s24 =	simm.s32 $0x0;
	[sflag:s14] =	ssyncadd.s32 $0xFFFFC000  }
0x52: {  	[tilespmem:s24], [sflag:$0x3] =	stream.linear.gather [hbm4b:s9+s24], $0x1400, $0x38;
	[tilespmem:$0x1E800] =	vst v63  }
0x53: {  	_ =	swait.ge [sflag:s14], $0x1400  }
0x54: {  	[sflag:s14] =	ssyncset.done $0x0  }
0x55: {  	[sflag:s14] =	ssyncadd.s32 $0xFFFFEC00  }
0x56: {  	[tilespmem:s15], [sflag:$0x3] =	stream.linear.gather [hbm4b:s10+s24], $0x1400, $0x38;
	[tilespmem:$0x1E800] =	vst v63  }
0x57: {  	_ =	swait.ge [sflag:s14], $0x1400  }
0x58: {  	[sflag:s14] =	ssyncset.done $0x0  }
0x59: {  	[sflag:s14] =	ssyncadd.s32 $0xFFFFEC00  }
0x5a: {  	[tilespmem:s17], [sflag:$0x1] =	stream.indirect.gather [hbm4b:s4+s16], $0x80, s24, s16, $0xb8;
	[tilespmem:$0x1E800] =	vst v63  }
0x5b: {  	_ = 	snop  }
0x5c: {  	[tilespmem:s18], [sflag:$0x2] =	stream.indirect.gather [hbm4b:s4+s16], $0x80, s16, s16, $0xb8;
	[tilespmem:$0x1E800] =	vst v63  }
0x5d: {  	_ =	swait.ge [sflag:s19], $0x4000  }
0x5e: {  	[sflag:s19] =	ssyncset.done $0x0  }
0x5f: {  	s29 =	simm.s32 $0x1400;
	[sflag:s19] =	ssyncadd.s32 $0xFFFFC000  }
0x60: {  	[spmem:s2] =	stream.indirect.scatter.add.f32 [tilespmem:s17], [sflag:$0x3], $0x80, s29, s16, $0xb8;
	[tilespmem:$0x1E800] =	vst v63  }
0x61: {  	_ =	swait.ge [sflag:s14], $0x4000  }
0x62: {  	[sflag:s14] =	ssyncset.done $0x0  }
0x63: {  	s30 =	simm.s32 $0x100;
	[sflag:s14] =	ssyncadd.s32 $0xFFFFC000  }
0x64: {  	[tilespmem:s17], [sflag:$0x1] =	stream.indirect.gather [hbm4b:s4+s16], $0x80, s30, s16, $0xb8;
	[tilespmem:$0x1E800] =	vst v63  }
0x65: {  	_ =	swait.ge [sflag:s20], $0x4000  }
0x66: {  	[sflag:s20] =	ssyncset.done $0x0  }
0x67: {  	s31 =	simm.s32 $0x1480;
	[sflag:s20] =	ssyncadd.s32 $0xFFFFC000  }
0x68: {  	[spmem:s2] =	stream.indirect.scatter.add.f32 [tilespmem:s18], [sflag:$0x3], $0x80, s31, s16, $0xb8;
	[tilespmem:$0x1E800] =	vst v63  }
0x69: {  	_ =	swait.ge [sflag:s14], $0x4000  }
0x6a: {  	[sflag:s14] =	ssyncset.done $0x0  }
0x6b: {  	s25 =	simm.s32 $0x180;
	s24 =	simm.s32 $0x400;
	[sflag:s14] =	ssyncadd.s32 $0xFFFFC000  }
.LBB2_4:
0x6c: {  	[tilespmem:s18], [sflag:$0x2] =	stream.indirect.gather [hbm4b:s4+s16], $0x80, s25, s16, $0xb8;
	[tilespmem:$0x1E800] =	vst v63  }
0x6d: {  	s25 =	smov.u32 s24  }
0x6e: {  	p0 =	sne.s32 s24, $0x4800;
	s24 =	sadd.s32 $0x400, s24;
	_ =	swait.ge [sflag:s19], $0x4000  }
0x6f: {  	s25 =	sshra.s32 s25, $0x2;
	[sflag:s19] =	ssyncset.done $0x0  }
0x70: {  	s26 =	sadd.s32 $0x1400, s25;
	[sflag:s19] =	ssyncadd.s32 $0xFFFFC000  }
0x71: {  	[spmem:s2] =	stream.indirect.scatter.add.f32 [tilespmem:s17], [sflag:$0x3], $0x80, s26, s16, $0xb8;
	[tilespmem:$0x1E800] =	vst v63  }
0x72: {  	_ =	swait.ge [sflag:s14], $0x4000  }
0x73: {  	[sflag:s14] =	ssyncset.done $0x0  }
0x74: {  	s26 =	sadd.s32 $0x100, s25;
	[sflag:s14] =	ssyncadd.s32 $0xFFFFC000  }
0x75: {  	[tilespmem:s17], [sflag:$0x1] =	stream.indirect.gather [hbm4b:s4+s16], $0x80, s26, s16, $0xb8;
	[tilespmem:$0x1E800] =	vst v63  }
0x76: {  	_ =	swait.ge [sflag:s20], $0x4000  }
0x77: {  	[sflag:s20] =	ssyncset.done $0x0  }
.Ltmp1:
0x78: {  	s26 =	sadd.s32 $0x1480, s25;
	[sflag:s20] =	ssyncadd.s32 $0xFFFFC000;
	(pc) =	sbr.rel @p0 .LBB2_4-.Ltmp1, $4  }
0x79: {  	[spmem:s2] =	stream.indirect.scatter.add.f32 [tilespmem:s18], [sflag:$0x3], $0x80, s26, s16, $0xb8;
	[tilespmem:$0x1E800] =	vst v63  }
0x7a: {  	_ =	swait.ge [sflag:s14], $0x4000  }
0x7b: {  	[sflag:s14] =	ssyncset.done $0x0  }
0x7c: {  	s25 =	sadd.s32 $0x180, s25;
	[sflag:s14] =	ssyncadd.s32 $0xFFFFC000  }
0x7d: {  	[tilespmem:s18], [sflag:$0x2] =	stream.indirect.gather [hbm4b:s4+s16], $0x80, s25, s16, $0xb8;
	[tilespmem:$0x1E800] =	vst v63  }
0x7e: {  	_ =	swait.ge [sflag:s19], $0x4000  }
0x7f: {  	[sflag:s19] =	ssyncset.done $0x0  }
0x80: {  	[sflag:s19] =	ssyncadd.s32 $0xFFFFC000  }
0x81: {  	[spmem:s2] =	stream.indirect.scatter.add.f32 [tilespmem:s17], [sflag:$0x3], $0x80, s21, s16, $0xb8;
	[tilespmem:$0x1E800] =	vst v63  }
0x82: {  	_ =	swait.ge [sflag:s14], $0x4000  }
0x83: {  	[sflag:s14] =	ssyncset.done $0x0  }
0x84: {  	[sflag:s14] =	ssyncadd.s32 $0xFFFFC000  }
0x85: {  	_ =	swait.ge [sflag:s20], $0x4000  }
0x86: {  	[sflag:s20] =	ssyncset.done $0x0  }
0x87: {  	[sflag:s20] =	ssyncadd.s32 $0xFFFFC000  }
0x88: {  	[spmem:s2] =	stream.indirect.scatter.add.f32 [tilespmem:s18], [sflag:$0x3], $0x80, s22, s16, $0xb8;
	[tilespmem:$0x1E800] =	vst v63  }
0x89: {  	_ =	swait.ge [sflag:s14], $0x4000  }
0x8a: {  	s23 =	sadd.s32 $0x1, s23;
	[sflag:s14] =	ssyncset.done $0x0  }
0x8b: {  	p0 =	sne.s32 s23, s12;
	[sflag:s14] =	ssyncadd.s32 $0xFFFFC000  }
.Ltmp2:
0x8c: {  	[bflag:$0x0] =	sbarrier.arrive $0xFFFF;
	(pc) =	sbr.rel @p0 .LBB2_1-.Ltmp2, $4  }
0x8d: {  	[hbm:s11], [sflag:s6] =	dma.local [spmem:s13], $0x2800  }
0x8e: {  	_ =	swait.ge [sflag:s14], $0x2800  }
0x8f: {  	[sflag:s14] =	ssyncset.done $0x0  }
0x90: {  	[sflag:s14] =	ssyncadd.s32 $0xFFFFD800  }
0x91: {  	_ =	sfence.sel $0x180000  }
0x92: {  	[bflag:$0x0] =	sbarrier.arrive $0xFFFF  }
0x93: {  	p0 =	sne.s32 s1, $0x0;
	_ =	strace $0x90000050  }
0x94: {  	s0 =	sadd.s32 @!p0 $0x100000, s0;
	[bflag:$0x2] =	sbarrier.arrive $0xFFFF  }
0x95: {  	[sflag:s0] =	ssyncadd.tile.s32 @!p0 $0x1;
	_ =	shalt  }
.Lfunc_end2:
_tile_overlayer_lowered:
.L_overlay_start_2:
0x96: {  	(tag) =	ssettag $0x2  }
0x97: {  	s0 =	rddreg [dreg:$0x0];
	s2 =	stileid.u32  }
0x98: {  	s1 =	rddreg [dreg:$0x1];
	p0 =	sne.s32 s2, $0x0  }
0x99: {  	s3 =	rddreg [dreg:$0x2];
	[bflag:$0x3] =	sbarrier.arrive $0xFFFF;
	s2 =	simm.s32 @!p0 $0x1C03  }
0x9a: {  	[timem:s3], [sflag:s2] =	dma.local @!p0 [hbm:s0], s1  }
0x9b: {  	s0 =	simm.s32 @!p0 $0x3  }
0x9c: {  	_ =	swait.ge @!p0 [sflag:s0], s1  }
0x9d: {  	s1 =	ssub.s32 @!p0 $0x0, s1;
	[sflag:s0] =	ssyncset.done @!p0 $0x0  }
0x9e: {  	[sflag:s0] =	ssyncadd.s32 @!p0 s1  }
0x9f: {  	[bflag:$0x3] =	sbarrier.arrive $0xFFFF  }
0xa0: {  	_ =	shalt  }

</sc_bundles>
